<compile_context>
chip_gen: v7x
topology: tpu7x:2x2x1
jax: 0.10.2.dev20260603
libtpu: 0.0.44.dev20260713+nightly
codegen_flags: <defaults>
</compile_context>

<pallas_src>
import functools

import jax
import jax.numpy as jnp
from jax import lax
from jax.experimental import pallas as pl
from jax.experimental.pallas import tpu as pltpu
from jax.experimental.pallas import tpu_sc as plsc

try:
    _info = plsc.get_sparse_core_info()
    _NC, _NS, _L = _info.num_cores, _info.num_subcores, _info.num_lanes
except Exception:
    _NC, _NS, _L = 2, 16, 16

_NW = _NC * _NS
_BATCH = 16384
_DIM = 128
_BPW = _BATCH // _NW
_C = 64
_NCHUNK = _BPW // _C




def _make_kernel():
    mesh = plsc.VectorSubcoreMesh(core_axis_name="c", subcore_axis_name="s")

    @functools.partial(
        pl.kernel,
        mesh=mesh,
        compiler_params=pltpu.CompilerParams(needs_layout_passes=False),
        out_type=(
            jax.ShapeDtypeStruct((_BATCH,), jnp.float32),
            jax.ShapeDtypeStruct((_BATCH,), jnp.float32),
        ),
        scratch_types=[
            pltpu.VMEM((_BPW,), jnp.int32),
            pltpu.VMEM((_BPW,), jnp.int32),
            pltpu.VMEM((_BPW,), jnp.int32),
            pltpu.VMEM((_BPW,), jnp.int32),
            pltpu.VMEM((_C, _DIM), jnp.float32),
            pltpu.VMEM((_C, _DIM), jnp.float32),
            pltpu.VMEM((_C, _DIM), jnp.float32),
            pltpu.VMEM((_C, _DIM), jnp.float32),
            pltpu.VMEM((_C, _DIM), jnp.float32),
            pltpu.VMEM((_C, _DIM), jnp.float32),
            pltpu.VMEM((_C, _DIM), jnp.float32),
            pltpu.VMEM((_C, _DIM), jnp.float32),
            pltpu.VMEM((_BPW,), jnp.float32),
            pltpu.VMEM((_BPW,), jnp.float32),
            pltpu.SemaphoreType.DMA,
            pltpu.SemaphoreType.DMA,
        ],
    )
    def transe_kernel(entity_hbm, relation_hbm, heads_hbm, rels_hbm,
                      tails_hbm, negs_hbm, pos_out, neg_out,
                      hidx, ridx, tidx, nidx,
                      hb0, rb0, tb0, nb0, hb1, rb1, tb1, nb1,
                      pos_buf, neg_buf, sem0, sem1):
        wid = lax.axis_index("s") * _NC + lax.axis_index("c")
        base = wid * _BPW
        lanes = lax.iota(jnp.int32, _L)

        pltpu.sync_copy(heads_hbm.at[pl.ds(base, _BPW)], hidx)
        pltpu.sync_copy(rels_hbm.at[pl.ds(base, _BPW)], ridx)
        pltpu.sync_copy(tails_hbm.at[pl.ds(base, _BPW)], tidx)
        pltpu.sync_copy(negs_hbm.at[pl.ds(base, _BPW)], nidx)

        bufs = ((hb0, rb0, tb0, nb0, sem0), (hb1, rb1, tb1, nb1, sem1))

        def issue(c):
            hb, rb, tb, nb, sem = bufs[c % 2]
            cb = c * _C
            return (
                pltpu.async_copy(entity_hbm.at[hidx.at[pl.ds(cb, _C)]],
                                 hb, sem),
                pltpu.async_copy(relation_hbm.at[ridx.at[pl.ds(cb, _C)]],
                                 rb, sem),
                pltpu.async_copy(entity_hbm.at[tidx.at[pl.ds(cb, _C)]],
                                 tb, sem),
                pltpu.async_copy(entity_hbm.at[nidx.at[pl.ds(cb, _C)]],
                                 nb, sem),
            )

        last = lanes == (_L - 1)

        pending = issue(0)
        for c in range(_NCHUNK):
            nxt = issue(c + 1) if c + 1 < _NCHUNK else None
            for cp in pending:
                cp.wait()
            hb, rb, tb, nb, _ = bufs[c % 2]
            cb = c * _C

            def body(i, carry):
                accp = jnp.zeros((_L,), jnp.float32)
                accn = jnp.zeros((_L,), jnp.float32)
                for j in range(_DIM // _L):
                    sl = pl.ds(j * _L, _L)
                    hr = hb[i, sl] + rb[i, sl]
                    accp = accp + jnp.abs(hr - tb[i, sl])
                    accn = accn + jnp.abs(hr - nb[i, sl])
                out_idx = jnp.full((_L,), cb + i, jnp.int32)
                plsc.store_scatter(pos_buf, [out_idx], plsc.cumsum(accp),
                                   mask=last)
                plsc.store_scatter(neg_buf, [out_idx], plsc.cumsum(accn),
                                   mask=last)
                return carry

            lax.fori_loop(0, _C, body, 0)
            pending = nxt

        pltpu.sync_copy(pos_buf, pos_out.at[pl.ds(base, _BPW)])
        pltpu.sync_copy(neg_buf, neg_out.at[pl.ds(base, _BPW)])

    return transe_kernel


_transe = _make_kernel()


def kernel(entity_emb, relation_emb, heads, relations, tails, negative_tails):
    heads = heads.astype(jnp.int32)
    relations = relations.astype(jnp.int32)
    tails = tails.astype(jnp.int32)
    negative_tails = negative_tails.astype(jnp.int32)
    pos, neg = _transe(entity_emb, relation_emb, heads, relations,
                       tails, negative_tails)
    return (pos, neg)

# --- scband reference (transcript-rebuilt; emitter-appended) ---
"""Pipeline reference for scband-trans-e-68255620268349 (READ-ONLY COPY).

The authoritative reference and input builder live on the scoring server;
editing this copy changes nothing except your own understanding.
"""

import jax, jax.numpy as jnp
import numpy as np

NUM_ENTITIES = 100000
NUM_RELATIONS = 1000
EMBED_DIM = 128
BATCH = 16384


def setup_inputs(seed: int = 0) -> dict:
    key = jax.random.key(seed)
    k1, k2, k3, k4, k5, k6 = jax.random.split(key, 6)
    # embedding_range = (gamma_init + epsilon) / embedding_dim = (9.0 + 2.0) / 128
    emb_range = (9.0 + 2.0) / EMBED_DIM
    entity_emb = jax.random.uniform(
        k1, (NUM_ENTITIES, EMBED_DIM), dtype=jnp.float32,
        minval=-emb_range, maxval=emb_range)
    # TransE init normalizes entity embeddings to unit L2 norm (p=2, dim=1)
    entity_emb = entity_emb / jnp.linalg.norm(entity_emb, axis=1, keepdims=True)
    relation_emb = jax.random.uniform(
        k2, (NUM_RELATIONS, EMBED_DIM), dtype=jnp.float32,
        minval=-emb_range, maxval=emb_range)
    heads = jax.random.randint(k3, (BATCH,), 0, NUM_ENTITIES, dtype=jnp.int32).astype(jnp.int64)
    relations = jax.random.randint(k4, (BATCH,), 0, NUM_RELATIONS, dtype=jnp.int32).astype(jnp.int64)
    tails = jax.random.randint(k5, (BATCH,), 0, NUM_ENTITIES, dtype=jnp.int32).astype(jnp.int64)
    negative_tails = jax.random.randint(k6, (BATCH,), 0, NUM_ENTITIES, dtype=jnp.int32).astype(jnp.int64)
    return {
        "entity_emb": entity_emb,
        "relation_emb": relation_emb,
        "heads": heads,
        "relations": relations,
        "tails": tails,
        "negative_tails": negative_tails,
    }


def reference(entity_emb, relation_emb, heads, relations, tails, negative_tails):
    # embedding lookups (gather)
    h = jnp.take(entity_emb, heads, axis=0)
    r = jnp.take(relation_emb, relations, axis=0)
    t = jnp.take(entity_emb, tails, axis=0)
    # positive score: L1 norm of (h + r - t), norm=1
    score = h + r - t
    positive_distance = jnp.sum(jnp.abs(score), axis=1)
    # negative score
    neg_t = jnp.take(entity_emb, negative_tails, axis=0)
    neg_score = h + r - neg_t
    negative_distance = jnp.sum(jnp.abs(neg_score), axis=1)
    return (positive_distance, negative_distance)

if __name__ == "__main__":
    import jax
    _d = setup_inputs()
    print(jax.jit(kernel)(*tuple(_d.values())))

</pallas_src>

<mosaic_0001>
#map = affine_map<(d0, d1) -> (0, 0)>
#map1 = affine_map<(d0, d1) -> (0)>
module attributes {stable_mosaic.version = 14 : i64} {
  func.func @transe_kernel(%arg0: i32, %arg1: i32, %arg2: memref<100000x128xf32, #tpu.memory_space<hbm>>, %arg3: memref<1000x128xf32, #tpu.memory_space<hbm>>, %arg4: memref<16384xi32, #tpu.memory_space<hbm>>, %arg5: memref<16384xi32, #tpu.memory_space<hbm>>, %arg6: memref<16384xi32, #tpu.memory_space<hbm>>, %arg7: memref<16384xi32, #tpu.memory_space<hbm>>, %arg8: memref<16384xf32, #tpu.memory_space<hbm>>, %arg9: memref<16384xf32, #tpu.memory_space<hbm>>, %arg10: memref<512xi32, #tpu.memory_space<vmem>>, %arg11: memref<512xi32, #tpu.memory_space<vmem>>, %arg12: memref<512xi32, #tpu.memory_space<vmem>>, %arg13: memref<512xi32, #tpu.memory_space<vmem>>, %arg14: memref<64x128xf32, #tpu.memory_space<vmem>>, %arg15: memref<64x128xf32, #tpu.memory_space<vmem>>, %arg16: memref<64x128xf32, #tpu.memory_space<vmem>>, %arg17: memref<64x128xf32, #tpu.memory_space<vmem>>, %arg18: memref<64x128xf32, #tpu.memory_space<vmem>>, %arg19: memref<64x128xf32, #tpu.memory_space<vmem>>, %arg20: memref<64x128xf32, #tpu.memory_space<vmem>>, %arg21: memref<64x128xf32, #tpu.memory_space<vmem>>, %arg22: memref<512xf32, #tpu.memory_space<vmem>>, %arg23: memref<512xf32, #tpu.memory_space<vmem>>, %arg24: memref<!tpu.dma_semaphore, #tpu.memory_space<semaphore_mem>>, %arg25: memref<!tpu.dma_semaphore, #tpu.memory_space<semaphore_mem>>) attributes {dimension_semantics = [#tpu.dimension_semantics<core_parallel>, #tpu.dimension_semantics<subcore_parallel>], iteration_bounds = array<i64: 2, 16>, scalar_prefetch = 0 : i64, scratch_operands = 16 : i64, tpu.core_type = #tpu.core_type<sc_vector_subcore>, window_params = [{transform_indices = #map}, {transform_indices = #map}, {transform_indices = #map1}, {transform_indices = #map1}, {transform_indices = #map1}, {transform_indices = #map1}, {transform_indices = #map1}, {transform_indices = #map1}]} {
    %mul3A = arith.constant 2 : i32
    %mul3A_0 = arith.muli %arg1, %mul3A : i32
    %add3A = arith.addi %mul3A_0, %arg0 : i32
    %mul3A_1 = arith.constant 512 : i32
    %mul3A_2 = arith.muli %add3A, %mul3A_1 : i32
    %iota3A = tpu.iota {dimensions = array<i32: 0>} : vector<16xi32>
    "tpu.region"() ({
      %run_scoped3A = tpu.sem_alloc : memref<!tpu.dma_semaphore, #tpu.memory_space<semaphore_mem>>
      %dma_start3A_370 = tpu.memref_slice %arg4[%mul3A_2] : memref<16384xi32, #tpu.memory_space<hbm>> -> memref<512xi32, #tpu.memory_space<hbm>>
      %dma_start3A_371 = tpu.memref_slice %arg4[%mul3A_2] : memref<16384xi32, #tpu.memory_space<hbm>> -> memref<512xi32, #tpu.memory_space<hbm>>
      tpu.enqueue_dma source(%dma_start3A_371 : memref<512xi32, #tpu.memory_space<hbm>>) target(%arg10 : memref<512xi32, #tpu.memory_space<vmem>>) target_semaphore(%run_scoped3A : memref<!tpu.dma_semaphore, #tpu.memory_space<semaphore_mem>>)
      %dma_wait3A_372 = tpu.memref_slice %arg4[%mul3A_2] : memref<16384xi32, #tpu.memory_space<hbm>> -> memref<512xi32, #tpu.memory_space<hbm>>
      %dma_wait3A_373 = tpu.memref_slice %arg4[%mul3A_2] : memref<16384xi32, #tpu.memory_space<hbm>> -> memref<512xi32, #tpu.memory_space<hbm>>
      tpu.wait_dma2 semaphore(%run_scoped3A : memref<!tpu.dma_semaphore, #tpu.memory_space<semaphore_mem>>) src(%dma_wait3A_373 : memref<512xi32, #tpu.memory_space<hbm>>) dst(%arg10 : memref<512xi32, #tpu.memory_space<vmem>>)
      tpu.yield
    }) : () -> ()
    "tpu.region"() ({
      %run_scoped3A = tpu.sem_alloc : memref<!tpu.dma_semaphore, #tpu.memory_space<semaphore_mem>>
      %dma_start3A_370 = tpu.memref_slice %arg5[%mul3A_2] : memref<16384xi32, #tpu.memory_space<hbm>> -> memref<512xi32, #tpu.memory_space<hbm>>
      %dma_start3A_371 = tpu.memref_slice %arg5[%mul3A_2] : memref<16384xi32, #tpu.memory_space<hbm>> -> memref<512xi32, #tpu.memory_space<hbm>>
      tpu.enqueue_dma source(%dma_start3A_371 : memref<512xi32, #tpu.memory_space<hbm>>) target(%arg11 : memref<512xi32, #tpu.memory_space<vmem>>) target_semaphore(%run_scoped3A : memref<!tpu.dma_semaphore, #tpu.memory_space<semaphore_mem>>)
      %dma_wait3A_372 = tpu.memref_slice %arg5[%mul3A_2] : memref<16384xi32, #tpu.memory_space<hbm>> -> memref<512xi32, #tpu.memory_space<hbm>>
      %dma_wait3A_373 = tpu.memref_slice %arg5[%mul3A_2] : memref<16384xi32, #tpu.memory_space<hbm>> -> memref<512xi32, #tpu.memory_space<hbm>>
      tpu.wait_dma2 semaphore(%run_scoped3A : memref<!tpu.dma_semaphore, #tpu.memory_space<semaphore_mem>>) src(%dma_wait3A_373 : memref<512xi32, #tpu.memory_space<hbm>>) dst(%arg11 : memref<512xi32, #tpu.memory_space<vmem>>)
      tpu.yield
    }) : () -> ()
    "tpu.region"() ({
      %run_scoped3A = tpu.sem_alloc : memref<!tpu.dma_semaphore, #tpu.memory_space<semaphore_mem>>
      %dma_start3A_370 = tpu.memref_slice %arg6[%mul3A_2] : memref<16384xi32, #tpu.memory_space<hbm>> -> memref<512xi32, #tpu.memory_space<hbm>>
      %dma_start3A_371 = tpu.memref_slice %arg6[%mul3A_2] : memref<16384xi32, #tpu.memory_space<hbm>> -> memref<512xi32, #tpu.memory_space<hbm>>
      tpu.enqueue_dma source(%dma_start3A_371 : memref<512xi32, #tpu.memory_space<hbm>>) target(%arg12 : memref<512xi32, #tpu.memory_space<vmem>>) target_semaphore(%run_scoped3A : memref<!tpu.dma_semaphore, #tpu.memory_space<semaphore_mem>>)
      %dma_wait3A_372 = tpu.memref_slice %arg6[%mul3A_2] : memref<16384xi32, #tpu.memory_space<hbm>> -> memref<512xi32, #tpu.memory_space<hbm>>
      %dma_wait3A_373 = tpu.memref_slice %arg6[%mul3A_2] : memref<16384xi32, #tpu.memory_space<hbm>> -> memref<512xi32, #tpu.memory_space<hbm>>
      tpu.wait_dma2 semaphore(%run_scoped3A : memref<!tpu.dma_semaphore, #tpu.memory_space<semaphore_mem>>) src(%dma_wait3A_373 : memref<512xi32, #tpu.memory_space<hbm>>) dst(%arg12 : memref<512xi32, #tpu.memory_space<vmem>>)
      tpu.yield
    }) : () -> ()
    "tpu.region"() ({
      %run_scoped3A = tpu.sem_alloc : memref<!tpu.dma_semaphore, #tpu.memory_space<semaphore_mem>>
      %dma_start3A_370 = tpu.memref_slice %arg7[%mul3A_2] : memref<16384xi32, #tpu.memory_space<hbm>> -> memref<512xi32, #tpu.memory_space<hbm>>
      %dma_start3A_371 = tpu.memref_slice %arg7[%mul3A_2] : memref<16384xi32, #tpu.memory_space<hbm>> -> memref<512xi32, #tpu.memory_space<hbm>>
      tpu.enqueue_dma source(%dma_start3A_371 : memref<512xi32, #tpu.memory_space<hbm>>) target(%arg13 : memref<512xi32, #tpu.memory_space<vmem>>) target_semaphore(%run_scoped3A : memref<!tpu.dma_semaphore, #tpu.memory_space<semaphore_mem>>)
      %dma_wait3A_372 = tpu.memref_slice %arg7[%mul3A_2] : memref<16384xi32, #tpu.memory_space<hbm>> -> memref<512xi32, #tpu.memory_space<hbm>>
      %dma_wait3A_373 = tpu.memref_slice %arg7[%mul3A_2] : memref<16384xi32, #tpu.memory_space<hbm>> -> memref<512xi32, #tpu.memory_space<hbm>>
      tpu.wait_dma2 semaphore(%run_scoped3A : memref<!tpu.dma_semaphore, #tpu.memory_space<semaphore_mem>>) src(%dma_wait3A_373 : memref<512xi32, #tpu.memory_space<hbm>>) dst(%arg13 : memref<512xi32, #tpu.memory_space<vmem>>)
      tpu.yield
    }) : () -> ()
    %eq3A = arith.constant 15 : i32
    %eq3A_3 = vector.broadcast %eq3A : i32 to vector<16xi32>
    %eq3A_4 = arith.cmpi eq, %iota3A, %eq3A_3 : vector<16xi32>
    %dma_start3A = arith.constant 0 : i32
    %dma_start3A_5 = tpu.memref_slice %arg10[%dma_start3A] : memref<512xi32, #tpu.memory_space<vmem>> -> memref<64xi32, #tpu.memory_space<vmem>>
    %dma_start3A_6 = arith.constant 0 : i32
    %dma_start3A_7 = arith.constant 0 : i32
    %dma_start3A_8 = tpu.memref_slice %arg2[%dma_start3A_6, %dma_start3A_7] : memref<100000x128xf32, #tpu.memory_space<hbm>> -> memref<100000x128xf32, #tpu.memory_space<hbm>>
    tpu.enqueue_indirect_dma source(%dma_start3A_8 : memref<100000x128xf32, #tpu.memory_space<hbm>>) target(%arg14 : memref<64x128xf32, #tpu.memory_space<vmem>>) offsets(%dma_start3A_5 : memref<64xi32, #tpu.memory_space<vmem>>) semaphore(%arg24 : memref<!tpu.dma_semaphore, #tpu.memory_space<semaphore_mem>>)
    %dma_start3A_9 = arith.constant 0 : i32
    %dma_start3A_10 = tpu.memref_slice %arg11[%dma_start3A_9] : memref<512xi32, #tpu.memory_space<vmem>> -> memref<64xi32, #tpu.memory_space<vmem>>
    %dma_start3A_11 = arith.constant 0 : i32
    %dma_start3A_12 = arith.constant 0 : i32
    %dma_start3A_13 = tpu.memref_slice %arg3[%dma_start3A_11, %dma_start3A_12] : memref<1000x128xf32, #tpu.memory_space<hbm>> -> memref<1000x128xf32, #tpu.memory_space<hbm>>
    tpu.enqueue_indirect_dma source(%dma_start3A_13 : memref<1000x128xf32, #tpu.memory_space<hbm>>) target(%arg15 : memref<64x128xf32, #tpu.memory_space<vmem>>) offsets(%dma_start3A_10 : memref<64xi32, #tpu.memory_space<vmem>>) semaphore(%arg24 : memref<!tpu.dma_semaphore, #tpu.memory_space<semaphore_mem>>)
    %dma_start3A_14 = arith.constant 0 : i32
    %dma_start3A_15 = tpu.memref_slice %arg12[%dma_start3A_14] : memref<512xi32, #tpu.memory_space<vmem>> -> memref<64xi32, #tpu.memory_space<vmem>>
    %dma_start3A_16 = arith.constant 0 : i32
    %dma_start3A_17 = arith.constant 0 : i32
    %dma_start3A_18 = tpu.memref_slice %arg2[%dma_start3A_16, %dma_start3A_17] : memref<100000x128xf32, #tpu.memory_space<hbm>> -> memref<100000x128xf32, #tpu.memory_space<hbm>>
    tpu.enqueue_indirect_dma source(%dma_start3A_18 : memref<100000x128xf32, #tpu.memory_space<hbm>>) target(%arg16 : memref<64x128xf32, #tpu.memory_space<vmem>>) offsets(%dma_start3A_15 : memref<64xi32, #tpu.memory_space<vmem>>) semaphore(%arg24 : memref<!tpu.dma_semaphore, #tpu.memory_space<semaphore_mem>>)
    %dma_start3A_19 = arith.constant 0 : i32
    %dma_start3A_20 = tpu.memref_slice %arg13[%dma_start3A_19] : memref<512xi32, #tpu.memory_space<vmem>> -> memref<64xi32, #tpu.memory_space<vmem>>
    %dma_start3A_21 = arith.constant 0 : i32
    %dma_start3A_22 = arith.constant 0 : i32
    %dma_start3A_23 = tpu.memref_slice %arg2[%dma_start3A_21, %dma_start3A_22] : memref<100000x128xf32, #tpu.memory_space<hbm>> -> memref<100000x128xf32, #tpu.memory_space<hbm>>
    tpu.enqueue_indirect_dma source(%dma_start3A_23 : memref<100000x128xf32, #tpu.memory_space<hbm>>) target(%arg17 : memref<64x128xf32, #tpu.memory_space<vmem>>) offsets(%dma_start3A_20 : memref<64xi32, #tpu.memory_space<vmem>>) semaphore(%arg24 : memref<!tpu.dma_semaphore, #tpu.memory_space<semaphore_mem>>)
    %dma_start3A_24 = arith.constant 64 : i32
    %dma_start3A_25 = tpu.memref_slice %arg10[%dma_start3A_24] : memref<512xi32, #tpu.memory_space<vmem>> -> memref<64xi32, #tpu.memory_space<vmem>>
    %dma_start3A_26 = arith.constant 0 : i32
    %dma_start3A_27 = arith.constant 0 : i32
    %dma_start3A_28 = tpu.memref_slice %arg2[%dma_start3A_26, %dma_start3A_27] : memref<100000x128xf32, #tpu.memory_space<hbm>> -> memref<100000x128xf32, #tpu.memory_space<hbm>>
    tpu.enqueue_indirect_dma source(%dma_start3A_28 : memref<100000x128xf32, #tpu.memory_space<hbm>>) target(%arg18 : memref<64x128xf32, #tpu.memory_space<vmem>>) offsets(%dma_start3A_25 : memref<64xi32, #tpu.memory_space<vmem>>) semaphore(%arg25 : memref<!tpu.dma_semaphore, #tpu.memory_space<semaphore_mem>>)
    %dma_start3A_29 = arith.constant 64 : i32
    %dma_start3A_30 = tpu.memref_slice %arg11[%dma_start3A_29] : memref<512xi32, #tpu.memory_space<vmem>> -> memref<64xi32, #tpu.memory_space<vmem>>
    %dma_start3A_31 = arith.constant 0 : i32
    %dma_start3A_32 = arith.constant 0 : i32
    %dma_start3A_33 = tpu.memref_slice %arg3[%dma_start3A_31, %dma_start3A_32] : memref<1000x128xf32, #tpu.memory_space<hbm>> -> memref<1000x128xf32, #tpu.memory_space<hbm>>
    tpu.enqueue_indirect_dma source(%dma_start3A_33 : memref<1000x128xf32, #tpu.memory_space<hbm>>) target(%arg19 : memref<64x128xf32, #tpu.memory_space<vmem>>) offsets(%dma_start3A_30 : memref<64xi32, #tpu.memory_space<vmem>>) semaphore(%arg25 : memref<!tpu.dma_semaphore, #tpu.memory_space<semaphore_mem>>)
    %dma_start3A_34 = arith.constant 64 : i32
    %dma_start3A_35 = tpu.memref_slice %arg12[%dma_start3A_34] : memref<512xi32, #tpu.memory_space<vmem>> -> memref<64xi32, #tpu.memory_space<vmem>>
    %dma_start3A_36 = arith.constant 0 : i32
    %dma_start3A_37 = arith.constant 0 : i32
    %dma_start3A_38 = tpu.memref_slice %arg2[%dma_start3A_36, %dma_start3A_37] : memref<100000x128xf32, #tpu.memory_space<hbm>> -> memref<100000x128xf32, #tpu.memory_space<hbm>>
    tpu.enqueue_indirect_dma source(%dma_start3A_38 : memref<100000x128xf32, #tpu.memory_space<hbm>>) target(%arg20 : memref<64x128xf32, #tpu.memory_space<vmem>>) offsets(%dma_start3A_35 : memref<64xi32, #tpu.memory_space<vmem>>) semaphore(%arg25 : memref<!tpu.dma_semaphore, #tpu.memory_space<semaphore_mem>>)
    %dma_start3A_39 = arith.constant 64 : i32
    %dma_start3A_40 = tpu.memref_slice %arg13[%dma_start3A_39] : memref<512xi32, #tpu.memory_space<vmem>> -> memref<64xi32, #tpu.memory_space<vmem>>
    %dma_start3A_41 = arith.constant 0 : i32
    %dma_start3A_42 = arith.constant 0 : i32
    %dma_start3A_43 = tpu.memref_slice %arg2[%dma_start3A_41, %dma_start3A_42] : memref<100000x128xf32, #tpu.memory_space<hbm>> -> memref<100000x128xf32, #tpu.memory_space<hbm>>
    tpu.enqueue_indirect_dma source(%dma_start3A_43 : memref<100000x128xf32, #tpu.memory_space<hbm>>) target(%arg21 : memref<64x128xf32, #tpu.memory_space<vmem>>) offsets(%dma_start3A_40 : memref<64xi32, #tpu.memory_space<vmem>>) semaphore(%arg25 : memref<!tpu.dma_semaphore, #tpu.memory_space<semaphore_mem>>)
    %dma_wait3A = arith.constant 0 : i32
    %dma_wait3A_44 = tpu.memref_slice %arg10[%dma_wait3A] : memref<512xi32, #tpu.memory_space<vmem>> -> memref<64xi32, #tpu.memory_space<vmem>>
    %dma_wait3A_45 = arith.constant 0 : i32
    %dma_wait3A_46 = arith.constant 0 : i32
    %dma_wait3A_47 = tpu.memref_slice %arg2[%dma_wait3A_45, %dma_wait3A_46] : memref<100000x128xf32, #tpu.memory_space<hbm>> -> memref<100000x128xf32, #tpu.memory_space<hbm>>
    tpu.wait_indirect_dma semaphore(%arg24 : memref<!tpu.dma_semaphore, #tpu.memory_space<semaphore_mem>>) src(%dma_wait3A_47 : memref<100000x128xf32, #tpu.memory_space<hbm>>) dst(%arg14 : memref<64x128xf32, #tpu.memory_space<vmem>>)
    %dma_wait3A_48 = arith.constant 0 : i32
    %dma_wait3A_49 = tpu.memref_slice %arg11[%dma_wait3A_48] : memref<512xi32, #tpu.memory_space<vmem>> -> memref<64xi32, #tpu.memory_space<vmem>>
    %dma_wait3A_50 = arith.constant 0 : i32
    %dma_wait3A_51 = arith.constant 0 : i32
    %dma_wait3A_52 = tpu.memref_slice %arg3[%dma_wait3A_50, %dma_wait3A_51] : memref<1000x128xf32, #tpu.memory_space<hbm>> -> memref<1000x128xf32, #tpu.memory_space<hbm>>
    tpu.wait_indirect_dma semaphore(%arg24 : memref<!tpu.dma_semaphore, #tpu.memory_space<semaphore_mem>>) src(%dma_wait3A_52 : memref<1000x128xf32, #tpu.memory_space<hbm>>) dst(%arg15 : memref<64x128xf32, #tpu.memory_space<vmem>>)
    %dma_wait3A_53 = arith.constant 0 : i32
    %dma_wait3A_54 = tpu.memref_slice %arg12[%dma_wait3A_53] : memref<512xi32, #tpu.memory_space<vmem>> -> memref<64xi32, #tpu.memory_space<vmem>>
    %dma_wait3A_55 = arith.constant 0 : i32
    %dma_wait3A_56 = arith.constant 0 : i32
    %dma_wait3A_57 = tpu.memref_slice %arg2[%dma_wait3A_55, %dma_wait3A_56] : memref<100000x128xf32, #tpu.memory_space<hbm>> -> memref<100000x128xf32, #tpu.memory_space<hbm>>
    tpu.wait_indirect_dma semaphore(%arg24 : memref<!tpu.dma_semaphore, #tpu.memory_space<semaphore_mem>>) src(%dma_wait3A_57 : memref<100000x128xf32, #tpu.memory_space<hbm>>) dst(%arg16 : memref<64x128xf32, #tpu.memory_space<vmem>>)
    %dma_wait3A_58 = arith.constant 0 : i32
    %dma_wait3A_59 = tpu.memref_slice %arg13[%dma_wait3A_58] : memref<512xi32, #tpu.memory_space<vmem>> -> memref<64xi32, #tpu.memory_space<vmem>>
    %dma_wait3A_60 = arith.constant 0 : i32
    %dma_wait3A_61 = arith.constant 0 : i32
    %dma_wait3A_62 = tpu.memref_slice %arg2[%dma_wait3A_60, %dma_wait3A_61] : memref<100000x128xf32, #tpu.memory_space<hbm>> -> memref<100000x128xf32, #tpu.memory_space<hbm>>
    tpu.wait_indirect_dma semaphore(%arg24 : memref<!tpu.dma_semaphore, #tpu.memory_space<semaphore_mem>>) src(%dma_wait3A_62 : memref<100000x128xf32, #tpu.memory_space<hbm>>) dst(%arg17 : memref<64x128xf32, #tpu.memory_space<vmem>>)
    %scan3A = arith.constant 0 : i32
    %scan3A_63 = arith.constant 0 : i32
    %scan3A_64 = arith.constant 64 : i32
    %scan3A_65 = arith.addi %scan3A_63, %scan3A_64 : i32
    %scan3A_66 = arith.constant 1 : i32
    scf.for %scan3A_370 = %scan3A_63 to %scan3A_65 step %scan3A_66  : i32 {
      %broadcast_in_dim3A = arith.constant 0.000000e+00 : f32
      %broadcast_in_dim3A_371 = vector.broadcast %broadcast_in_dim3A : f32 to vector<16xf32>
      %broadcast_in_dim3A_372 = arith.constant 0.000000e+00 : f32
      %broadcast_in_dim3A_373 = vector.broadcast %broadcast_in_dim3A_372 : f32 to vector<16xf32>
      %get3A = arith.index_cast %scan3A_370 : i32 to index
      %get3A_374 = arith.constant 0 : index
      %get3A_375 = tpu.vector_load %arg14[%get3A, %get3A_374] {strides = array<i32>} : memref<64x128xf32, #tpu.memory_space<vmem>>, vector<16xf32>,
      %get3A_376 = arith.index_cast %scan3A_370 : i32 to index
      %get3A_377 = arith.constant 0 : index
      %get3A_378 = tpu.vector_load %arg15[%get3A_376, %get3A_377] {strides = array<i32>} : memref<64x128xf32, #tpu.memory_space<vmem>>, vector<16xf32>,
      %add3A_379 = arith.addf %get3A_375, %get3A_378 : vector<16xf32>
      %get3A_380 = arith.index_cast %scan3A_370 : i32 to index
      %get3A_381 = arith.constant 0 : index
      %get3A_382 = tpu.vector_load %arg16[%get3A_380, %get3A_381] {strides = array<i32>} : memref<64x128xf32, #tpu.memory_space<vmem>>, vector<16xf32>,
      %sub3A = arith.subf %add3A_379, %get3A_382 : vector<16xf32>
      %abs3A = math.absf %sub3A : vector<16xf32>
      %add3A_383 = arith.addf %broadcast_in_dim3A_371, %abs3A : vector<16xf32>
      %get3A_384 = arith.index_cast %scan3A_370 : i32 to index
      %get3A_385 = arith.constant 0 : index
      %get3A_386 = tpu.vector_load %arg17[%get3A_384, %get3A_385] {strides = array<i32>} : memref<64x128xf32, #tpu.memory_space<vmem>>, vector<16xf32>,
      %sub3A_387 = arith.subf %add3A_379, %get3A_386 : vector<16xf32>
      %abs3A_388 = math.absf %sub3A_387 : vector<16xf32>
      %add3A_389 = arith.addf %broadcast_in_dim3A_373, %abs3A_388 : vector<16xf32>
      %get3A_390 = arith.index_cast %scan3A_370 : i32 to index
      %get3A_391 = arith.constant 16 : index
      %get3A_392 = tpu.vector_load %arg14[%get3A_390, %get3A_391] {strides = array<i32>} : memref<64x128xf32, #tpu.memory_space<vmem>>, vector<16xf32>,
      %get3A_393 = arith.index_cast %scan3A_370 : i32 to index
      %get3A_394 = arith.constant 16 : index
      %get3A_395 = tpu.vector_load %arg15[%get3A_393, %get3A_394] {strides = array<i32>} : memref<64x128xf32, #tpu.memory_space<vmem>>, vector<16xf32>,
      %add3A_396 = arith.addf %get3A_392, %get3A_395 : vector<16xf32>
      %get3A_397 = arith.index_cast %scan3A_370 : i32 to index
      %get3A_398 = arith.constant 16 : index
      %get3A_399 = tpu.vector_load %arg16[%get3A_397, %get3A_398] {strides = array<i32>} : memref<64x128xf32, #tpu.memory_space<vmem>>, vector<16xf32>,
      %sub3A_400 = arith.subf %add3A_396, %get3A_399 : vector<16xf32>
      %abs3A_401 = math.absf %sub3A_400 : vector<16xf32>
      %add3A_402 = arith.addf %add3A_383, %abs3A_401 : vector<16xf32>
      %get3A_403 = arith.index_cast %scan3A_370 : i32 to index
      %get3A_404 = arith.constant 16 : index
      %get3A_405 = tpu.vector_load %arg17[%get3A_403, %get3A_404] {strides = array<i32>} : memref<64x128xf32, #tpu.memory_space<vmem>>, vector<16xf32>,
      %sub3A_406 = arith.subf %add3A_396, %get3A_405 : vector<16xf32>
      %abs3A_407 = math.absf %sub3A_406 : vector<16xf32>
      %add3A_408 = arith.addf %add3A_389, %abs3A_407 : vector<16xf32>
      %get3A_409 = arith.index_cast %scan3A_370 : i32 to index
      %get3A_410 = arith.constant 32 : index
      %get3A_411 = tpu.vector_load %arg14[%get3A_409, %get3A_410] {strides = array<i32>} : memref<64x128xf32, #tpu.memory_space<vmem>>, vector<16xf32>,
      %get3A_412 = arith.index_cast %scan3A_370 : i32 to index
      %get3A_413 = arith.constant 32 : index
      %get3A_414 = tpu.vector_load %arg15[%get3A_412, %get3A_413] {strides = array<i32>} : memref<64x128xf32, #tpu.memory_space<vmem>>, vector<16xf32>,
      %add3A_415 = arith.addf %get3A_411, %get3A_414 : vector<16xf32>
      %get3A_416 = arith.index_cast %scan3A_370 : i32 to index
      %get3A_417 = arith.constant 32 : index
      %get3A_418 = tpu.vector_load %arg16[%get3A_416, %get3A_417] {strides = array<i32>} : memref<64x128xf32, #tpu.memory_space<vmem>>, vector<16xf32>,
      %sub3A_419 = arith.subf %add3A_415, %get3A_418 : vector<16xf32>
      %abs3A_420 = math.absf %sub3A_419 : vector<16xf32>
      %add3A_421 = arith.addf %add3A_402, %abs3A_420 : vector<16xf32>
      %get3A_422 = arith.index_cast %scan3A_370 : i32 to index
      %get3A_423 = arith.constant 32 : index
      %get3A_424 = tpu.vector_load %arg17[%get3A_422, %get3A_423] {strides = array<i32>} : memref<64x128xf32, #tpu.memory_space<vmem>>, vector<16xf32>,
      %sub3A_425 = arith.subf %add3A_415, %get3A_424 : vector<16xf32>
      %abs3A_426 = math.absf %sub3A_425 : vector<16xf32>
      %add3A_427 = arith.addf %add3A_408, %abs3A_426 : vector<16xf32>
      %get3A_428 = arith.index_cast %scan3A_370 : i32 to index
      %get3A_429 = arith.constant 48 : index
      %get3A_430 = tpu.vector_load %arg14[%get3A_428, %get3A_429] {strides = array<i32>} : memref<64x128xf32, #tpu.memory_space<vmem>>, vector<16xf32>,
      %get3A_431 = arith.index_cast %scan3A_370 : i32 to index
      %get3A_432 = arith.constant 48 : index
      %get3A_433 = tpu.vector_load %arg15[%get3A_431, %get3A_432] {strides = array<i32>} : memref<64x128xf32, #tpu.memory_space<vmem>>, vector<16xf32>,
      %add3A_434 = arith.addf %get3A_430, %get3A_433 : vector<16xf32>
      %get3A_435 = arith.index_cast %scan3A_370 : i32 to index
      %get3A_436 = arith.constant 48 : index
      %get3A_437 = tpu.vector_load %arg16[%get3A_435, %get3A_436] {strides = array<i32>} : memref<64x128xf32, #tpu.memory_space<vmem>>, vector<16xf32>,
      %sub3A_438 = arith.subf %add3A_434, %get3A_437 : vector<16xf32>
      %abs3A_439 = math.absf %sub3A_438 : vector<16xf32>
      %add3A_440 = arith.addf %add3A_421, %abs3A_439 : vector<16xf32>
      %get3A_441 = arith.index_cast %scan3A_370 : i32 to index
      %get3A_442 = arith.constant 48 : index
      %get3A_443 = tpu.vector_load %arg17[%get3A_441, %get3A_442] {strides = array<i32>} : memref<64x128xf32, #tpu.memory_space<vmem>>, vector<16xf32>,
      %sub3A_444 = arith.subf %add3A_434, %get3A_443 : vector<16xf32>
      %abs3A_445 = math.absf %sub3A_444 : vector<16xf32>
      %add3A_446 = arith.addf %add3A_427, %abs3A_445 : vector<16xf32>
      %get3A_447 = arith.index_cast %scan3A_370 : i32 to index
      %get3A_448 = arith.constant 64 : index
      %get3A_449 = tpu.vector_load %arg14[%get3A_447, %get3A_448] {strides = array<i32>} : memref<64x128xf32, #tpu.memory_space<vmem>>, vector<16xf32>,
      %get3A_450 = arith.index_cast %scan3A_370 : i32 to index
      %get3A_451 = arith.constant 64 : index
      %get3A_452 = tpu.vector_load %arg15[%get3A_450, %get3A_451] {strides = array<i32>} : memref<64x128xf32, #tpu.memory_space<vmem>>, vector<16xf32>,
      %add3A_453 = arith.addf %get3A_449, %get3A_452 : vector<16xf32>
      %get3A_454 = arith.index_cast %scan3A_370 : i32 to index
      %get3A_455 = arith.constant 64 : index
      %get3A_456 = tpu.vector_load %arg16[%get3A_454, %get3A_455] {strides = array<i32>} : memref<64x128xf32, #tpu.memory_space<vmem>>, vector<16xf32>,
      %sub3A_457 = arith.subf %add3A_453, %get3A_456 : vector<16xf32>
      %abs3A_458 = math.absf %sub3A_457 : vector<16xf32>
      %add3A_459 = arith.addf %add3A_440, %abs3A_458 : vector<16xf32>
      %get3A_460 = arith.index_cast %scan3A_370 : i32 to index
      %get3A_461 = arith.constant 64 : index
      %get3A_462 = tpu.vector_load %arg17[%get3A_460, %get3A_461] {strides = array<i32>} : memref<64x128xf32, #tpu.memory_space<vmem>>, vector<16xf32>,
      %sub3A_463 = arith.subf %add3A_453, %get3A_462 : vector<16xf32>
      %abs3A_464 = math.absf %sub3A_463 : vector<16xf32>
      %add3A_465 = arith.addf %add3A_446, %abs3A_464 : vector<16xf32>
      %get3A_466 = arith.index_cast %scan3A_370 : i32 to index
      %get3A_467 = arith.constant 80 : index
      %get3A_468 = tpu.vector_load %arg14[%get3A_466, %get3A_467] {strides = array<i32>} : memref<64x128xf32, #tpu.memory_space<vmem>>, vector<16xf32>,
      %get3A_469 = arith.index_cast %scan3A_370 : i32 to index
      %get3A_470 = arith.constant 80 : index
      %get3A_471 = tpu.vector_load %arg15[%get3A_469, %get3A_470] {strides = array<i32>} : memref<64x128xf32, #tpu.memory_space<vmem>>, vector<16xf32>,
      %add3A_472 = arith.addf %get3A_468, %get3A_471 : vector<16xf32>
      %get3A_473 = arith.index_cast %scan3A_370 : i32 to index
      %get3A_474 = arith.constant 80 : index
      %get3A_475 = tpu.vector_load %arg16[%get3A_473, %get3A_474] {strides = array<i32>} : memref<64x128xf32, #tpu.memory_space<vmem>>, vector<16xf32>,
      %sub3A_476 = arith.subf %add3A_472, %get3A_475 : vector<16xf32>
      %abs3A_477 = math.absf %sub3A_476 : vector<16xf32>
      %add3A_478 = arith.addf %add3A_459, %abs3A_477 : vector<16xf32>
      %get3A_479 = arith.index_cast %scan3A_370 : i32 to index
      %get3A_480 = arith.constant 80 : index
      %get3A_481 = tpu.vector_load %arg17[%get3A_479, %get3A_480] {strides = array<i32>} : memref<64x128xf32, #tpu.memory_space<vmem>>, vector<16xf32>,
      %sub3A_482 = arith.subf %add3A_472, %get3A_481 : vector<16xf32>
      %abs3A_483 = math.absf %sub3A_482 : vector<16xf32>
      %add3A_484 = arith.addf %add3A_465, %abs3A_483 : vector<16xf32>
      %get3A_485 = arith.index_cast %scan3A_370 : i32 to index
      %get3A_486 = arith.constant 96 : index
      %get3A_487 = tpu.vector_load %arg14[%get3A_485, %get3A_486] {strides = array<i32>} : memref<64x128xf32, #tpu.memory_space<vmem>>, vector<16xf32>,
      %get3A_488 = arith.index_cast %scan3A_370 : i32 to index
      %get3A_489 = arith.constant 96 : index
      %get3A_490 = tpu.vector_load %arg15[%get3A_488, %get3A_489] {strides = array<i32>} : memref<64x128xf32, #tpu.memory_space<vmem>>, vector<16xf32>,
      %add3A_491 = arith.addf %get3A_487, %get3A_490 : vector<16xf32>
      %get3A_492 = arith.index_cast %scan3A_370 : i32 to index
      %get3A_493 = arith.constant 96 : index
      %get3A_494 = tpu.vector_load %arg16[%get3A_492, %get3A_493] {strides = array<i32>} : memref<64x128xf32, #tpu.memory_space<vmem>>, vector<16xf32>,
      %sub3A_495 = arith.subf %add3A_491, %get3A_494 : vector<16xf32>
      %abs3A_496 = math.absf %sub3A_495 : vector<16xf32>
      %add3A_497 = arith.addf %add3A_478, %abs3A_496 : vector<16xf32>
      %get3A_498 = arith.index_cast %scan3A_370 : i32 to index
      %get3A_499 = arith.constant 96 : index
      %get3A_500 = tpu.vector_load %arg17[%get3A_498, %get3A_499] {strides = array<i32>} : memref<64x128xf32, #tpu.memory_space<vmem>>, vector<16xf32>,
      %sub3A_501 = arith.subf %add3A_491, %get3A_500 : vector<16xf32>
      %abs3A_502 = math.absf %sub3A_501 : vector<16xf32>
      %add3A_503 = arith.addf %add3A_484, %abs3A_502 : vector<16xf32>
      %get3A_504 = arith.index_cast %scan3A_370 : i32 to index
      %get3A_505 = arith.constant 112 : index
      %get3A_506 = tpu.vector_load %arg14[%get3A_504, %get3A_505] {strides = array<i32>} : memref<64x128xf32, #tpu.memory_space<vmem>>, vector<16xf32>,
      %get3A_507 = arith.index_cast %scan3A_370 : i32 to index
      %get3A_508 = arith.constant 112 : index
      %get3A_509 = tpu.vector_load %arg15[%get3A_507, %get3A_508] {strides = array<i32>} : memref<64x128xf32, #tpu.memory_space<vmem>>, vector<16xf32>,
      %add3A_510 = arith.addf %get3A_506, %get3A_509 : vector<16xf32>
      %get3A_511 = arith.index_cast %scan3A_370 : i32 to index
      %get3A_512 = arith.constant 112 : index
      %get3A_513 = tpu.vector_load %arg16[%get3A_511, %get3A_512] {strides = array<i32>} : memref<64x128xf32, #tpu.memory_space<vmem>>, vector<16xf32>,
      %sub3A_514 = arith.subf %add3A_510, %get3A_513 : vector<16xf32>
      %abs3A_515 = math.absf %sub3A_514 : vector<16xf32>
      %add3A_516 = arith.addf %add3A_497, %abs3A_515 : vector<16xf32>
      %get3A_517 = arith.index_cast %scan3A_370 : i32 to index
      %get3A_518 = arith.constant 112 : index
      %get3A_519 = tpu.vector_load %arg17[%get3A_517, %get3A_518] {strides = array<i32>} : memref<64x128xf32, #tpu.memory_space<vmem>>, vector<16xf32>,
      %sub3A_520 = arith.subf %add3A_510, %get3A_519 : vector<16xf32>
      %abs3A_521 = math.absf %sub3A_520 : vector<16xf32>
      %add3A_522 = arith.addf %add3A_503, %abs3A_521 : vector<16xf32>
      %add3A_523 = arith.constant 0 : i32
      %add3A_524 = arith.addi %add3A_523, %scan3A_370 : i32
      %broadcast_in_dim3A_525 = vector.broadcast %add3A_524 : i32 to vector<16xi32>
      %broadcast_in_dim3A_526 = arith.constant true
      %broadcast_in_dim3A_527 = vector.broadcast %broadcast_in_dim3A_526 : i1 to vector<16xi1>
      %masked_cumsum3A = tpu.scan <sum>, %add3A_516 masked %broadcast_in_dim3A_527 : vector<16xf32>, vector<16xi1> -> vector<16xf32>
      tpu.vector_store_idx %arg22[%broadcast_in_dim3A_525], %masked_cumsum3A masked %eq3A_4 : memref<512xf32, #tpu.memory_space<vmem>>[vector<16xi32>], vector<16xf32>, vector<16xi1>
      %broadcast_in_dim3A_528 = arith.constant true
      %broadcast_in_dim3A_529 = vector.broadcast %broadcast_in_dim3A_528 : i1 to vector<16xi1>
      %masked_cumsum3A_530 = tpu.scan <sum>, %add3A_522 masked %broadcast_in_dim3A_529 : vector<16xf32>, vector<16xi1> -> vector<16xf32>
      tpu.vector_store_idx %arg23[%broadcast_in_dim3A_525], %masked_cumsum3A_530 masked %eq3A_4 : memref<512xf32, #tpu.memory_space<vmem>>[vector<16xi32>], vector<16xf32>, vector<16xi1>
    }
    %scan3A_67 = arith.constant 64 : i32
    %dma_start3A_68 = arith.constant 128 : i32
    %dma_start3A_69 = tpu.memref_slice %arg10[%dma_start3A_68] : memref<512xi32, #tpu.memory_space<vmem>> -> memref<64xi32, #tpu.memory_space<vmem>>
    %dma_start3A_70 = arith.constant 0 : i32
    %dma_start3A_71 = arith.constant 0 : i32
    %dma_start3A_72 = tpu.memref_slice %arg2[%dma_start3A_70, %dma_start3A_71] : memref<100000x128xf32, #tpu.memory_space<hbm>> -> memref<100000x128xf32, #tpu.memory_space<hbm>>
    tpu.enqueue_indirect_dma source(%dma_start3A_72 : memref<100000x128xf32, #tpu.memory_space<hbm>>) target(%arg14 : memref<64x128xf32, #tpu.memory_space<vmem>>) offsets(%dma_start3A_69 : memref<64xi32, #tpu.memory_space<vmem>>) semaphore(%arg24 : memref<!tpu.dma_semaphore, #tpu.memory_space<semaphore_mem>>)
    %dma_start3A_73 = arith.constant 128 : i32
    %dma_start3A_74 = tpu.memref_slice %arg11[%dma_start3A_73] : memref<512xi32, #tpu.memory_space<vmem>> -> memref<64xi32, #tpu.memory_space<vmem>>
    %dma_start3A_75 = arith.constant 0 : i32
    %dma_start3A_76 = arith.constant 0 : i32
    %dma_start3A_77 = tpu.memref_slice %arg3[%dma_start3A_75, %dma_start3A_76] : memref<1000x128xf32, #tpu.memory_space<hbm>> -> memref<1000x128xf32, #tpu.memory_space<hbm>>
    tpu.enqueue_indirect_dma source(%dma_start3A_77 : memref<1000x128xf32, #tpu.memory_space<hbm>>) target(%arg15 : memref<64x128xf32, #tpu.memory_space<vmem>>) offsets(%dma_start3A_74 : memref<64xi32, #tpu.memory_space<vmem>>) semaphore(%arg24 : memref<!tpu.dma_semaphore, #tpu.memory_space<semaphore_mem>>)
    %dma_start3A_78 = arith.constant 128 : i32
    %dma_start3A_79 = tpu.memref_slice %arg12[%dma_start3A_78] : memref<512xi32, #tpu.memory_space<vmem>> -> memref<64xi32, #tpu.memory_space<vmem>>
    %dma_start3A_80 = arith.constant 0 : i32
    %dma_start3A_81 = arith.constant 0 : i32
    %dma_start3A_82 = tpu.memref_slice %arg2[%dma_start3A_80, %dma_start3A_81] : memref<100000x128xf32, #tpu.memory_space<hbm>> -> memref<100000x128xf32, #tpu.memory_space<hbm>>
    tpu.enqueue_indirect_dma source(%dma_start3A_82 : memref<100000x128xf32, #tpu.memory_space<hbm>>) target(%arg16 : memref<64x128xf32, #tpu.memory_space<vmem>>) offsets(%dma_start3A_79 : memref<64xi32, #tpu.memory_space<vmem>>) semaphore(%arg24 : memref<!tpu.dma_semaphore, #tpu.memory_space<semaphore_mem>>)
    %dma_start3A_83 = arith.constant 128 : i32
    %dma_start3A_84 = tpu.memref_slice %arg13[%dma_start3A_83] : memref<512xi32, #tpu.memory_space<vmem>> -> memref<64xi32, #tpu.memory_space<vmem>>
    %dma_start3A_85 = arith.constant 0 : i32
    %dma_start3A_86 = arith.constant 0 : i32
    %dma_start3A_87 = tpu.memref_slice %arg2[%dma_start3A_85, %dma_start3A_86] : memref<100000x128xf32, #tpu.memory_space<hbm>> -> memref<100000x128xf32, #tpu.memory_space<hbm>>
    tpu.enqueue_indirect_dma source(%dma_start3A_87 : memref<100000x128xf32, #tpu.memory_space<hbm>>) target(%arg17 : memref<64x128xf32, #tpu.memory_space<vmem>>) offsets(%dma_start3A_84 : memref<64xi32, #tpu.memory_space<vmem>>) semaphore(%arg24 : memref<!tpu.dma_semaphore, #tpu.memory_space<semaphore_mem>>)
    %dma_wait3A_88 = arith.constant 64 : i32
    %dma_wait3A_89 = tpu.memref_slice %arg10[%dma_wait3A_88] : memref<512xi32, #tpu.memory_space<vmem>> -> memref<64xi32, #tpu.memory_space<vmem>>
    %dma_wait3A_90 = arith.constant 0 : i32
    %dma_wait3A_91 = arith.constant 0 : i32
    %dma_wait3A_92 = tpu.memref_slice %arg2[%dma_wait3A_90, %dma_wait3A_91] : memref<100000x128xf32, #tpu.memory_space<hbm>> -> memref<100000x128xf32, #tpu.memory_space<hbm>>
    tpu.wait_indirect_dma semaphore(%arg25 : memref<!tpu.dma_semaphore, #tpu.memory_space<semaphore_mem>>) src(%dma_wait3A_92 : memref<100000x128xf32, #tpu.memory_space<hbm>>) dst(%arg18 : memref<64x128xf32, #tpu.memory_space<vmem>>)
    %dma_wait3A_93 = arith.constant 64 : i32
    %dma_wait3A_94 = tpu.memref_slice %arg11[%dma_wait3A_93] : memref<512xi32, #tpu.memory_space<vmem>> -> memref<64xi32, #tpu.memory_space<vmem>>
    %dma_wait3A_95 = arith.constant 0 : i32
    %dma_wait3A_96 = arith.constant 0 : i32
    %dma_wait3A_97 = tpu.memref_slice %arg3[%dma_wait3A_95, %dma_wait3A_96] : memref<1000x128xf32, #tpu.memory_space<hbm>> -> memref<1000x128xf32, #tpu.memory_space<hbm>>
    tpu.wait_indirect_dma semaphore(%arg25 : memref<!tpu.dma_semaphore, #tpu.memory_space<semaphore_mem>>) src(%dma_wait3A_97 : memref<1000x128xf32, #tpu.memory_space<hbm>>) dst(%arg19 : memref<64x128xf32, #tpu.memory_space<vmem>>)
    %dma_wait3A_98 = arith.constant 64 : i32
    %dma_wait3A_99 = tpu.memref_slice %arg12[%dma_wait3A_98] : memref<512xi32, #tpu.memory_space<vmem>> -> memref<64xi32, #tpu.memory_space<vmem>>
    %dma_wait3A_100 = arith.constant 0 : i32
    %dma_wait3A_101 = arith.constant 0 : i32
    %dma_wait3A_102 = tpu.memref_slice %arg2[%dma_wait3A_100, %dma_wait3A_101] : memref<100000x128xf32, #tpu.memory_space<hbm>> -> memref<100000x128xf32, #tpu.memory_space<hbm>>
    tpu.wait_indirect_dma semaphore(%arg25 : memref<!tpu.dma_semaphore, #tpu.memory_space<semaphore_mem>>) src(%dma_wait3A_102 : memref<100000x128xf32, #tpu.memory_space<hbm>>) dst(%arg20 : memref<64x128xf32, #tpu.memory_space<vmem>>)
    %dma_wait3A_103 = arith.constant 64 : i32
    %dma_wait3A_104 = tpu.memref_slice %arg13[%dma_wait3A_103] : memref<512xi32, #tpu.memory_space<vmem>> -> memref<64xi32, #tpu.memory_space<vmem>>
    %dma_wait3A_105 = arith.constant 0 : i32
    %dma_wait3A_106 = arith.constant 0 : i32
    %dma_wait3A_107 = tpu.memref_slice %arg2[%dma_wait3A_105, %dma_wait3A_106] : memref<100000x128xf32, #tpu.memory_space<hbm>> -> memref<100000x128xf32, #tpu.memory_space<hbm>>
    tpu.wait_indirect_dma semaphore(%arg25 : memref<!tpu.dma_semaphore, #tpu.memory_space<semaphore_mem>>) src(%dma_wait3A_107 : memref<100000x128xf32, #tpu.memory_space<hbm>>) dst(%arg21 : memref<64x128xf32, #tpu.memory_space<vmem>>)
    %scan3A_108 = arith.constant 0 : i32
    %scan3A_109 = arith.constant 0 : i32
    %scan3A_110 = arith.constant 64 : i32
    %scan3A_111 = arith.addi %scan3A_109, %scan3A_110 : i32
    %scan3A_112 = arith.constant 1 : i32
    scf.for %scan3A_370 = %scan3A_109 to %scan3A_111 step %scan3A_112  : i32 {
      %broadcast_in_dim3A = arith.constant 0.000000e+00 : f32
      %broadcast_in_dim3A_371 = vector.broadcast %broadcast_in_dim3A : f32 to vector<16xf32>
      %broadcast_in_dim3A_372 = arith.constant 0.000000e+00 : f32
      %broadcast_in_dim3A_373 = vector.broadcast %broadcast_in_dim3A_372 : f32 to vector<16xf32>
      %get3A = arith.index_cast %scan3A_370 : i32 to index
      %get3A_374 = arith.constant 0 : index
      %get3A_375 = tpu.vector_load %arg18[%get3A, %get3A_374] {strides = array<i32>} : memref<64x128xf32, #tpu.memory_space<vmem>>, vector<16xf32>,
      %get3A_376 = arith.index_cast %scan3A_370 : i32 to index
      %get3A_377 = arith.constant 0 : index
      %get3A_378 = tpu.vector_load %arg19[%get3A_376, %get3A_377] {strides = array<i32>} : memref<64x128xf32, #tpu.memory_space<vmem>>, vector<16xf32>,
      %add3A_379 = arith.addf %get3A_375, %get3A_378 : vector<16xf32>
      %get3A_380 = arith.index_cast %scan3A_370 : i32 to index
      %get3A_381 = arith.constant 0 : index
      %get3A_382 = tpu.vector_load %arg20[%get3A_380, %get3A_381] {strides = array<i32>} : memref<64x128xf32, #tpu.memory_space<vmem>>, vector<16xf32>,
      %sub3A = arith.subf %add3A_379, %get3A_382 : vector<16xf32>
      %abs3A = math.absf %sub3A : vector<16xf32>
      %add3A_383 = arith.addf %broadcast_in_dim3A_371, %abs3A : vector<16xf32>
      %get3A_384 = arith.index_cast %scan3A_370 : i32 to index
      %get3A_385 = arith.constant 0 : index
      %get3A_386 = tpu.vector_load %arg21[%get3A_384, %get3A_385] {strides = array<i32>} : memref<64x128xf32, #tpu.memory_space<vmem>>, vector<16xf32>,
      %sub3A_387 = arith.subf %add3A_379, %get3A_386 : vector<16xf32>
      %abs3A_388 = math.absf %sub3A_387 : vector<16xf32>
      %add3A_389 = arith.addf %broadcast_in_dim3A_373, %abs3A_388 : vector<16xf32>
      %get3A_390 = arith.index_cast %scan3A_370 : i32 to index
      %get3A_391 = arith.constant 16 : index
      %get3A_392 = tpu.vector_load %arg18[%get3A_390, %get3A_391] {strides = array<i32>} : memref<64x128xf32, #tpu.memory_space<vmem>>, vector<16xf32>,
      %get3A_393 = arith.index_cast %scan3A_370 : i32 to index
      %get3A_394 = arith.constant 16 : index
      %get3A_395 = tpu.vector_load %arg19[%get3A_393, %get3A_394] {strides = array<i32>} : memref<64x128xf32, #tpu.memory_space<vmem>>, vector<16xf32>,
      %add3A_396 = arith.addf %get3A_392, %get3A_395 : vector<16xf32>
      %get3A_397 = arith.index_cast %scan3A_370 : i32 to index
      %get3A_398 = arith.constant 16 : index
      %get3A_399 = tpu.vector_load %arg20[%get3A_397, %get3A_398] {strides = array<i32>} : memref<64x128xf32, #tpu.memory_space<vmem>>, vector<16xf32>,
      %sub3A_400 = arith.subf %add3A_396, %get3A_399 : vector<16xf32>
      %abs3A_401 = math.absf %sub3A_400 : vector<16xf32>
      %add3A_402 = arith.addf %add3A_383, %abs3A_401 : vector<16xf32>
      %get3A_403 = arith.index_cast %scan3A_370 : i32 to index
      %get3A_404 = arith.constant 16 : index
      %get3A_405 = tpu.vector_load %arg21[%get3A_403, %get3A_404] {strides = array<i32>} : memref<64x128xf32, #tpu.memory_space<vmem>>, vector<16xf32>,
      %sub3A_406 = arith.subf %add3A_396, %get3A_405 : vector<16xf32>
      %abs3A_407 = math.absf %sub3A_406 : vector<16xf32>
      %add3A_408 = arith.addf %add3A_389, %abs3A_407 : vector<16xf32>
      %get3A_409 = arith.index_cast %scan3A_370 : i32 to index
      %get3A_410 = arith.constant 32 : index
      %get3A_411 = tpu.vector_load %arg18[%get3A_409, %get3A_410] {strides = array<i32>} : memref<64x128xf32, #tpu.memory_space<vmem>>, vector<16xf32>,
      %get3A_412 = arith.index_cast %scan3A_370 : i32 to index
      %get3A_413 = arith.constant 32 : index
      %get3A_414 = tpu.vector_load %arg19[%get3A_412, %get3A_413] {strides = array<i32>} : memref<64x128xf32, #tpu.memory_space<vmem>>, vector<16xf32>,
      %add3A_415 = arith.addf %get3A_411, %get3A_414 : vector<16xf32>
      %get3A_416 = arith.index_cast %scan3A_370 : i32 to index
      %get3A_417 = arith.constant 32 : index
      %get3A_418 = tpu.vector_load %arg20[%get3A_416, %get3A_417] {strides = array<i32>} : memref<64x128xf32, #tpu.memory_space<vmem>>, vector<16xf32>,
      %sub3A_419 = arith.subf %add3A_415, %get3A_418 : vector<16xf32>
      %abs3A_420 = math.absf %sub3A_419 : vector<16xf32>
      %add3A_421 = arith.addf %add3A_402, %abs3A_420 : vector<16xf32>
      %get3A_422 = arith.index_cast %scan3A_370 : i32 to index
      %get3A_423 = arith.constant 32 : index
      %get3A_424 = tpu.vector_load %arg21[%get3A_422, %get3A_423] {strides = array<i32>} : memref<64x128xf32, #tpu.memory_space<vmem>>, vector<16xf32>,
      %sub3A_425 = arith.subf %add3A_415, %get3A_424 : vector<16xf32>
      %abs3A_426 = math.absf %sub3A_425 : vector<16xf32>
      %add3A_427 = arith.addf %add3A_408, %abs3A_426 : vector<16xf32>
      %get3A_428 = arith.index_cast %scan3A_370 : i32 to index
      %get3A_429 = arith.constant 48 : index
      %get3A_430 = tpu.vector_load %arg18[%get3A_428, %get3A_429] {strides = array<i32>} : memref<64x128xf32, #tpu.memory_space<vmem>>, vector<16xf32>,
      %get3A_431 = arith.index_cast %scan3A_370 : i32 to index
      %get3A_432 = arith.constant 48 : index
      %get3A_433 = tpu.vector_load %arg19[%get3A_431, %get3A_432] {strides = array<i32>} : memref<64x128xf32, #tpu.memory_space<vmem>>, vector<16xf32>,
      %add3A_434 = arith.addf %get3A_430, %get3A_433 : vector<16xf32>
      %get3A_435 = arith.index_cast %scan3A_370 : i32 to index
      %get3A_436 = arith.constant 48 : index
      %get3A_437 = tpu.vector_load %arg20[%get3A_435, %get3A_436] {strides = array<i32>} : memref<64x128xf32, #tpu.memory_space<vmem>>, vector<16xf32>,
      %sub3A_438 = arith.subf %add3A_434, %get3A_437 : vector<16xf32>
      %abs3A_439 = math.absf %sub3A_438 : vector<16xf32>
      %add3A_440 = arith.addf %add3A_421, %abs3A_439 : vector<16xf32>
      %get3A_441 = arith.index_cast %scan3A_370 : i32 to index
      %get3A_442 = arith.constant 48 : index
      %get3A_443 = tpu.vector_load %arg21[%get3A_441, %get3A_442] {strides = array<i32>} : memref<64x128xf32, #tpu.memory_space<vmem>>, vector<16xf32>,
      %sub3A_444 = arith.subf %add3A_434, %get3A_443 : vector<16xf32>
      %abs3A_445 = math.absf %sub3A_444 : vector<16xf32>
      %add3A_446 = arith.addf %add3A_427, %abs3A_445 : vector<16xf32>
      %get3A_447 = arith.index_cast %scan3A_370 : i32 to index
      %get3A_448 = arith.constant 64 : index
      %get3A_449 = tpu.vector_load %arg18[%get3A_447, %get3A_448] {strides = array<i32>} : memref<64x128xf32, #tpu.memory_space<vmem>>, vector<16xf32>,
      %get3A_450 = arith.index_cast %scan3A_370 : i32 to index
      %get3A_451 = arith.constant 64 : index
      %get3A_452 = tpu.vector_load %arg19[%get3A_450, %get3A_451] {strides = array<i32>} : memref<64x128xf32, #tpu.memory_space<vmem>>, vector<16xf32>,
      %add3A_453 = arith.addf %get3A_449, %get3A_452 : vector<16xf32>
      %get3A_454 = arith.index_cast %scan3A_370 : i32 to index
      %get3A_455 = arith.constant 64 : index
      %get3A_456 = tpu.vector_load %arg20[%get3A_454, %get3A_455] {strides = array<i32>} : memref<64x128xf32, #tpu.memory_space<vmem>>, vector<16xf32>,
      %sub3A_457 = arith.subf %add3A_453, %get3A_456 : vector<16xf32>
      %abs3A_458 = math.absf %sub3A_457 : vector<16xf32>
      %add3A_459 = arith.addf %add3A_440, %abs3A_458 : vector<16xf32>
      %get3A_460 = arith.index_cast %scan3A_370 : i32 to index
      %get3A_461 = arith.constant 64 : index
      %get3A_462 = tpu.vector_load %arg21[%get3A_460, %get3A_461] {strides = array<i32>} : memref<64x128xf32, #tpu.memory_space<vmem>>, vector<16xf32>,
      %sub3A_463 = arith.subf %add3A_453, %get3A_462 : vector<16xf32>
      %abs3A_464 = math.absf %sub3A_463 : vector<16xf32>
      %add3A_465 = arith.addf %add3A_446, %abs3A_464 : vector<16xf32>
      %get3A_466 = arith.index_cast %scan3A_370 : i32 to index
      %get3A_467 = arith.constant 80 : index
      %get3A_468 = tpu.vector_load %arg18[%get3A_466, %get3A_467] {strides = array<i32>} : memref<64x128xf32, #tpu.memory_space<vmem>>, vector<16xf32>,
      %get3A_469 = arith.index_cast %scan3A_370 : i32 to index
      %get3A_470 = arith.constant 80 : index
      %get3A_471 = tpu.vector_load %arg19[%get3A_469, %get3A_470] {strides = array<i32>} : memref<64x128xf32, #tpu.memory_space<vmem>>, vector<16xf32>,
      %add3A_472 = arith.addf %get3A_468, %get3A_471 : vector<16xf32>
      %get3A_473 = arith.index_cast %scan3A_370 : i32 to index
      %get3A_474 = arith.constant 80 : index
      %get3A_475 = tpu.vector_load %arg20[%get3A_473, %get3A_474] {strides = array<i32>} : memref<64x128xf32, #tpu.memory_space<vmem>>, vector<16xf32>,
      %sub3A_476 = arith.subf %add3A_472, %get3A_475 : vector<16xf32>
      %abs3A_477 = math.absf %sub3A_476 : vector<16xf32>
      %add3A_478 = arith.addf %add3A_459, %abs3A_477 : vector<16xf32>
      %get3A_479 = arith.index_cast %scan3A_370 : i32 to index
      %get3A_480 = arith.constant 80 : index
      %get3A_481 = tpu.vector_load %arg21[%get3A_479, %get3A_480] {strides = array<i32>} : memref<64x128xf32, #tpu.memory_space<vmem>>, vector<16xf32>,
      %sub3A_482 = arith.subf %add3A_472, %get3A_481 : vector<16xf32>
      %abs3A_483 = math.absf %sub3A_482 : vector<16xf32>
      %add3A_484 = arith.addf %add3A_465, %abs3A_483 : vector<16xf32>
      %get3A_485 = arith.index_cast %scan3A_370 : i32 to index
      %get3A_486 = arith.constant 96 : index
      %get3A_487 = tpu.vector_load %arg18[%get3A_485, %get3A_486] {strides = array<i32>} : memref<64x128xf32, #tpu.memory_space<vmem>>, vector<16xf32>,
      %get3A_488 = arith.index_cast %scan3A_370 : i32 to index
      %get3A_489 = arith.constant 96 : index
      %get3A_490 = tpu.vector_load %arg19[%get3A_488, %get3A_489] {strides = array<i32>} : memref<64x128xf32, #tpu.memory_space<vmem>>, vector<16xf32>,
      %add3A_491 = arith.addf %get3A_487, %get3A_490 : vector<16xf32>
      %get3A_492 = arith.index_cast %scan3A_370 : i32 to index
      %get3A_493 = arith.constant 96 : index
      %get3A_494 = tpu.vector_load %arg20[%get3A_492, %get3A_493] {strides = array<i32>} : memref<64x128xf32, #tpu.memory_space<vmem>>, vector<16xf32>,
      %sub3A_495 = arith.subf %add3A_491, %get3A_494 : vector<16xf32>
      %abs3A_496 = math.absf %sub3A_495 : vector<16xf32>
      %add3A_497 = arith.addf %add3A_478, %abs3A_496 : vector<16xf32>
      %get3A_498 = arith.index_cast %scan3A_370 : i32 to index
      %get3A_499 = arith.constant 96 : index
      %get3A_500 = tpu.vector_load %arg21[%get3A_498, %get3A_499] {strides = array<i32>} : memref<64x128xf32, #tpu.memory_space<vmem>>, vector<16xf32>,
      %sub3A_501 = arith.subf %add3A_491, %get3A_500 : vector<16xf32>
      %abs3A_502 = math.absf %sub3A_501 : vector<16xf32>
      %add3A_503 = arith.addf %add3A_484, %abs3A_502 : vector<16xf32>
      %get3A_504 = arith.index_cast %scan3A_370 : i32 to index
      %get3A_505 = arith.constant 112 : index
      %get3A_506 = tpu.vector_load %arg18[%get3A_504, %get3A_505] {strides = array<i32>} : memref<64x128xf32, #tpu.memory_space<vmem>>, vector<16xf32>,
      %get3A_507 = arith.index_cast %scan3A_370 : i32 to index
      %get3A_508 = arith.constant 112 : index
      %get3A_509 = tpu.vector_load %arg19[%get3A_507, %get3A_508] {strides = array<i32>} : memref<64x128xf32, #tpu.memory_space<vmem>>, vector<16xf32>,
      %add3A_510 = arith.addf %get3A_506, %get3A_509 : vector<16xf32>
      %get3A_511 = arith.index_cast %scan3A_370 : i32 to index
      %get3A_512 = arith.constant 112 : index
      %get3A_513 = tpu.vector_load %arg20[%get3A_511, %get3A_512] {strides = array<i32>} : memref<64x128xf32, #tpu.memory_space<vmem>>, vector<16xf32>,
      %sub3A_514 = arith.subf %add3A_510, %get3A_513 : vector<16xf32>
      %abs3A_515 = math.absf %sub3A_514 : vector<16xf32>
      %add3A_516 = arith.addf %add3A_497, %abs3A_515 : vector<16xf32>
      %get3A_517 = arith.index_cast %scan3A_370 : i32 to index
      %get3A_518 = arith.constant 112 : index
      %get3A_519 = tpu.vector_load %arg21[%get3A_517, %get3A_518] {strides = array<i32>} : memref<64x128xf32, #tpu.memory_space<vmem>>, vector<16xf32>,
      %sub3A_520 = arith.subf %add3A_510, %get3A_519 : vector<16xf32>
      %abs3A_521 = math.absf %sub3A_520 : vector<16xf32>
      %add3A_522 = arith.addf %add3A_503, %abs3A_521 : vector<16xf32>
      %add3A_523 = arith.constant 64 : i32
      %add3A_524 = arith.addi %add3A_523, %scan3A_370 : i32
      %broadcast_in_dim3A_525 = vector.broadcast %add3A_524 : i32 to vector<16xi32>
      %broadcast_in_dim3A_526 = arith.constant true
      %broadcast_in_dim3A_527 = vector.broadcast %broadcast_in_dim3A_526 : i1 to vector<16xi1>
      %masked_cumsum3A = tpu.scan <sum>, %add3A_516 masked %broadcast_in_dim3A_527 : vector<16xf32>, vector<16xi1> -> vector<16xf32>
      tpu.vector_store_idx %arg22[%broadcast_in_dim3A_525], %masked_cumsum3A masked %eq3A_4 : memref<512xf32, #tpu.memory_space<vmem>>[vector<16xi32>], vector<16xf32>, vector<16xi1>
      %broadcast_in_dim3A_528 = arith.constant true
      %broadcast_in_dim3A_529 = vector.broadcast %broadcast_in_dim3A_528 : i1 to vector<16xi1>
      %masked_cumsum3A_530 = tpu.scan <sum>, %add3A_522 masked %broadcast_in_dim3A_529 : vector<16xf32>, vector<16xi1> -> vector<16xf32>
      tpu.vector_store_idx %arg23[%broadcast_in_dim3A_525], %masked_cumsum3A_530 masked %eq3A_4 : memref<512xf32, #tpu.memory_space<vmem>>[vector<16xi32>], vector<16xf32>, vector<16xi1>
    }
    %scan3A_113 = arith.constant 64 : i32
    %dma_start3A_114 = arith.constant 192 : i32
    %dma_start3A_115 = tpu.memref_slice %arg10[%dma_start3A_114] : memref<512xi32, #tpu.memory_space<vmem>> -> memref<64xi32, #tpu.memory_space<vmem>>
    %dma_start3A_116 = arith.constant 0 : i32
    %dma_start3A_117 = arith.constant 0 : i32
    %dma_start3A_118 = tpu.memref_slice %arg2[%dma_start3A_116, %dma_start3A_117] : memref<100000x128xf32, #tpu.memory_space<hbm>> -> memref<100000x128xf32, #tpu.memory_space<hbm>>
    tpu.enqueue_indirect_dma source(%dma_start3A_118 : memref<100000x128xf32, #tpu.memory_space<hbm>>) target(%arg18 : memref<64x128xf32, #tpu.memory_space<vmem>>) offsets(%dma_start3A_115 : memref<64xi32, #tpu.memory_space<vmem>>) semaphore(%arg25 : memref<!tpu.dma_semaphore, #tpu.memory_space<semaphore_mem>>)
    %dma_start3A_119 = arith.constant 192 : i32
    %dma_start3A_120 = tpu.memref_slice %arg11[%dma_start3A_119] : memref<512xi32, #tpu.memory_space<vmem>> -> memref<64xi32, #tpu.memory_space<vmem>>
    %dma_start3A_121 = arith.constant 0 : i32
    %dma_start3A_122 = arith.constant 0 : i32
    %dma_start3A_123 = tpu.memref_slice %arg3[%dma_start3A_121, %dma_start3A_122] : memref<1000x128xf32, #tpu.memory_space<hbm>> -> memref<1000x128xf32, #tpu.memory_space<hbm>>
    tpu.enqueue_indirect_dma source(%dma_start3A_123 : memref<1000x128xf32, #tpu.memory_space<hbm>>) target(%arg19 : memref<64x128xf32, #tpu.memory_space<vmem>>) offsets(%dma_start3A_120 : memref<64xi32, #tpu.memory_space<vmem>>) semaphore(%arg25 : memref<!tpu.dma_semaphore, #tpu.memory_space<semaphore_mem>>)
    %dma_start3A_124 = arith.constant 192 : i32
    %dma_start3A_125 = tpu.memref_slice %arg12[%dma_start3A_124] : memref<512xi32, #tpu.memory_space<vmem>> -> memref<64xi32, #tpu.memory_space<vmem>>
    %dma_start3A_126 = arith.constant 0 : i32
    %dma_start3A_127 = arith.constant 0 : i32
    %dma_start3A_128 = tpu.memref_slice %arg2[%dma_start3A_126, %dma_start3A_127] : memref<100000x128xf32, #tpu.memory_space<hbm>> -> memref<100000x128xf32, #tpu.memory_space<hbm>>
    tpu.enqueue_indirect_dma source(%dma_start3A_128 : memref<100000x128xf32, #tpu.memory_space<hbm>>) target(%arg20 : memref<64x128xf32, #tpu.memory_space<vmem>>) offsets(%dma_start3A_125 : memref<64xi32, #tpu.memory_space<vmem>>) semaphore(%arg25 : memref<!tpu.dma_semaphore, #tpu.memory_space<semaphore_mem>>)
    %dma_start3A_129 = arith.constant 192 : i32
    %dma_start3A_130 = tpu.memref_slice %arg13[%dma_start3A_129] : memref<512xi32, #tpu.memory_space<vmem>> -> memref<64xi32, #tpu.memory_space<vmem>>
    %dma_start3A_131 = arith.constant 0 : i32
    %dma_start3A_132 = arith.constant 0 : i32
    %dma_start3A_133 = tpu.memref_slice %arg2[%dma_start3A_131, %dma_start3A_132] : memref<100000x128xf32, #tpu.memory_space<hbm>> -> memref<100000x128xf32, #tpu.memory_space<hbm>>
    tpu.enqueue_indirect_dma source(%dma_start3A_133 : memref<100000x128xf32, #tpu.memory_space<hbm>>) target(%arg21 : memref<64x128xf32, #tpu.memory_space<vmem>>) offsets(%dma_start3A_130 : memref<64xi32, #tpu.memory_space<vmem>>) semaphore(%arg25 : memref<!tpu.dma_semaphore, #tpu.memory_space<semaphore_mem>>)
    %dma_wait3A_134 = arith.constant 128 : i32
    %dma_wait3A_135 = tpu.memref_slice %arg10[%dma_wait3A_134] : memref<512xi32, #tpu.memory_space<vmem>> -> memref<64xi32, #tpu.memory_space<vmem>>
    %dma_wait3A_136 = arith.constant 0 : i32
    %dma_wait3A_137 = arith.constant 0 : i32
    %dma_wait3A_138 = tpu.memref_slice %arg2[%dma_wait3A_136, %dma_wait3A_137] : memref<100000x128xf32, #tpu.memory_space<hbm>> -> memref<100000x128xf32, #tpu.memory_space<hbm>>
    tpu.wait_indirect_dma semaphore(%arg24 : memref<!tpu.dma_semaphore, #tpu.memory_space<semaphore_mem>>) src(%dma_wait3A_138 : memref<100000x128xf32, #tpu.memory_space<hbm>>) dst(%arg14 : memref<64x128xf32, #tpu.memory_space<vmem>>)
    %dma_wait3A_139 = arith.constant 128 : i32
    %dma_wait3A_140 = tpu.memref_slice %arg11[%dma_wait3A_139] : memref<512xi32, #tpu.memory_space<vmem>> -> memref<64xi32, #tpu.memory_space<vmem>>
    %dma_wait3A_141 = arith.constant 0 : i32
    %dma_wait3A_142 = arith.constant 0 : i32
    %dma_wait3A_143 = tpu.memref_slice %arg3[%dma_wait3A_141, %dma_wait3A_142] : memref<1000x128xf32, #tpu.memory_space<hbm>> -> memref<1000x128xf32, #tpu.memory_space<hbm>>
    tpu.wait_indirect_dma semaphore(%arg24 : memref<!tpu.dma_semaphore, #tpu.memory_space<semaphore_mem>>) src(%dma_wait3A_143 : memref<1000x128xf32, #tpu.memory_space<hbm>>) dst(%arg15 : memref<64x128xf32, #tpu.memory_space<vmem>>)
    %dma_wait3A_144 = arith.constant 128 : i32
    %dma_wait3A_145 = tpu.memref_slice %arg12[%dma_wait3A_144] : memref<512xi32, #tpu.memory_space<vmem>> -> memref<64xi32, #tpu.memory_space<vmem>>
    %dma_wait3A_146 = arith.constant 0 : i32
    %dma_wait3A_147 = arith.constant 0 : i32
    %dma_wait3A_148 = tpu.memref_slice %arg2[%dma_wait3A_146, %dma_wait3A_147] : memref<100000x128xf32, #tpu.memory_space<hbm>> -> memref<100000x128xf32, #tpu.memory_space<hbm>>
    tpu.wait_indirect_dma semaphore(%arg24 : memref<!tpu.dma_semaphore, #tpu.memory_space<semaphore_mem>>) src(%dma_wait3A_148 : memref<100000x128xf32, #tpu.memory_space<hbm>>) dst(%arg16 : memref<64x128xf32, #tpu.memory_space<vmem>>)
    %dma_wait3A_149 = arith.constant 128 : i32
    %dma_wait3A_150 = tpu.memref_slice %arg13[%dma_wait3A_149] : memref<512xi32, #tpu.memory_space<vmem>> -> memref<64xi32, #tpu.memory_space<vmem>>
    %dma_wait3A_151 = arith.constant 0 : i32
    %dma_wait3A_152 = arith.constant 0 : i32
    %dma_wait3A_153 = tpu.memref_slice %arg2[%dma_wait3A_151, %dma_wait3A_152] : memref<100000x128xf32, #tpu.memory_space<hbm>> -> memref<100000x128xf32, #tpu.memory_space<hbm>>
    tpu.wait_indirect_dma semaphore(%arg24 : memref<!tpu.dma_semaphore, #tpu.memory_space<semaphore_mem>>) src(%dma_wait3A_153 : memref<100000x128xf32, #tpu.memory_space<hbm>>) dst(%arg17 : memref<64x128xf32, #tpu.memory_space<vmem>>)
    %scan3A_154 = arith.constant 0 : i32
    %scan3A_155 = arith.constant 0 : i32
    %scan3A_156 = arith.constant 64 : i32
    %scan3A_157 = arith.addi %scan3A_155, %scan3A_156 : i32
    %scan3A_158 = arith.constant 1 : i32
    scf.for %scan3A_370 = %scan3A_155 to %scan3A_157 step %scan3A_158  : i32 {
      %broadcast_in_dim3A = arith.constant 0.000000e+00 : f32
      %broadcast_in_dim3A_371 = vector.broadcast %broadcast_in_dim3A : f32 to vector<16xf32>
      %broadcast_in_dim3A_372 = arith.constant 0.000000e+00 : f32
      %broadcast_in_dim3A_373 = vector.broadcast %broadcast_in_dim3A_372 : f32 to vector<16xf32>
      %get3A = arith.index_cast %scan3A_370 : i32 to index
      %get3A_374 = arith.constant 0 : index
      %get3A_375 = tpu.vector_load %arg14[%get3A, %get3A_374] {strides = array<i32>} : memref<64x128xf32, #tpu.memory_space<vmem>>, vector<16xf32>,
      %get3A_376 = arith.index_cast %scan3A_370 : i32 to index
      %get3A_377 = arith.constant 0 : index
      %get3A_378 = tpu.vector_load %arg15[%get3A_376, %get3A_377] {strides = array<i32>} : memref<64x128xf32, #tpu.memory_space<vmem>>, vector<16xf32>,
      %add3A_379 = arith.addf %get3A_375, %get3A_378 : vector<16xf32>
      %get3A_380 = arith.index_cast %scan3A_370 : i32 to index
      %get3A_381 = arith.constant 0 : index
      %get3A_382 = tpu.vector_load %arg16[%get3A_380, %get3A_381] {strides = array<i32>} : memref<64x128xf32, #tpu.memory_space<vmem>>, vector<16xf32>,
      %sub3A = arith.subf %add3A_379, %get3A_382 : vector<16xf32>
      %abs3A = math.absf %sub3A : vector<16xf32>
      %add3A_383 = arith.addf %broadcast_in_dim3A_371, %abs3A : vector<16xf32>
      %get3A_384 = arith.index_cast %scan3A_370 : i32 to index
      %get3A_385 = arith.constant 0 : index
      %get3A_386 = tpu.vector_load %arg17[%get3A_384, %get3A_385] {strides = array<i32>} : memref<64x128xf32, #tpu.memory_space<vmem>>, vector<16xf32>,
      %sub3A_387 = arith.subf %add3A_379, %get3A_386 : vector<16xf32>
      %abs3A_388 = math.absf %sub3A_387 : vector<16xf32>
      %add3A_389 = arith.addf %broadcast_in_dim3A_373, %abs3A_388 : vector<16xf32>
      %get3A_390 = arith.index_cast %scan3A_370 : i32 to index
      %get3A_391 = arith.constant 16 : index
      %get3A_392 = tpu.vector_load %arg14[%get3A_390, %get3A_391] {strides = array<i32>} : memref<64x128xf32, #tpu.memory_space<vmem>>, vector<16xf32>,
      %get3A_393 = arith.index_cast %scan3A_370 : i32 to index
      %get3A_394 = arith.constant 16 : index
      %get3A_395 = tpu.vector_load %arg15[%get3A_393, %get3A_394] {strides = array<i32>} : memref<64x128xf32, #tpu.memory_space<vmem>>, vector<16xf32>,
      %add3A_396 = arith.addf %get3A_392, %get3A_395 : vector<16xf32>
      %get3A_397 = arith.index_cast %scan3A_370 : i32 to index
      %get3A_398 = arith.constant 16 : index
      %get3A_399 = tpu.vector_load %arg16[%get3A_397, %get3A_398] {strides = array<i32>} : memref<64x128xf32, #tpu.memory_space<vmem>>, vector<16xf32>,
      %sub3A_400 = arith.subf %add3A_396, %get3A_399 : vector<16xf32>
      %abs3A_401 = math.absf %sub3A_400 : vector<16xf32>
      %add3A_402 = arith.addf %add3A_383, %abs3A_401 : vector<16xf32>
      %get3A_403 = arith.index_cast %scan3A_370 : i32 to index
      %get3A_404 = arith.constant 16 : index
      %get3A_405 = tpu.vector_load %arg17[%get3A_403, %get3A_404] {strides = array<i32>} : memref<64x128xf32, #tpu.memory_space<vmem>>, vector<16xf32>,
      %sub3A_406 = arith.subf %add3A_396, %get3A_405 : vector<16xf32>
      %abs3A_407 = math.absf %sub3A_406 : vector<16xf32>
      %add3A_408 = arith.addf %add3A_389, %abs3A_407 : vector<16xf32>
      %get3A_409 = arith.index_cast %scan3A_370 : i32 to index
      %get3A_410 = arith.constant 32 : index
      %get3A_411 = tpu.vector_load %arg14[%get3A_409, %get3A_410] {strides = array<i32>} : memref<64x128xf32, #tpu.memory_space<vmem>>, vector<16xf32>,
      %get3A_412 = arith.index_cast %scan3A_370 : i32 to index
      %get3A_413 = arith.constant 32 : index
      %get3A_414 = tpu.vector_load %arg15[%get3A_412, %get3A_413] {strides = array<i32>} : memref<64x128xf32, #tpu.memory_space<vmem>>, vector<16xf32>,
      %add3A_415 = arith.addf %get3A_411, %get3A_414 : vector<16xf32>
      %get3A_416 = arith.index_cast %scan3A_370 : i32 to index
      %get3A_417 = arith.constant 32 : index
      %get3A_418 = tpu.vector_load %arg16[%get3A_416, %get3A_417] {strides = array<i32>} : memref<64x128xf32, #tpu.memory_space<vmem>>, vector<16xf32>,
      %sub3A_419 = arith.subf %add3A_415, %get3A_418 : vector<16xf32>
      %abs3A_420 = math.absf %sub3A_419 : vector<16xf32>
      %add3A_421 = arith.addf %add3A_402, %abs3A_420 : vector<16xf32>
      %get3A_422 = arith.index_cast %scan3A_370 : i32 to index
      %get3A_423 = arith.constant 32 : index
      %get3A_424 = tpu.vector_load %arg17[%get3A_422, %get3A_423] {strides = array<i32>} : memref<64x128xf32, #tpu.memory_space<vmem>>, vector<16xf32>,
      %sub3A_425 = arith.subf %add3A_415, %get3A_424 : vector<16xf32>
      %abs3A_426 = math.absf %sub3A_425 : vector<16xf32>
      %add3A_427 = arith.addf %add3A_408, %abs3A_426 : vector<16xf32>
      %get3A_428 = arith.index_cast %scan3A_370 : i32 to index
      %get3A_429 = arith.constant 48 : index
      %get3A_430 = tpu.vector_load %arg14[%get3A_428, %get3A_429] {strides = array<i32>} : memref<64x128xf32, #tpu.memory_space<vmem>>, vector<16xf32>,
      %get3A_431 = arith.index_cast %scan3A_370 : i32 to index
      %get3A_432 = arith.constant 48 : index
      %get3A_433 = tpu.vector_load %arg15[%get3A_431, %get3A_432] {strides = array<i32>} : memref<64x128xf32, #tpu.memory_space<vmem>>, vector<16xf32>,
      %add3A_434 = arith.addf %get3A_430, %get3A_433 : vector<16xf32>
      %get3A_435 = arith.index_cast %scan3A_370 : i32 to index
      %get3A_436 = arith.constant 48 : index
      %get3A_437 = tpu.vector_load %arg16[%get3A_435, %get3A_436] {strides = array<i32>} : memref<64x128xf32, #tpu.memory_space<vmem>>, vector<16xf32>,
      %sub3A_438 = arith.subf %add3A_434, %get3A_437 : vector<16xf32>
      %abs3A_439 = math.absf %sub3A_438 : vector<16xf32>
      %add3A_440 = arith.addf %add3A_421, %abs3A_439 : vector<16xf32>
      %get3A_441 = arith.index_cast %scan3A_370 : i32 to index
      %get3A_442 = arith.constant 48 : index
      %get3A_443 = tpu.vector_load %arg17[%get3A_441, %get3A_442] {strides = array<i32>} : memref<64x128xf32, #tpu.memory_space<vmem>>, vector<16xf32>,
      %sub3A_444 = arith.subf %add3A_434, %get3A_443 : vector<16xf32>
      %abs3A_445 = math.absf %sub3A_444 : vector<16xf32>
      %add3A_446 = arith.addf %add3A_427, %abs3A_445 : vector<16xf32>
      %get3A_447 = arith.index_cast %scan3A_370 : i32 to index
      %get3A_448 = arith.constant 64 : index
      %get3A_449 = tpu.vector_load %arg14[%get3A_447, %get3A_448] {strides = array<i32>} : memref<64x128xf32, #tpu.memory_space<vmem>>, vector<16xf32>,
      %get3A_450 = arith.index_cast %scan3A_370 : i32 to index
      %get3A_451 = arith.constant 64 : index
      %get3A_452 = tpu.vector_load %arg15[%get3A_450, %get3A_451] {strides = array<i32>} : memref<64x128xf32, #tpu.memory_space<vmem>>, vector<16xf32>,
      %add3A_453 = arith.addf %get3A_449, %get3A_452 : vector<16xf32>
      %get3A_454 = arith.index_cast %scan3A_370 : i32 to index
      %get3A_455 = arith.constant 64 : index
      %get3A_456 = tpu.vector_load %arg16[%get3A_454, %get3A_455] {strides = array<i32>} : memref<64x128xf32, #tpu.memory_space<vmem>>, vector<16xf32>,
      %sub3A_457 = arith.subf %add3A_453, %get3A_456 : vector<16xf32>
      %abs3A_458 = math.absf %sub3A_457 : vector<16xf32>
      %add3A_459 = arith.addf %add3A_440, %abs3A_458 : vector<16xf32>
      %get3A_460 = arith.index_cast %scan3A_370 : i32 to index
      %get3A_461 = arith.constant 64 : index
      %get3A_462 = tpu.vector_load %arg17[%get3A_460, %get3A_461] {strides = array<i32>} : memref<64x128xf32, #tpu.memory_space<vmem>>, vector<16xf32>,
      %sub3A_463 = arith.subf %add3A_453, %get3A_462 : vector<16xf32>
      %abs3A_464 = math.absf %sub3A_463 : vector<16xf32>
      %add3A_465 = arith.addf %add3A_446, %abs3A_464 : vector<16xf32>
      %get3A_466 = arith.index_cast %scan3A_370 : i32 to index
      %get3A_467 = arith.constant 80 : index
      %get3A_468 = tpu.vector_load %arg14[%get3A_466, %get3A_467] {strides = array<i32>} : memref<64x128xf32, #tpu.memory_space<vmem>>, vector<16xf32>,
      %get3A_469 = arith.index_cast %scan3A_370 : i32 to index
      %get3A_470 = arith.constant 80 : index
      %get3A_471 = tpu.vector_load %arg15[%get3A_469, %get3A_470] {strides = array<i32>} : memref<64x128xf32, #tpu.memory_space<vmem>>, vector<16xf32>,
      %add3A_472 = arith.addf %get3A_468, %get3A_471 : vector<16xf32>
      %get3A_473 = arith.index_cast %scan3A_370 : i32 to index
      %get3A_474 = arith.constant 80 : index
      %get3A_475 = tpu.vector_load %arg16[%get3A_473, %get3A_474] {strides = array<i32>} : memref<64x128xf32, #tpu.memory_space<vmem>>, vector<16xf32>,
      %sub3A_476 = arith.subf %add3A_472, %get3A_475 : vector<16xf32>
      %abs3A_477 = math.absf %sub3A_476 : vector<16xf32>
      %add3A_478 = arith.addf %add3A_459, %abs3A_477 : vector<16xf32>
      %get3A_479 = arith.index_cast %scan3A_370 : i32 to index
      %get3A_480 = arith.constant 80 : index
      %get3A_481 = tpu.vector_load %arg17[%get3A_479, %get3A_480] {strides = array<i32>} : memref<64x128xf32, #tpu.memory_space<vmem>>, vector<16xf32>,
      %sub3A_482 = arith.subf %add3A_472, %get3A_481 : vector<16xf32>
      %abs3A_483 = math.absf %sub3A_482 : vector<16xf32>
      %add3A_484 = arith.addf %add3A_465, %abs3A_483 : vector<16xf32>
      %get3A_485 = arith.index_cast %scan3A_370 : i32 to index
      %get3A_486 = arith.constant 96 : index
      %get3A_487 = tpu.vector_load %arg14[%get3A_485, %get3A_486] {strides = array<i32>} : memref<64x128xf32, #tpu.memory_space<vmem>>, vector<16xf32>,
      %get3A_488 = arith.index_cast %scan3A_370 : i32 to index
      %get3A_489 = arith.constant 96 : index
      %get3A_490 = tpu.vector_load %arg15[%get3A_488, %get3A_489] {strides = array<i32>} : memref<64x128xf32, #tpu.memory_space<vmem>>, vector<16xf32>,
      %add3A_491 = arith.addf %get3A_487, %get3A_490 : vector<16xf32>
      %get3A_492 = arith.index_cast %scan3A_370 : i32 to index
      %get3A_493 = arith.constant 96 : index
      %get3A_494 = tpu.vector_load %arg16[%get3A_492, %get3A_493] {strides = array<i32>} : memref<64x128xf32, #tpu.memory_space<vmem>>, vector<16xf32>,
      %sub3A_495 = arith.subf %add3A_491, %get3A_494 : vector<16xf32>
      %abs3A_496 = math.absf %sub3A_495 : vector<16xf32>
      %add3A_497 = arith.addf %add3A_478, %abs3A_496 : vector<16xf32>
      %get3A_498 = arith.index_cast %scan3A_370 : i32 to index
      %get3A_499 = arith.constant 96 : index
      %get3A_500 = tpu.vector_load %arg17[%get3A_498, %get3A_499] {strides = array<i32>} : memref<64x128xf32, #tpu.memory_space<vmem>>, vector<16xf32>,
      %sub3A_501 = arith.subf %add3A_491, %get3A_500 : vector<16xf32>
      %abs3A_502 = math.absf %sub3A_501 : vector<16xf32>
      %add3A_503 = arith.addf %add3A_484, %abs3A_502 : vector<16xf32>
      %get3A_504 = arith.index_cast %scan3A_370 : i32 to index
      %get3A_505 = arith.constant 112 : index
      %get3A_506 = tpu.vector_load %arg14[%get3A_504, %get3A_505] {strides = array<i32>} : memref<64x128xf32, #tpu.memory_space<vmem>>, vector<16xf32>,
      %get3A_507 = arith.index_cast %scan3A_370 : i32 to index
      %get3A_508 = arith.constant 112 : index
      %get3A_509 = tpu.vector_load %arg15[%get3A_507, %get3A_508] {strides = array<i32>} : memref<64x128xf32, #tpu.memory_space<vmem>>, vector<16xf32>,
      %add3A_510 = arith.addf %get3A_506, %get3A_509 : vector<16xf32>
      %get3A_511 = arith.index_cast %scan3A_370 : i32 to index
      %get3A_512 = arith.constant 112 : index
      %get3A_513 = tpu.vector_load %arg16[%get3A_511, %get3A_512] {strides = array<i32>} : memref<64x128xf32, #tpu.memory_space<vmem>>, vector<16xf32>,
      %sub3A_514 = arith.subf %add3A_510, %get3A_513 : vector<16xf32>
      %abs3A_515 = math.absf %sub3A_514 : vector<16xf32>
      %add3A_516 = arith.addf %add3A_497, %abs3A_515 : vector<16xf32>
      %get3A_517 = arith.index_cast %scan3A_370 : i32 to index
      %get3A_518 = arith.constant 112 : index
      %get3A_519 = tpu.vector_load %arg17[%get3A_517, %get3A_518] {strides = array<i32>} : memref<64x128xf32, #tpu.memory_space<vmem>>, vector<16xf32>,
      %sub3A_520 = arith.subf %add3A_510, %get3A_519 : vector<16xf32>
      %abs3A_521 = math.absf %sub3A_520 : vector<16xf32>
      %add3A_522 = arith.addf %add3A_503, %abs3A_521 : vector<16xf32>
      %add3A_523 = arith.constant 128 : i32
      %add3A_524 = arith.addi %add3A_523, %scan3A_370 : i32
      %broadcast_in_dim3A_525 = vector.broadcast %add3A_524 : i32 to vector<16xi32>
      %broadcast_in_dim3A_526 = arith.constant true
      %broadcast_in_dim3A_527 = vector.broadcast %broadcast_in_dim3A_526 : i1 to vector<16xi1>
      %masked_cumsum3A = tpu.scan <sum>, %add3A_516 masked %broadcast_in_dim3A_527 : vector<16xf32>, vector<16xi1> -> vector<16xf32>
      tpu.vector_store_idx %arg22[%broadcast_in_dim3A_525], %masked_cumsum3A masked %eq3A_4 : memref<512xf32, #tpu.memory_space<vmem>>[vector<16xi32>], vector<16xf32>, vector<16xi1>
      %broadcast_in_dim3A_528 = arith.constant true
      %broadcast_in_dim3A_529 = vector.broadcast %broadcast_in_dim3A_528 : i1 to vector<16xi1>
      %masked_cumsum3A_530 = tpu.scan <sum>, %add3A_522 masked %broadcast_in_dim3A_529 : vector<16xf32>, vector<16xi1> -> vector<16xf32>
      tpu.vector_store_idx %arg23[%broadcast_in_dim3A_525], %masked_cumsum3A_530 masked %eq3A_4 : memref<512xf32, #tpu.memory_space<vmem>>[vector<16xi32>], vector<16xf32>, vector<16xi1>
    }
    %scan3A_159 = arith.constant 64 : i32
    %dma_start3A_160 = arith.constant 256 : i32
    %dma_start3A_161 = tpu.memref_slice %arg10[%dma_start3A_160] : memref<512xi32, #tpu.memory_space<vmem>> -> memref<64xi32, #tpu.memory_space<vmem>>
    %dma_start3A_162 = arith.constant 0 : i32
    %dma_start3A_163 = arith.constant 0 : i32
    %dma_start3A_164 = tpu.memref_slice %arg2[%dma_start3A_162, %dma_start3A_163] : memref<100000x128xf32, #tpu.memory_space<hbm>> -> memref<100000x128xf32, #tpu.memory_space<hbm>>
    tpu.enqueue_indirect_dma source(%dma_start3A_164 : memref<100000x128xf32, #tpu.memory_space<hbm>>) target(%arg14 : memref<64x128xf32, #tpu.memory_space<vmem>>) offsets(%dma_start3A_161 : memref<64xi32, #tpu.memory_space<vmem>>) semaphore(%arg24 : memref<!tpu.dma_semaphore, #tpu.memory_space<semaphore_mem>>)
    %dma_start3A_165 = arith.constant 256 : i32
    %dma_start3A_166 = tpu.memref_slice %arg11[%dma_start3A_165] : memref<512xi32, #tpu.memory_space<vmem>> -> memref<64xi32, #tpu.memory_space<vmem>>
    %dma_start3A_167 = arith.constant 0 : i32
    %dma_start3A_168 = arith.constant 0 : i32
    %dma_start3A_169 = tpu.memref_slice %arg3[%dma_start3A_167, %dma_start3A_168] : memref<1000x128xf32, #tpu.memory_space<hbm>> -> memref<1000x128xf32, #tpu.memory_space<hbm>>
    tpu.enqueue_indirect_dma source(%dma_start3A_169 : memref<1000x128xf32, #tpu.memory_space<hbm>>) target(%arg15 : memref<64x128xf32, #tpu.memory_space<vmem>>) offsets(%dma_start3A_166 : memref<64xi32, #tpu.memory_space<vmem>>) semaphore(%arg24 : memref<!tpu.dma_semaphore, #tpu.memory_space<semaphore_mem>>)
    %dma_start3A_170 = arith.constant 256 : i32
    %dma_start3A_171 = tpu.memref_slice %arg12[%dma_start3A_170] : memref<512xi32, #tpu.memory_space<vmem>> -> memref<64xi32, #tpu.memory_space<vmem>>
    %dma_start3A_172 = arith.constant 0 : i32
    %dma_start3A_173 = arith.constant 0 : i32
    %dma_start3A_174 = tpu.memref_slice %arg2[%dma_start3A_172, %dma_start3A_173] : memref<100000x128xf32, #tpu.memory_space<hbm>> -> memref<100000x128xf32, #tpu.memory_space<hbm>>
    tpu.enqueue_indirect_dma source(%dma_start3A_174 : memref<100000x128xf32, #tpu.memory_space<hbm>>) target(%arg16 : memref<64x128xf32, #tpu.memory_space<vmem>>) offsets(%dma_start3A_171 : memref<64xi32, #tpu.memory_space<vmem>>) semaphore(%arg24 : memref<!tpu.dma_semaphore, #tpu.memory_space<semaphore_mem>>)
    %dma_start3A_175 = arith.constant 256 : i32
    %dma_start3A_176 = tpu.memref_slice %arg13[%dma_start3A_175] : memref<512xi32, #tpu.memory_space<vmem>> -> memref<64xi32, #tpu.memory_space<vmem>>
    %dma_start3A_177 = arith.constant 0 : i32
    %dma_start3A_178 = arith.constant 0 : i32
    %dma_start3A_179 = tpu.memref_slice %arg2[%dma_start3A_177, %dma_start3A_178] : memref<100000x128xf32, #tpu.memory_space<hbm>> -> memref<100000x128xf32, #tpu.memory_space<hbm>>
    tpu.enqueue_indirect_dma source(%dma_start3A_179 : memref<100000x128xf32, #tpu.memory_space<hbm>>) target(%arg17 : memref<64x128xf32, #tpu.memory_space<vmem>>) offsets(%dma_start3A_176 : memref<64xi32, #tpu.memory_space<vmem>>) semaphore(%arg24 : memref<!tpu.dma_semaphore, #tpu.memory_space<semaphore_mem>>)
    %dma_wait3A_180 = arith.constant 192 : i32
    %dma_wait3A_181 = tpu.memref_slice %arg10[%dma_wait3A_180] : memref<512xi32, #tpu.memory_space<vmem>> -> memref<64xi32, #tpu.memory_space<vmem>>
    %dma_wait3A_182 = arith.constant 0 : i32
    %dma_wait3A_183 = arith.constant 0 : i32
    %dma_wait3A_184 = tpu.memref_slice %arg2[%dma_wait3A_182, %dma_wait3A_183] : memref<100000x128xf32, #tpu.memory_space<hbm>> -> memref<100000x128xf32, #tpu.memory_space<hbm>>
    tpu.wait_indirect_dma semaphore(%arg25 : memref<!tpu.dma_semaphore, #tpu.memory_space<semaphore_mem>>) src(%dma_wait3A_184 : memref<100000x128xf32, #tpu.memory_space<hbm>>) dst(%arg18 : memref<64x128xf32, #tpu.memory_space<vmem>>)
    %dma_wait3A_185 = arith.constant 192 : i32
    %dma_wait3A_186 = tpu.memref_slice %arg11[%dma_wait3A_185] : memref<512xi32, #tpu.memory_space<vmem>> -> memref<64xi32, #tpu.memory_space<vmem>>
    %dma_wait3A_187 = arith.constant 0 : i32
    %dma_wait3A_188 = arith.constant 0 : i32
    %dma_wait3A_189 = tpu.memref_slice %arg3[%dma_wait3A_187, %dma_wait3A_188] : memref<1000x128xf32, #tpu.memory_space<hbm>> -> memref<1000x128xf32, #tpu.memory_space<hbm>>
    tpu.wait_indirect_dma semaphore(%arg25 : memref<!tpu.dma_semaphore, #tpu.memory_space<semaphore_mem>>) src(%dma_wait3A_189 : memref<1000x128xf32, #tpu.memory_space<hbm>>) dst(%arg19 : memref<64x128xf32, #tpu.memory_space<vmem>>)
    %dma_wait3A_190 = arith.constant 192 : i32
    %dma_wait3A_191 = tpu.memref_slice %arg12[%dma_wait3A_190] : memref<512xi32, #tpu.memory_space<vmem>> -> memref<64xi32, #tpu.memory_space<vmem>>
    %dma_wait3A_192 = arith.constant 0 : i32
    %dma_wait3A_193 = arith.constant 0 : i32
    %dma_wait3A_194 = tpu.memref_slice %arg2[%dma_wait3A_192, %dma_wait3A_193] : memref<100000x128xf32, #tpu.memory_space<hbm>> -> memref<100000x128xf32, #tpu.memory_space<hbm>>
    tpu.wait_indirect_dma semaphore(%arg25 : memref<!tpu.dma_semaphore, #tpu.memory_space<semaphore_mem>>) src(%dma_wait3A_194 : memref<100000x128xf32, #tpu.memory_space<hbm>>) dst(%arg20 : memref<64x128xf32, #tpu.memory_space<vmem>>)
    %dma_wait3A_195 = arith.constant 192 : i32
    %dma_wait3A_196 = tpu.memref_slice %arg13[%dma_wait3A_195] : memref<512xi32, #tpu.memory_space<vmem>> -> memref<64xi32, #tpu.memory_space<vmem>>
    %dma_wait3A_197 = arith.constant 0 : i32
    %dma_wait3A_198 = arith.constant 0 : i32
    %dma_wait3A_199 = tpu.memref_slice %arg2[%dma_wait3A_197, %dma_wait3A_198] : memref<100000x128xf32, #tpu.memory_space<hbm>> -> memref<100000x128xf32, #tpu.memory_space<hbm>>
    tpu.wait_indirect_dma semaphore(%arg25 : memref<!tpu.dma_semaphore, #tpu.memory_space<semaphore_mem>>) src(%dma_wait3A_199 : memref<100000x128xf32, #tpu.memory_space<hbm>>) dst(%arg21 : memref<64x128xf32, #tpu.memory_space<vmem>>)
    %scan3A_200 = arith.constant 0 : i32
    %scan3A_201 = arith.constant 0 : i32
    %scan3A_202 = arith.constant 64 : i32
    %scan3A_203 = arith.addi %scan3A_201, %scan3A_202 : i32
    %scan3A_204 = arith.constant 1 : i32
    scf.for %scan3A_370 = %scan3A_201 to %scan3A_203 step %scan3A_204  : i32 {
      %broadcast_in_dim3A = arith.constant 0.000000e+00 : f32
      %broadcast_in_dim3A_371 = vector.broadcast %broadcast_in_dim3A : f32 to vector<16xf32>
      %broadcast_in_dim3A_372 = arith.constant 0.000000e+00 : f32
      %broadcast_in_dim3A_373 = vector.broadcast %broadcast_in_dim3A_372 : f32 to vector<16xf32>
      %get3A = arith.index_cast %scan3A_370 : i32 to index
      %get3A_374 = arith.constant 0 : index
      %get3A_375 = tpu.vector_load %arg18[%get3A, %get3A_374] {strides = array<i32>} : memref<64x128xf32, #tpu.memory_space<vmem>>, vector<16xf32>,
      %get3A_376 = arith.index_cast %scan3A_370 : i32 to index
      %get3A_377 = arith.constant 0 : index
      %get3A_378 = tpu.vector_load %arg19[%get3A_376, %get3A_377] {strides = array<i32>} : memref<64x128xf32, #tpu.memory_space<vmem>>, vector<16xf32>,
      %add3A_379 = arith.addf %get3A_375, %get3A_378 : vector<16xf32>
      %get3A_380 = arith.index_cast %scan3A_370 : i32 to index
      %get3A_381 = arith.constant 0 : index
      %get3A_382 = tpu.vector_load %arg20[%get3A_380, %get3A_381] {strides = array<i32>} : memref<64x128xf32, #tpu.memory_space<vmem>>, vector<16xf32>,
      %sub3A = arith.subf %add3A_379, %get3A_382 : vector<16xf32>
      %abs3A = math.absf %sub3A : vector<16xf32>
      %add3A_383 = arith.addf %broadcast_in_dim3A_371, %abs3A : vector<16xf32>
      %get3A_384 = arith.index_cast %scan3A_370 : i32 to index
      %get3A_385 = arith.constant 0 : index
      %get3A_386 = tpu.vector_load %arg21[%get3A_384, %get3A_385] {strides = array<i32>} : memref<64x128xf32, #tpu.memory_space<vmem>>, vector<16xf32>,
      %sub3A_387 = arith.subf %add3A_379, %get3A_386 : vector<16xf32>
      %abs3A_388 = math.absf %sub3A_387 : vector<16xf32>
      %add3A_389 = arith.addf %broadcast_in_dim3A_373, %abs3A_388 : vector<16xf32>
      %get3A_390 = arith.index_cast %scan3A_370 : i32 to index
      %get3A_391 = arith.constant 16 : index
      %get3A_392 = tpu.vector_load %arg18[%get3A_390, %get3A_391] {strides = array<i32>} : memref<64x128xf32, #tpu.memory_space<vmem>>, vector<16xf32>,
      %get3A_393 = arith.index_cast %scan3A_370 : i32 to index
      %get3A_394 = arith.constant 16 : index
      %get3A_395 = tpu.vector_load %arg19[%get3A_393, %get3A_394] {strides = array<i32>} : memref<64x128xf32, #tpu.memory_space<vmem>>, vector<16xf32>,
      %add3A_396 = arith.addf %get3A_392, %get3A_395 : vector<16xf32>
      %get3A_397 = arith.index_cast %scan3A_370 : i32 to index
      %get3A_398 = arith.constant 16 : index
      %get3A_399 = tpu.vector_load %arg20[%get3A_397, %get3A_398] {strides = array<i32>} : memref<64x128xf32, #tpu.memory_space<vmem>>, vector<16xf32>,
      %sub3A_400 = arith.subf %add3A_396, %get3A_399 : vector<16xf32>
      %abs3A_401 = math.absf %sub3A_400 : vector<16xf32>
      %add3A_402 = arith.addf %add3A_383, %abs3A_401 : vector<16xf32>
      %get3A_403 = arith.index_cast %scan3A_370 : i32 to index
      %get3A_404 = arith.constant 16 : index
      %get3A_405 = tpu.vector_load %arg21[%get3A_403, %get3A_404] {strides = array<i32>} : memref<64x128xf32, #tpu.memory_space<vmem>>, vector<16xf32>,
      %sub3A_406 = arith.subf %add3A_396, %get3A_405 : vector<16xf32>
      %abs3A_407 = math.absf %sub3A_406 : vector<16xf32>
      %add3A_408 = arith.addf %add3A_389, %abs3A_407 : vector<16xf32>
      %get3A_409 = arith.index_cast %scan3A_370 : i32 to index
      %get3A_410 = arith.constant 32 : index
      %get3A_411 = tpu.vector_load %arg18[%get3A_409, %get3A_410] {strides = array<i32>} : memref<64x128xf32, #tpu.memory_space<vmem>>, vector<16xf32>,
      %get3A_412 = arith.index_cast %scan3A_370 : i32 to index
      %get3A_413 = arith.constant 32 : index
      %get3A_414 = tpu.vector_load %arg19[%get3A_412, %get3A_413] {strides = array<i32>} : memref<64x128xf32, #tpu.memory_space<vmem>>, vector<16xf32>,
      %add3A_415 = arith.addf %get3A_411, %get3A_414 : vector<16xf32>
      %get3A_416 = arith.index_cast %scan3A_370 : i32 to index
      %get3A_417 = arith.constant 32 : index
      %get3A_418 = tpu.vector_load %arg20[%get3A_416, %get3A_417] {strides = array<i32>} : memref<64x128xf32, #tpu.memory_space<vmem>>, vector<16xf32>,
      %sub3A_419 = arith.subf %add3A_415, %get3A_418 : vector<16xf32>
      %abs3A_420 = math.absf %sub3A_419 : vector<16xf32>
      %add3A_421 = arith.addf %add3A_402, %abs3A_420 : vector<16xf32>
      %get3A_422 = arith.index_cast %scan3A_370 : i32 to index
      %get3A_423 = arith.constant 32 : index
      %get3A_424 = tpu.vector_load %arg21[%get3A_422, %get3A_423] {strides = array<i32>} : memref<64x128xf32, #tpu.memory_space<vmem>>, vector<16xf32>,
      %sub3A_425 = arith.subf %add3A_415, %get3A_424 : vector<16xf32>
      %abs3A_426 = math.absf %sub3A_425 : vector<16xf32>
      %add3A_427 = arith.addf %add3A_408, %abs3A_426 : vector<16xf32>
      %get3A_428 = arith.index_cast %scan3A_370 : i32 to index
      %get3A_429 = arith.constant 48 : index
      %get3A_430 = tpu.vector_load %arg18[%get3A_428, %get3A_429] {strides = array<i32>} : memref<64x128xf32, #tpu.memory_space<vmem>>, vector<16xf32>,
      %get3A_431 = arith.index_cast %scan3A_370 : i32 to index
      %get3A_432 = arith.constant 48 : index
      %get3A_433 = tpu.vector_load %arg19[%get3A_431, %get3A_432] {strides = array<i32>} : memref<64x128xf32, #tpu.memory_space<vmem>>, vector<16xf32>,
      %add3A_434 = arith.addf %get3A_430, %get3A_433 : vector<16xf32>
      %get3A_435 = arith.index_cast %scan3A_370 : i32 to index
      %get3A_436 = arith.constant 48 : index
      %get3A_437 = tpu.vector_load %arg20[%get3A_435, %get3A_436] {strides = array<i32>} : memref<64x128xf32, #tpu.memory_space<vmem>>, vector<16xf32>,
      %sub3A_438 = arith.subf %add3A_434, %get3A_437 : vector<16xf32>
      %abs3A_439 = math.absf %sub3A_438 : vector<16xf32>
      %add3A_440 = arith.addf %add3A_421, %abs3A_439 : vector<16xf32>
      %get3A_441 = arith.index_cast %scan3A_370 : i32 to index
      %get3A_442 = arith.constant 48 : index
      %get3A_443 = tpu.vector_load %arg21[%get3A_441, %get3A_442] {strides = array<i32>} : memref<64x128xf32, #tpu.memory_space<vmem>>, vector<16xf32>,
      %sub3A_444 = arith.subf %add3A_434, %get3A_443 : vector<16xf32>
      %abs3A_445 = math.absf %sub3A_444 : vector<16xf32>
      %add3A_446 = arith.addf %add3A_427, %abs3A_445 : vector<16xf32>
      %get3A_447 = arith.index_cast %scan3A_370 : i32 to index
      %get3A_448 = arith.constant 64 : index
      %get3A_449 = tpu.vector_load %arg18[%get3A_447, %get3A_448] {strides = array<i32>} : memref<64x128xf32, #tpu.memory_space<vmem>>, vector<16xf32>,
      %get3A_450 = arith.index_cast %scan3A_370 : i32 to index
      %get3A_451 = arith.constant 64 : index
      %get3A_452 = tpu.vector_load %arg19[%get3A_450, %get3A_451] {strides = array<i32>} : memref<64x128xf32, #tpu.memory_space<vmem>>, vector<16xf32>,
      %add3A_453 = arith.addf %get3A_449, %get3A_452 : vector<16xf32>
      %get3A_454 = arith.index_cast %scan3A_370 : i32 to index
      %get3A_455 = arith.constant 64 : index
      %get3A_456 = tpu.vector_load %arg20[%get3A_454, %get3A_455] {strides = array<i32>} : memref<64x128xf32, #tpu.memory_space<vmem>>, vector<16xf32>,
      %sub3A_457 = arith.subf %add3A_453, %get3A_456 : vector<16xf32>
      %abs3A_458 = math.absf %sub3A_457 : vector<16xf32>
      %add3A_459 = arith.addf %add3A_440, %abs3A_458 : vector<16xf32>
      %get3A_460 = arith.index_cast %scan3A_370 : i32 to index
      %get3A_461 = arith.constant 64 : index
      %get3A_462 = tpu.vector_load %arg21[%get3A_460, %get3A_461] {strides = array<i32>} : memref<64x128xf32, #tpu.memory_space<vmem>>, vector<16xf32>,
      %sub3A_463 = arith.subf %add3A_453, %get3A_462 : vector<16xf32>
      %abs3A_464 = math.absf %sub3A_463 : vector<16xf32>
      %add3A_465 = arith.addf %add3A_446, %abs3A_464 : vector<16xf32>
      %get3A_466 = arith.index_cast %scan3A_370 : i32 to index
      %get3A_467 = arith.constant 80 : index
      %get3A_468 = tpu.vector_load %arg18[%get3A_466, %get3A_467] {strides = array<i32>} : memref<64x128xf32, #tpu.memory_space<vmem>>, vector<16xf32>,
      %get3A_469 = arith.index_cast %scan3A_370 : i32 to index
      %get3A_470 = arith.constant 80 : index
      %get3A_471 = tpu.vector_load %arg19[%get3A_469, %get3A_470] {strides = array<i32>} : memref<64x128xf32, #tpu.memory_space<vmem>>, vector<16xf32>,
      %add3A_472 = arith.addf %get3A_468, %get3A_471 : vector<16xf32>
      %get3A_473 = arith.index_cast %scan3A_370 : i32 to index
      %get3A_474 = arith.constant 80 : index
      %get3A_475 = tpu.vector_load %arg20[%get3A_473, %get3A_474] {strides = array<i32>} : memref<64x128xf32, #tpu.memory_space<vmem>>, vector<16xf32>,
      %sub3A_476 = arith.subf %add3A_472, %get3A_475 : vector<16xf32>
      %abs3A_477 = math.absf %sub3A_476 : vector<16xf32>
      %add3A_478 = arith.addf %add3A_459, %abs3A_477 : vector<16xf32>
      %get3A_479 = arith.index_cast %scan3A_370 : i32 to index
      %get3A_480 = arith.constant 80 : index
      %get3A_481 = tpu.vector_load %arg21[%get3A_479, %get3A_480] {strides = array<i32>} : memref<64x128xf32, #tpu.memory_space<vmem>>, vector<16xf32>,
      %sub3A_482 = arith.subf %add3A_472, %get3A_481 : vector<16xf32>
      %abs3A_483 = math.absf %sub3A_482 : vector<16xf32>
      %add3A_484 = arith.addf %add3A_465, %abs3A_483 : vector<16xf32>
      %get3A_485 = arith.index_cast %scan3A_370 : i32 to index
      %get3A_486 = arith.constant 96 : index
      %get3A_487 = tpu.vector_load %arg18[%get3A_485, %get3A_486] {strides = array<i32>} : memref<64x128xf32, #tpu.memory_space<vmem>>, vector<16xf32>,
      %get3A_488 = arith.index_cast %scan3A_370 : i32 to index
      %get3A_489 = arith.constant 96 : index
      %get3A_490 = tpu.vector_load %arg19[%get3A_488, %get3A_489] {strides = array<i32>} : memref<64x128xf32, #tpu.memory_space<vmem>>, vector<16xf32>,
      %add3A_491 = arith.addf %get3A_487, %get3A_490 : vector<16xf32>
      %get3A_492 = arith.index_cast %scan3A_370 : i32 to index
      %get3A_493 = arith.constant 96 : index
      %get3A_494 = tpu.vector_load %arg20[%get3A_492, %get3A_493] {strides = array<i32>} : memref<64x128xf32, #tpu.memory_space<vmem>>, vector<16xf32>,
      %sub3A_495 = arith.subf %add3A_491, %get3A_494 : vector<16xf32>
      %abs3A_496 = math.absf %sub3A_495 : vector<16xf32>
      %add3A_497 = arith.addf %add3A_478, %abs3A_496 : vector<16xf32>
      %get3A_498 = arith.index_cast %scan3A_370 : i32 to index
      %get3A_499 = arith.constant 96 : index
      %get3A_500 = tpu.vector_load %arg21[%get3A_498, %get3A_499] {strides = array<i32>} : memref<64x128xf32, #tpu.memory_space<vmem>>, vector<16xf32>,
      %sub3A_501 = arith.subf %add3A_491, %get3A_500 : vector<16xf32>
      %abs3A_502 = math.absf %sub3A_501 : vector<16xf32>
      %add3A_503 = arith.addf %add3A_484, %abs3A_502 : vector<16xf32>
      %get3A_504 = arith.index_cast %scan3A_370 : i32 to index
      %get3A_505 = arith.constant 112 : index
      %get3A_506 = tpu.vector_load %arg18[%get3A_504, %get3A_505] {strides = array<i32>} : memref<64x128xf32, #tpu.memory_space<vmem>>, vector<16xf32>,
      %get3A_507 = arith.index_cast %scan3A_370 : i32 to index
      %get3A_508 = arith.constant 112 : index
      %get3A_509 = tpu.vector_load %arg19[%get3A_507, %get3A_508] {strides = array<i32>} : memref<64x128xf32, #tpu.memory_space<vmem>>, vector<16xf32>,
      %add3A_510 = arith.addf %get3A_506, %get3A_509 : vector<16xf32>
      %get3A_511 = arith.index_cast %scan3A_370 : i32 to index
      %get3A_512 = arith.constant 112 : index
      %get3A_513 = tpu.vector_load %arg20[%get3A_511, %get3A_512] {strides = array<i32>} : memref<64x128xf32, #tpu.memory_space<vmem>>, vector<16xf32>,
      %sub3A_514 = arith.subf %add3A_510, %get3A_513 : vector<16xf32>
      %abs3A_515 = math.absf %sub3A_514 : vector<16xf32>
      %add3A_516 = arith.addf %add3A_497, %abs3A_515 : vector<16xf32>
      %get3A_517 = arith.index_cast %scan3A_370 : i32 to index
      %get3A_518 = arith.constant 112 : index
      %get3A_519 = tpu.vector_load %arg21[%get3A_517, %get3A_518] {strides = array<i32>} : memref<64x128xf32, #tpu.memory_space<vmem>>, vector<16xf32>,
      %sub3A_520 = arith.subf %add3A_510, %get3A_519 : vector<16xf32>
      %abs3A_521 = math.absf %sub3A_520 : vector<16xf32>
      %add3A_522 = arith.addf %add3A_503, %abs3A_521 : vector<16xf32>
      %add3A_523 = arith.constant 192 : i32
      %add3A_524 = arith.addi %add3A_523, %scan3A_370 : i32
      %broadcast_in_dim3A_525 = vector.broadcast %add3A_524 : i32 to vector<16xi32>
      %broadcast_in_dim3A_526 = arith.constant true
      %broadcast_in_dim3A_527 = vector.broadcast %broadcast_in_dim3A_526 : i1 to vector<16xi1>
      %masked_cumsum3A = tpu.scan <sum>, %add3A_516 masked %broadcast_in_dim3A_527 : vector<16xf32>, vector<16xi1> -> vector<16xf32>
      tpu.vector_store_idx %arg22[%broadcast_in_dim3A_525], %masked_cumsum3A masked %eq3A_4 : memref<512xf32, #tpu.memory_space<vmem>>[vector<16xi32>], vector<16xf32>, vector<16xi1>
      %broadcast_in_dim3A_528 = arith.constant true
      %broadcast_in_dim3A_529 = vector.broadcast %broadcast_in_dim3A_528 : i1 to vector<16xi1>
      %masked_cumsum3A_530 = tpu.scan <sum>, %add3A_522 masked %broadcast_in_dim3A_529 : vector<16xf32>, vector<16xi1> -> vector<16xf32>
      tpu.vector_store_idx %arg23[%broadcast_in_dim3A_525], %masked_cumsum3A_530 masked %eq3A_4 : memref<512xf32, #tpu.memory_space<vmem>>[vector<16xi32>], vector<16xf32>, vector<16xi1>
    }
    %scan3A_205 = arith.constant 64 : i32
    %dma_start3A_206 = arith.constant 320 : i32
    %dma_start3A_207 = tpu.memref_slice %arg10[%dma_start3A_206] : memref<512xi32, #tpu.memory_space<vmem>> -> memref<64xi32, #tpu.memory_space<vmem>>
    %dma_start3A_208 = arith.constant 0 : i32
    %dma_start3A_209 = arith.constant 0 : i32
    %dma_start3A_210 = tpu.memref_slice %arg2[%dma_start3A_208, %dma_start3A_209] : memref<100000x128xf32, #tpu.memory_space<hbm>> -> memref<100000x128xf32, #tpu.memory_space<hbm>>
    tpu.enqueue_indirect_dma source(%dma_start3A_210 : memref<100000x128xf32, #tpu.memory_space<hbm>>) target(%arg18 : memref<64x128xf32, #tpu.memory_space<vmem>>) offsets(%dma_start3A_207 : memref<64xi32, #tpu.memory_space<vmem>>) semaphore(%arg25 : memref<!tpu.dma_semaphore, #tpu.memory_space<semaphore_mem>>)
    %dma_start3A_211 = arith.constant 320 : i32
    %dma_start3A_212 = tpu.memref_slice %arg11[%dma_start3A_211] : memref<512xi32, #tpu.memory_space<vmem>> -> memref<64xi32, #tpu.memory_space<vmem>>
    %dma_start3A_213 = arith.constant 0 : i32
    %dma_start3A_214 = arith.constant 0 : i32
    %dma_start3A_215 = tpu.memref_slice %arg3[%dma_start3A_213, %dma_start3A_214] : memref<1000x128xf32, #tpu.memory_space<hbm>> -> memref<1000x128xf32, #tpu.memory_space<hbm>>
    tpu.enqueue_indirect_dma source(%dma_start3A_215 : memref<1000x128xf32, #tpu.memory_space<hbm>>) target(%arg19 : memref<64x128xf32, #tpu.memory_space<vmem>>) offsets(%dma_start3A_212 : memref<64xi32, #tpu.memory_space<vmem>>) semaphore(%arg25 : memref<!tpu.dma_semaphore, #tpu.memory_space<semaphore_mem>>)
    %dma_start3A_216 = arith.constant 320 : i32
    %dma_start3A_217 = tpu.memref_slice %arg12[%dma_start3A_216] : memref<512xi32, #tpu.memory_space<vmem>> -> memref<64xi32, #tpu.memory_space<vmem>>
    %dma_start3A_218 = arith.constant 0 : i32
    %dma_start3A_219 = arith.constant 0 : i32
    %dma_start3A_220 = tpu.memref_slice %arg2[%dma_start3A_218, %dma_start3A_219] : memref<100000x128xf32, #tpu.memory_space<hbm>> -> memref<100000x128xf32, #tpu.memory_space<hbm>>
    tpu.enqueue_indirect_dma source(%dma_start3A_220 : memref<100000x128xf32, #tpu.memory_space<hbm>>) target(%arg20 : memref<64x128xf32, #tpu.memory_space<vmem>>) offsets(%dma_start3A_217 : memref<64xi32, #tpu.memory_space<vmem>>) semaphore(%arg25 : memref<!tpu.dma_semaphore, #tpu.memory_space<semaphore_mem>>)
    %dma_start3A_221 = arith.constant 320 : i32
    %dma_start3A_222 = tpu.memref_slice %arg13[%dma_start3A_221] : memref<512xi32, #tpu.memory_space<vmem>> -> memref<64xi32, #tpu.memory_space<vmem>>
    %dma_start3A_223 = arith.constant 0 : i32
    %dma_start3A_224 = arith.constant 0 : i32
    %dma_start3A_225 = tpu.memref_slice %arg2[%dma_start3A_223, %dma_start3A_224] : memref<100000x128xf32, #tpu.memory_space<hbm>> -> memref<100000x128xf32, #tpu.memory_space<hbm>>
    tpu.enqueue_indirect_dma source(%dma_start3A_225 : memref<100000x128xf32, #tpu.memory_space<hbm>>) target(%arg21 : memref<64x128xf32, #tpu.memory_space<vmem>>) offsets(%dma_start3A_222 : memref<64xi32, #tpu.memory_space<vmem>>) semaphore(%arg25 : memref<!tpu.dma_semaphore, #tpu.memory_space<semaphore_mem>>)
    %dma_wait3A_226 = arith.constant 256 : i32
    %dma_wait3A_227 = tpu.memref_slice %arg10[%dma_wait3A_226] : memref<512xi32, #tpu.memory_space<vmem>> -> memref<64xi32, #tpu.memory_space<vmem>>
    %dma_wait3A_228 = arith.constant 0 : i32
    %dma_wait3A_229 = arith.constant 0 : i32
    %dma_wait3A_230 = tpu.memref_slice %arg2[%dma_wait3A_228, %dma_wait3A_229] : memref<100000x128xf32, #tpu.memory_space<hbm>> -> memref<100000x128xf32, #tpu.memory_space<hbm>>
    tpu.wait_indirect_dma semaphore(%arg24 : memref<!tpu.dma_semaphore, #tpu.memory_space<semaphore_mem>>) src(%dma_wait3A_230 : memref<100000x128xf32, #tpu.memory_space<hbm>>) dst(%arg14 : memref<64x128xf32, #tpu.memory_space<vmem>>)
    %dma_wait3A_231 = arith.constant 256 : i32
    %dma_wait3A_232 = tpu.memref_slice %arg11[%dma_wait3A_231] : memref<512xi32, #tpu.memory_space<vmem>> -> memref<64xi32, #tpu.memory_space<vmem>>
    %dma_wait3A_233 = arith.constant 0 : i32
    %dma_wait3A_234 = arith.constant 0 : i32
    %dma_wait3A_235 = tpu.memref_slice %arg3[%dma_wait3A_233, %dma_wait3A_234] : memref<1000x128xf32, #tpu.memory_space<hbm>> -> memref<1000x128xf32, #tpu.memory_space<hbm>>
    tpu.wait_indirect_dma semaphore(%arg24 : memref<!tpu.dma_semaphore, #tpu.memory_space<semaphore_mem>>) src(%dma_wait3A_235 : memref<1000x128xf32, #tpu.memory_space<hbm>>) dst(%arg15 : memref<64x128xf32, #tpu.memory_space<vmem>>)
    %dma_wait3A_236 = arith.constant 256 : i32
    %dma_wait3A_237 = tpu.memref_slice %arg12[%dma_wait3A_236] : memref<512xi32, #tpu.memory_space<vmem>> -> memref<64xi32, #tpu.memory_space<vmem>>
    %dma_wait3A_238 = arith.constant 0 : i32
    %dma_wait3A_239 = arith.constant 0 : i32
    %dma_wait3A_240 = tpu.memref_slice %arg2[%dma_wait3A_238, %dma_wait3A_239] : memref<100000x128xf32, #tpu.memory_space<hbm>> -> memref<100000x128xf32, #tpu.memory_space<hbm>>
    tpu.wait_indirect_dma semaphore(%arg24 : memref<!tpu.dma_semaphore, #tpu.memory_space<semaphore_mem>>) src(%dma_wait3A_240 : memref<100000x128xf32, #tpu.memory_space<hbm>>) dst(%arg16 : memref<64x128xf32, #tpu.memory_space<vmem>>)
    %dma_wait3A_241 = arith.constant 256 : i32
    %dma_wait3A_242 = tpu.memref_slice %arg13[%dma_wait3A_241] : memref<512xi32, #tpu.memory_space<vmem>> -> memref<64xi32, #tpu.memory_space<vmem>>
    %dma_wait3A_243 = arith.constant 0 : i32
    %dma_wait3A_244 = arith.constant 0 : i32
    %dma_wait3A_245 = tpu.memref_slice %arg2[%dma_wait3A_243, %dma_wait3A_244] : memref<100000x128xf32, #tpu.memory_space<hbm>> -> memref<100000x128xf32, #tpu.memory_space<hbm>>
    tpu.wait_indirect_dma semaphore(%arg24 : memref<!tpu.dma_semaphore, #tpu.memory_space<semaphore_mem>>) src(%dma_wait3A_245 : memref<100000x128xf32, #tpu.memory_space<hbm>>) dst(%arg17 : memref<64x128xf32, #tpu.memory_space<vmem>>)
    %scan3A_246 = arith.constant 0 : i32
    %scan3A_247 = arith.constant 0 : i32
    %scan3A_248 = arith.constant 64 : i32
    %scan3A_249 = arith.addi %scan3A_247, %scan3A_248 : i32
    %scan3A_250 = arith.constant 1 : i32
    scf.for %scan3A_370 = %scan3A_247 to %scan3A_249 step %scan3A_250  : i32 {
      %broadcast_in_dim3A = arith.constant 0.000000e+00 : f32
      %broadcast_in_dim3A_371 = vector.broadcast %broadcast_in_dim3A : f32 to vector<16xf32>
      %broadcast_in_dim3A_372 = arith.constant 0.000000e+00 : f32
      %broadcast_in_dim3A_373 = vector.broadcast %broadcast_in_dim3A_372 : f32 to vector<16xf32>
      %get3A = arith.index_cast %scan3A_370 : i32 to index
      %get3A_374 = arith.constant 0 : index
      %get3A_375 = tpu.vector_load %arg14[%get3A, %get3A_374] {strides = array<i32>} : memref<64x128xf32, #tpu.memory_space<vmem>>, vector<16xf32>,
      %get3A_376 = arith.index_cast %scan3A_370 : i32 to index
      %get3A_377 = arith.constant 0 : index
      %get3A_378 = tpu.vector_load %arg15[%get3A_376, %get3A_377] {strides = array<i32>} : memref<64x128xf32, #tpu.memory_space<vmem>>, vector<16xf32>,
      %add3A_379 = arith.addf %get3A_375, %get3A_378 : vector<16xf32>
      %get3A_380 = arith.index_cast %scan3A_370 : i32 to index
      %get3A_381 = arith.constant 0 : index
      %get3A_382 = tpu.vector_load %arg16[%get3A_380, %get3A_381] {strides = array<i32>} : memref<64x128xf32, #tpu.memory_space<vmem>>, vector<16xf32>,
      %sub3A = arith.subf %add3A_379, %get3A_382 : vector<16xf32>
      %abs3A = math.absf %sub3A : vector<16xf32>
      %add3A_383 = arith.addf %broadcast_in_dim3A_371, %abs3A : vector<16xf32>
      %get3A_384 = arith.index_cast %scan3A_370 : i32 to index
      %get3A_385 = arith.constant 0 : index
      %get3A_386 = tpu.vector_load %arg17[%get3A_384, %get3A_385] {strides = array<i32>} : memref<64x128xf32, #tpu.memory_space<vmem>>, vector<16xf32>,
      %sub3A_387 = arith.subf %add3A_379, %get3A_386 : vector<16xf32>
      %abs3A_388 = math.absf %sub3A_387 : vector<16xf32>
      %add3A_389 = arith.addf %broadcast_in_dim3A_373, %abs3A_388 : vector<16xf32>
      %get3A_390 = arith.index_cast %scan3A_370 : i32 to index
      %get3A_391 = arith.constant 16 : index
      %get3A_392 = tpu.vector_load %arg14[%get3A_390, %get3A_391] {strides = array<i32>} : memref<64x128xf32, #tpu.memory_space<vmem>>, vector<16xf32>,
      %get3A_393 = arith.index_cast %scan3A_370 : i32 to index
      %get3A_394 = arith.constant 16 : index
      %get3A_395 = tpu.vector_load %arg15[%get3A_393, %get3A_394] {strides = array<i32>} : memref<64x128xf32, #tpu.memory_space<vmem>>, vector<16xf32>,
      %add3A_396 = arith.addf %get3A_392, %get3A_395 : vector<16xf32>
      %get3A_397 = arith.index_cast %scan3A_370 : i32 to index
      %get3A_398 = arith.constant 16 : index
      %get3A_399 = tpu.vector_load %arg16[%get3A_397, %get3A_398] {strides = array<i32>} : memref<64x128xf32, #tpu.memory_space<vmem>>, vector<16xf32>,
      %sub3A_400 = arith.subf %add3A_396, %get3A_399 : vector<16xf32>
      %abs3A_401 = math.absf %sub3A_400 : vector<16xf32>
      %add3A_402 = arith.addf %add3A_383, %abs3A_401 : vector<16xf32>
      %get3A_403 = arith.index_cast %scan3A_370 : i32 to index
      %get3A_404 = arith.constant 16 : index
      %get3A_405 = tpu.vector_load %arg17[%get3A_403, %get3A_404] {strides = array<i32>} : memref<64x128xf32, #tpu.memory_space<vmem>>, vector<16xf32>,
      %sub3A_406 = arith.subf %add3A_396, %get3A_405 : vector<16xf32>
      %abs3A_407 = math.absf %sub3A_406 : vector<16xf32>
      %add3A_408 = arith.addf %add3A_389, %abs3A_407 : vector<16xf32>
      %get3A_409 = arith.index_cast %scan3A_370 : i32 to index
      %get3A_410 = arith.constant 32 : index
      %get3A_411 = tpu.vector_load %arg14[%get3A_409, %get3A_410] {strides = array<i32>} : memref<64x128xf32, #tpu.memory_space<vmem>>, vector<16xf32>,
      %get3A_412 = arith.index_cast %scan3A_370 : i32 to index
      %get3A_413 = arith.constant 32 : index
      %get3A_414 = tpu.vector_load %arg15[%get3A_412, %get3A_413] {strides = array<i32>} : memref<64x128xf32, #tpu.memory_space<vmem>>, vector<16xf32>,
      %add3A_415 = arith.addf %get3A_411, %get3A_414 : vector<16xf32>
      %get3A_416 = arith.index_cast %scan3A_370 : i32 to index
      %get3A_417 = arith.constant 32 : index
      %get3A_418 = tpu.vector_load %arg16[%get3A_416, %get3A_417] {strides = array<i32>} : memref<64x128xf32, #tpu.memory_space<vmem>>, vector<16xf32>,
      %sub3A_419 = arith.subf %add3A_415, %get3A_418 : vector<16xf32>
      %abs3A_420 = math.absf %sub3A_419 : vector<16xf32>
      %add3A_421 = arith.addf %add3A_402, %abs3A_420 : vector<16xf32>
      %get3A_422 = arith.index_cast %scan3A_370 : i32 to index
      %get3A_423 = arith.constant 32 : index
      %get3A_424 = tpu.vector_load %arg17[%get3A_422, %get3A_423] {strides = array<i32>} : memref<64x128xf32, #tpu.memory_space<vmem>>, vector<16xf32>,
      %sub3A_425 = arith.subf %add3A_415, %get3A_424 : vector<16xf32>
      %abs3A_426 = math.absf %sub3A_425 : vector<16xf32>
      %add3A_427 = arith.addf %add3A_408, %abs3A_426 : vector<16xf32>
      %get3A_428 = arith.index_cast %scan3A_370 : i32 to index
      %get3A_429 = arith.constant 48 : index
      %get3A_430 = tpu.vector_load %arg14[%get3A_428, %get3A_429] {strides = array<i32>} : memref<64x128xf32, #tpu.memory_space<vmem>>, vector<16xf32>,
      %get3A_431 = arith.index_cast %scan3A_370 : i32 to index
      %get3A_432 = arith.constant 48 : index
      %get3A_433 = tpu.vector_load %arg15[%get3A_431, %get3A_432] {strides = array<i32>} : memref<64x128xf32, #tpu.memory_space<vmem>>, vector<16xf32>,
      %add3A_434 = arith.addf %get3A_430, %get3A_433 : vector<16xf32>
      %get3A_435 = arith.index_cast %scan3A_370 : i32 to index
      %get3A_436 = arith.constant 48 : index
      %get3A_437 = tpu.vector_load %arg16[%get3A_435, %get3A_436] {strides = array<i32>} : memref<64x128xf32, #tpu.memory_space<vmem>>, vector<16xf32>,
      %sub3A_438 = arith.subf %add3A_434, %get3A_437 : vector<16xf32>
      %abs3A_439 = math.absf %sub3A_438 : vector<16xf32>
      %add3A_440 = arith.addf %add3A_421, %abs3A_439 : vector<16xf32>
      %get3A_441 = arith.index_cast %scan3A_370 : i32 to index
      %get3A_442 = arith.constant 48 : index
      %get3A_443 = tpu.vector_load %arg17[%get3A_441, %get3A_442] {strides = array<i32>} : memref<64x128xf32, #tpu.memory_space<vmem>>, vector<16xf32>,
      %sub3A_444 = arith.subf %add3A_434, %get3A_443 : vector<16xf32>
      %abs3A_445 = math.absf %sub3A_444 : vector<16xf32>
      %add3A_446 = arith.addf %add3A_427, %abs3A_445 : vector<16xf32>
      %get3A_447 = arith.index_cast %scan3A_370 : i32 to index
      %get3A_448 = arith.constant 64 : index
      %get3A_449 = tpu.vector_load %arg14[%get3A_447, %get3A_448] {strides = array<i32>} : memref<64x128xf32, #tpu.memory_space<vmem>>, vector<16xf32>,
      %get3A_450 = arith.index_cast %scan3A_370 : i32 to index
      %get3A_451 = arith.constant 64 : index
      %get3A_452 = tpu.vector_load %arg15[%get3A_450, %get3A_451] {strides = array<i32>} : memref<64x128xf32, #tpu.memory_space<vmem>>, vector<16xf32>,
      %add3A_453 = arith.addf %get3A_449, %get3A_452 : vector<16xf32>
      %get3A_454 = arith.index_cast %scan3A_370 : i32 to index
      %get3A_455 = arith.constant 64 : index
      %get3A_456 = tpu.vector_load %arg16[%get3A_454, %get3A_455] {strides = array<i32>} : memref<64x128xf32, #tpu.memory_space<vmem>>, vector<16xf32>,
      %sub3A_457 = arith.subf %add3A_453, %get3A_456 : vector<16xf32>
      %abs3A_458 = math.absf %sub3A_457 : vector<16xf32>
      %add3A_459 = arith.addf %add3A_440, %abs3A_458 : vector<16xf32>
      %get3A_460 = arith.index_cast %scan3A_370 : i32 to index
      %get3A_461 = arith.constant 64 : index
      %get3A_462 = tpu.vector_load %arg17[%get3A_460, %get3A_461] {strides = array<i32>} : memref<64x128xf32, #tpu.memory_space<vmem>>, vector<16xf32>,
      %sub3A_463 = arith.subf %add3A_453, %get3A_462 : vector<16xf32>
      %abs3A_464 = math.absf %sub3A_463 : vector<16xf32>
      %add3A_465 = arith.addf %add3A_446, %abs3A_464 : vector<16xf32>
      %get3A_466 = arith.index_cast %scan3A_370 : i32 to index
      %get3A_467 = arith.constant 80 : index
      %get3A_468 = tpu.vector_load %arg14[%get3A_466, %get3A_467] {strides = array<i32>} : memref<64x128xf32, #tpu.memory_space<vmem>>, vector<16xf32>,
      %get3A_469 = arith.index_cast %scan3A_370 : i32 to index
      %get3A_470 = arith.constant 80 : index
      %get3A_471 = tpu.vector_load %arg15[%get3A_469, %get3A_470] {strides = array<i32>} : memref<64x128xf32, #tpu.memory_space<vmem>>, vector<16xf32>,
      %add3A_472 = arith.addf %get3A_468, %get3A_471 : vector<16xf32>
      %get3A_473 = arith.index_cast %scan3A_370 : i32 to index
      %get3A_474 = arith.constant 80 : index
      %get3A_475 = tpu.vector_load %arg16[%get3A_473, %get3A_474] {strides = array<i32>} : memref<64x128xf32, #tpu.memory_space<vmem>>, vector<16xf32>,
      %sub3A_476 = arith.subf %add3A_472, %get3A_475 : vector<16xf32>
      %abs3A_477 = math.absf %sub3A_476 : vector<16xf32>
      %add3A_478 = arith.addf %add3A_459, %abs3A_477 : vector<16xf32>
      %get3A_479 = arith.index_cast %scan3A_370 : i32 to index
      %get3A_480 = arith.constant 80 : index
      %get3A_481 = tpu.vector_load %arg17[%get3A_479, %get3A_480] {strides = array<i32>} : memref<64x128xf32, #tpu.memory_space<vmem>>, vector<16xf32>,
      %sub3A_482 = arith.subf %add3A_472, %get3A_481 : vector<16xf32>
      %abs3A_483 = math.absf %sub3A_482 : vector<16xf32>
      %add3A_484 = arith.addf %add3A_465, %abs3A_483 : vector<16xf32>
      %get3A_485 = arith.index_cast %scan3A_370 : i32 to index
      %get3A_486 = arith.constant 96 : index
      %get3A_487 = tpu.vector_load %arg14[%get3A_485, %get3A_486] {strides = array<i32>} : memref<64x128xf32, #tpu.memory_space<vmem>>, vector<16xf32>,
      %get3A_488 = arith.index_cast %scan3A_370 : i32 to index
      %get3A_489 = arith.constant 96 : index
      %get3A_490 = tpu.vector_load %arg15[%get3A_488, %get3A_489] {strides = array<i32>} : memref<64x128xf32, #tpu.memory_space<vmem>>, vector<16xf32>,
      %add3A_491 = arith.addf %get3A_487, %get3A_490 : vector<16xf32>
      %get3A_492 = arith.index_cast %scan3A_370 : i32 to index
      %get3A_493 = arith.constant 96 : index
      %get3A_494 = tpu.vector_load %arg16[%get3A_492, %get3A_493] {strides = array<i32>} : memref<64x128xf32, #tpu.memory_space<vmem>>, vector<16xf32>,
      %sub3A_495 = arith.subf %add3A_491, %get3A_494 : vector<16xf32>
      %abs3A_496 = math.absf %sub3A_495 : vector<16xf32>
      %add3A_497 = arith.addf %add3A_478, %abs3A_496 : vector<16xf32>
      %get3A_498 = arith.index_cast %scan3A_370 : i32 to index
      %get3A_499 = arith.constant 96 : index
      %get3A_500 = tpu.vector_load %arg17[%get3A_498, %get3A_499] {strides = array<i32>} : memref<64x128xf32, #tpu.memory_space<vmem>>, vector<16xf32>,
      %sub3A_501 = arith.subf %add3A_491, %get3A_500 : vector<16xf32>
      %abs3A_502 = math.absf %sub3A_501 : vector<16xf32>
      %add3A_503 = arith.addf %add3A_484, %abs3A_502 : vector<16xf32>
      %get3A_504 = arith.index_cast %scan3A_370 : i32 to index
      %get3A_505 = arith.constant 112 : index
      %get3A_506 = tpu.vector_load %arg14[%get3A_504, %get3A_505] {strides = array<i32>} : memref<64x128xf32, #tpu.memory_space<vmem>>, vector<16xf32>,
      %get3A_507 = arith.index_cast %scan3A_370 : i32 to index
      %get3A_508 = arith.constant 112 : index
      %get3A_509 = tpu.vector_load %arg15[%get3A_507, %get3A_508] {strides = array<i32>} : memref<64x128xf32, #tpu.memory_space<vmem>>, vector<16xf32>,
      %add3A_510 = arith.addf %get3A_506, %get3A_509 : vector<16xf32>
      %get3A_511 = arith.index_cast %scan3A_370 : i32 to index
      %get3A_512 = arith.constant 112 : index
      %get3A_513 = tpu.vector_load %arg16[%get3A_511, %get3A_512] {strides = array<i32>} : memref<64x128xf32, #tpu.memory_space<vmem>>, vector<16xf32>,
      %sub3A_514 = arith.subf %add3A_510, %get3A_513 : vector<16xf32>
      %abs3A_515 = math.absf %sub3A_514 : vector<16xf32>
      %add3A_516 = arith.addf %add3A_497, %abs3A_515 : vector<16xf32>
      %get3A_517 = arith.index_cast %scan3A_370 : i32 to index
      %get3A_518 = arith.constant 112 : index
      %get3A_519 = tpu.vector_load %arg17[%get3A_517, %get3A_518] {strides = array<i32>} : memref<64x128xf32, #tpu.memory_space<vmem>>, vector<16xf32>,
      %sub3A_520 = arith.subf %add3A_510, %get3A_519 : vector<16xf32>
      %abs3A_521 = math.absf %sub3A_520 : vector<16xf32>
      %add3A_522 = arith.addf %add3A_503, %abs3A_521 : vector<16xf32>
      %add3A_523 = arith.constant 256 : i32
      %add3A_524 = arith.addi %add3A_523, %scan3A_370 : i32
      %broadcast_in_dim3A_525 = vector.broadcast %add3A_524 : i32 to vector<16xi32>
      %broadcast_in_dim3A_526 = arith.constant true
      %broadcast_in_dim3A_527 = vector.broadcast %broadcast_in_dim3A_526 : i1 to vector<16xi1>
      %masked_cumsum3A = tpu.scan <sum>, %add3A_516 masked %broadcast_in_dim3A_527 : vector<16xf32>, vector<16xi1> -> vector<16xf32>
      tpu.vector_store_idx %arg22[%broadcast_in_dim3A_525], %masked_cumsum3A masked %eq3A_4 : memref<512xf32, #tpu.memory_space<vmem>>[vector<16xi32>], vector<16xf32>, vector<16xi1>
      %broadcast_in_dim3A_528 = arith.constant true
      %broadcast_in_dim3A_529 = vector.broadcast %broadcast_in_dim3A_528 : i1 to vector<16xi1>
      %masked_cumsum3A_530 = tpu.scan <sum>, %add3A_522 masked %broadcast_in_dim3A_529 : vector<16xf32>, vector<16xi1> -> vector<16xf32>
      tpu.vector_store_idx %arg23[%broadcast_in_dim3A_525], %masked_cumsum3A_530 masked %eq3A_4 : memref<512xf32, #tpu.memory_space<vmem>>[vector<16xi32>], vector<16xf32>, vector<16xi1>
    }
    %scan3A_251 = arith.constant 64 : i32
    %dma_start3A_252 = arith.constant 384 : i32
    %dma_start3A_253 = tpu.memref_slice %arg10[%dma_start3A_252] : memref<512xi32, #tpu.memory_space<vmem>> -> memref<64xi32, #tpu.memory_space<vmem>>
    %dma_start3A_254 = arith.constant 0 : i32
    %dma_start3A_255 = arith.constant 0 : i32
    %dma_start3A_256 = tpu.memref_slice %arg2[%dma_start3A_254, %dma_start3A_255] : memref<100000x128xf32, #tpu.memory_space<hbm>> -> memref<100000x128xf32, #tpu.memory_space<hbm>>
    tpu.enqueue_indirect_dma source(%dma_start3A_256 : memref<100000x128xf32, #tpu.memory_space<hbm>>) target(%arg14 : memref<64x128xf32, #tpu.memory_space<vmem>>) offsets(%dma_start3A_253 : memref<64xi32, #tpu.memory_space<vmem>>) semaphore(%arg24 : memref<!tpu.dma_semaphore, #tpu.memory_space<semaphore_mem>>)
    %dma_start3A_257 = arith.constant 384 : i32
    %dma_start3A_258 = tpu.memref_slice %arg11[%dma_start3A_257] : memref<512xi32, #tpu.memory_space<vmem>> -> memref<64xi32, #tpu.memory_space<vmem>>
    %dma_start3A_259 = arith.constant 0 : i32
    %dma_start3A_260 = arith.constant 0 : i32
    %dma_start3A_261 = tpu.memref_slice %arg3[%dma_start3A_259, %dma_start3A_260] : memref<1000x128xf32, #tpu.memory_space<hbm>> -> memref<1000x128xf32, #tpu.memory_space<hbm>>
    tpu.enqueue_indirect_dma source(%dma_start3A_261 : memref<1000x128xf32, #tpu.memory_space<hbm>>) target(%arg15 : memref<64x128xf32, #tpu.memory_space<vmem>>) offsets(%dma_start3A_258 : memref<64xi32, #tpu.memory_space<vmem>>) semaphore(%arg24 : memref<!tpu.dma_semaphore, #tpu.memory_space<semaphore_mem>>)
    %dma_start3A_262 = arith.constant 384 : i32
    %dma_start3A_263 = tpu.memref_slice %arg12[%dma_start3A_262] : memref<512xi32, #tpu.memory_space<vmem>> -> memref<64xi32, #tpu.memory_space<vmem>>
    %dma_start3A_264 = arith.constant 0 : i32
    %dma_start3A_265 = arith.constant 0 : i32
    %dma_start3A_266 = tpu.memref_slice %arg2[%dma_start3A_264, %dma_start3A_265] : memref<100000x128xf32, #tpu.memory_space<hbm>> -> memref<100000x128xf32, #tpu.memory_space<hbm>>
    tpu.enqueue_indirect_dma source(%dma_start3A_266 : memref<100000x128xf32, #tpu.memory_space<hbm>>) target(%arg16 : memref<64x128xf32, #tpu.memory_space<vmem>>) offsets(%dma_start3A_263 : memref<64xi32, #tpu.memory_space<vmem>>) semaphore(%arg24 : memref<!tpu.dma_semaphore, #tpu.memory_space<semaphore_mem>>)
    %dma_start3A_267 = arith.constant 384 : i32
    %dma_start3A_268 = tpu.memref_slice %arg13[%dma_start3A_267] : memref<512xi32, #tpu.memory_space<vmem>> -> memref<64xi32, #tpu.memory_space<vmem>>
    %dma_start3A_269 = arith.constant 0 : i32
    %dma_start3A_270 = arith.constant 0 : i32
    %dma_start3A_271 = tpu.memref_slice %arg2[%dma_start3A_269, %dma_start3A_270] : memref<100000x128xf32, #tpu.memory_space<hbm>> -> memref<100000x128xf32, #tpu.memory_space<hbm>>
    tpu.enqueue_indirect_dma source(%dma_start3A_271 : memref<100000x128xf32, #tpu.memory_space<hbm>>) target(%arg17 : memref<64x128xf32, #tpu.memory_space<vmem>>) offsets(%dma_start3A_268 : memref<64xi32, #tpu.memory_space<vmem>>) semaphore(%arg24 : memref<!tpu.dma_semaphore, #tpu.memory_space<semaphore_mem>>)
    %dma_wait3A_272 = arith.constant 320 : i32
    %dma_wait3A_273 = tpu.memref_slice %arg10[%dma_wait3A_272] : memref<512xi32, #tpu.memory_space<vmem>> -> memref<64xi32, #tpu.memory_space<vmem>>
    %dma_wait3A_274 = arith.constant 0 : i32
    %dma_wait3A_275 = arith.constant 0 : i32
    %dma_wait3A_276 = tpu.memref_slice %arg2[%dma_wait3A_274, %dma_wait3A_275] : memref<100000x128xf32, #tpu.memory_space<hbm>> -> memref<100000x128xf32, #tpu.memory_space<hbm>>
    tpu.wait_indirect_dma semaphore(%arg25 : memref<!tpu.dma_semaphore, #tpu.memory_space<semaphore_mem>>) src(%dma_wait3A_276 : memref<100000x128xf32, #tpu.memory_space<hbm>>) dst(%arg18 : memref<64x128xf32, #tpu.memory_space<vmem>>)
    %dma_wait3A_277 = arith.constant 320 : i32
    %dma_wait3A_278 = tpu.memref_slice %arg11[%dma_wait3A_277] : memref<512xi32, #tpu.memory_space<vmem>> -> memref<64xi32, #tpu.memory_space<vmem>>
    %dma_wait3A_279 = arith.constant 0 : i32
    %dma_wait3A_280 = arith.constant 0 : i32
    %dma_wait3A_281 = tpu.memref_slice %arg3[%dma_wait3A_279, %dma_wait3A_280] : memref<1000x128xf32, #tpu.memory_space<hbm>> -> memref<1000x128xf32, #tpu.memory_space<hbm>>
    tpu.wait_indirect_dma semaphore(%arg25 : memref<!tpu.dma_semaphore, #tpu.memory_space<semaphore_mem>>) src(%dma_wait3A_281 : memref<1000x128xf32, #tpu.memory_space<hbm>>) dst(%arg19 : memref<64x128xf32, #tpu.memory_space<vmem>>)
    %dma_wait3A_282 = arith.constant 320 : i32
    %dma_wait3A_283 = tpu.memref_slice %arg12[%dma_wait3A_282] : memref<512xi32, #tpu.memory_space<vmem>> -> memref<64xi32, #tpu.memory_space<vmem>>
    %dma_wait3A_284 = arith.constant 0 : i32
    %dma_wait3A_285 = arith.constant 0 : i32
    %dma_wait3A_286 = tpu.memref_slice %arg2[%dma_wait3A_284, %dma_wait3A_285] : memref<100000x128xf32, #tpu.memory_space<hbm>> -> memref<100000x128xf32, #tpu.memory_space<hbm>>
    tpu.wait_indirect_dma semaphore(%arg25 : memref<!tpu.dma_semaphore, #tpu.memory_space<semaphore_mem>>) src(%dma_wait3A_286 : memref<100000x128xf32, #tpu.memory_space<hbm>>) dst(%arg20 : memref<64x128xf32, #tpu.memory_space<vmem>>)
    %dma_wait3A_287 = arith.constant 320 : i32
    %dma_wait3A_288 = tpu.memref_slice %arg13[%dma_wait3A_287] : memref<512xi32, #tpu.memory_space<vmem>> -> memref<64xi32, #tpu.memory_space<vmem>>
    %dma_wait3A_289 = arith.constant 0 : i32
    %dma_wait3A_290 = arith.constant 0 : i32
    %dma_wait3A_291 = tpu.memref_slice %arg2[%dma_wait3A_289, %dma_wait3A_290] : memref<100000x128xf32, #tpu.memory_space<hbm>> -> memref<100000x128xf32, #tpu.memory_space<hbm>>
    tpu.wait_indirect_dma semaphore(%arg25 : memref<!tpu.dma_semaphore, #tpu.memory_space<semaphore_mem>>) src(%dma_wait3A_291 : memref<100000x128xf32, #tpu.memory_space<hbm>>) dst(%arg21 : memref<64x128xf32, #tpu.memory_space<vmem>>)
    %scan3A_292 = arith.constant 0 : i32
    %scan3A_293 = arith.constant 0 : i32
    %scan3A_294 = arith.constant 64 : i32
    %scan3A_295 = arith.addi %scan3A_293, %scan3A_294 : i32
    %scan3A_296 = arith.constant 1 : i32
    scf.for %scan3A_370 = %scan3A_293 to %scan3A_295 step %scan3A_296  : i32 {
      %broadcast_in_dim3A = arith.constant 0.000000e+00 : f32
      %broadcast_in_dim3A_371 = vector.broadcast %broadcast_in_dim3A : f32 to vector<16xf32>
      %broadcast_in_dim3A_372 = arith.constant 0.000000e+00 : f32
      %broadcast_in_dim3A_373 = vector.broadcast %broadcast_in_dim3A_372 : f32 to vector<16xf32>
      %get3A = arith.index_cast %scan3A_370 : i32 to index
      %get3A_374 = arith.constant 0 : index
      %get3A_375 = tpu.vector_load %arg18[%get3A, %get3A_374] {strides = array<i32>} : memref<64x128xf32, #tpu.memory_space<vmem>>, vector<16xf32>,
      %get3A_376 = arith.index_cast %scan3A_370 : i32 to index
      %get3A_377 = arith.constant 0 : index
      %get3A_378 = tpu.vector_load %arg19[%get3A_376, %get3A_377] {strides = array<i32>} : memref<64x128xf32, #tpu.memory_space<vmem>>, vector<16xf32>,
      %add3A_379 = arith.addf %get3A_375, %get3A_378 : vector<16xf32>
      %get3A_380 = arith.index_cast %scan3A_370 : i32 to index
      %get3A_381 = arith.constant 0 : index
      %get3A_382 = tpu.vector_load %arg20[%get3A_380, %get3A_381] {strides = array<i32>} : memref<64x128xf32, #tpu.memory_space<vmem>>, vector<16xf32>,
      %sub3A = arith.subf %add3A_379, %get3A_382 : vector<16xf32>
      %abs3A = math.absf %sub3A : vector<16xf32>
      %add3A_383 = arith.addf %broadcast_in_dim3A_371, %abs3A : vector<16xf32>
      %get3A_384 = arith.index_cast %scan3A_370 : i32 to index
      %get3A_385 = arith.constant 0 : index
      %get3A_386 = tpu.vector_load %arg21[%get3A_384, %get3A_385] {strides = array<i32>} : memref<64x128xf32, #tpu.memory_space<vmem>>, vector<16xf32>,
      %sub3A_387 = arith.subf %add3A_379, %get3A_386 : vector<16xf32>
      %abs3A_388 = math.absf %sub3A_387 : vector<16xf32>
      %add3A_389 = arith.addf %broadcast_in_dim3A_373, %abs3A_388 : vector<16xf32>
      %get3A_390 = arith.index_cast %scan3A_370 : i32 to index
      %get3A_391 = arith.constant 16 : index
      %get3A_392 = tpu.vector_load %arg18[%get3A_390, %get3A_391] {strides = array<i32>} : memref<64x128xf32, #tpu.memory_space<vmem>>, vector<16xf32>,
      %get3A_393 = arith.index_cast %scan3A_370 : i32 to index
      %get3A_394 = arith.constant 16 : index
      %get3A_395 = tpu.vector_load %arg19[%get3A_393, %get3A_394] {strides = array<i32>} : memref<64x128xf32, #tpu.memory_space<vmem>>, vector<16xf32>,
      %add3A_396 = arith.addf %get3A_392, %get3A_395 : vector<16xf32>
      %get3A_397 = arith.index_cast %scan3A_370 : i32 to index
      %get3A_398 = arith.constant 16 : index
      %get3A_399 = tpu.vector_load %arg20[%get3A_397, %get3A_398] {strides = array<i32>} : memref<64x128xf32, #tpu.memory_space<vmem>>, vector<16xf32>,
      %sub3A_400 = arith.subf %add3A_396, %get3A_399 : vector<16xf32>
      %abs3A_401 = math.absf %sub3A_400 : vector<16xf32>
      %add3A_402 = arith.addf %add3A_383, %abs3A_401 : vector<16xf32>
      %get3A_403 = arith.index_cast %scan3A_370 : i32 to index
      %get3A_404 = arith.constant 16 : index
      %get3A_405 = tpu.vector_load %arg21[%get3A_403, %get3A_404] {strides = array<i32>} : memref<64x128xf32, #tpu.memory_space<vmem>>, vector<16xf32>,
      %sub3A_406 = arith.subf %add3A_396, %get3A_405 : vector<16xf32>
      %abs3A_407 = math.absf %sub3A_406 : vector<16xf32>
      %add3A_408 = arith.addf %add3A_389, %abs3A_407 : vector<16xf32>
      %get3A_409 = arith.index_cast %scan3A_370 : i32 to index
      %get3A_410 = arith.constant 32 : index
      %get3A_411 = tpu.vector_load %arg18[%get3A_409, %get3A_410] {strides = array<i32>} : memref<64x128xf32, #tpu.memory_space<vmem>>, vector<16xf32>,
      %get3A_412 = arith.index_cast %scan3A_370 : i32 to index
      %get3A_413 = arith.constant 32 : index
      %get3A_414 = tpu.vector_load %arg19[%get3A_412, %get3A_413] {strides = array<i32>} : memref<64x128xf32, #tpu.memory_space<vmem>>, vector<16xf32>,
      %add3A_415 = arith.addf %get3A_411, %get3A_414 : vector<16xf32>
      %get3A_416 = arith.index_cast %scan3A_370 : i32 to index
      %get3A_417 = arith.constant 32 : index
      %get3A_418 = tpu.vector_load %arg20[%get3A_416, %get3A_417] {strides = array<i32>} : memref<64x128xf32, #tpu.memory_space<vmem>>, vector<16xf32>,
      %sub3A_419 = arith.subf %add3A_415, %get3A_418 : vector<16xf32>
      %abs3A_420 = math.absf %sub3A_419 : vector<16xf32>
      %add3A_421 = arith.addf %add3A_402, %abs3A_420 : vector<16xf32>
      %get3A_422 = arith.index_cast %scan3A_370 : i32 to index
      %get3A_423 = arith.constant 32 : index
      %get3A_424 = tpu.vector_load %arg21[%get3A_422, %get3A_423] {strides = array<i32>} : memref<64x128xf32, #tpu.memory_space<vmem>>, vector<16xf32>,
      %sub3A_425 = arith.subf %add3A_415, %get3A_424 : vector<16xf32>
      %abs3A_426 = math.absf %sub3A_425 : vector<16xf32>
      %add3A_427 = arith.addf %add3A_408, %abs3A_426 : vector<16xf32>
      %get3A_428 = arith.index_cast %scan3A_370 : i32 to index
      %get3A_429 = arith.constant 48 : index
      %get3A_430 = tpu.vector_load %arg18[%get3A_428, %get3A_429] {strides = array<i32>} : memref<64x128xf32, #tpu.memory_space<vmem>>, vector<16xf32>,
      %get3A_431 = arith.index_cast %scan3A_370 : i32 to index
      %get3A_432 = arith.constant 48 : index
      %get3A_433 = tpu.vector_load %arg19[%get3A_431, %get3A_432] {strides = array<i32>} : memref<64x128xf32, #tpu.memory_space<vmem>>, vector<16xf32>,
      %add3A_434 = arith.addf %get3A_430, %get3A_433 : vector<16xf32>
      %get3A_435 = arith.index_cast %scan3A_370 : i32 to index
      %get3A_436 = arith.constant 48 : index
      %get3A_437 = tpu.vector_load %arg20[%get3A_435, %get3A_436] {strides = array<i32>} : memref<64x128xf32, #tpu.memory_space<vmem>>, vector<16xf32>,
      %sub3A_438 = arith.subf %add3A_434, %get3A_437 : vector<16xf32>
      %abs3A_439 = math.absf %sub3A_438 : vector<16xf32>
      %add3A_440 = arith.addf %add3A_421, %abs3A_439 : vector<16xf32>
      %get3A_441 = arith.index_cast %scan3A_370 : i32 to index
      %get3A_442 = arith.constant 48 : index
      %get3A_443 = tpu.vector_load %arg21[%get3A_441, %get3A_442] {strides = array<i32>} : memref<64x128xf32, #tpu.memory_space<vmem>>, vector<16xf32>,
      %sub3A_444 = arith.subf %add3A_434, %get3A_443 : vector<16xf32>
      %abs3A_445 = math.absf %sub3A_444 : vector<16xf32>
      %add3A_446 = arith.addf %add3A_427, %abs3A_445 : vector<16xf32>
      %get3A_447 = arith.index_cast %scan3A_370 : i32 to index
      %get3A_448 = arith.constant 64 : index
      %get3A_449 = tpu.vector_load %arg18[%get3A_447, %get3A_448] {strides = array<i32>} : memref<64x128xf32, #tpu.memory_space<vmem>>, vector<16xf32>,
      %get3A_450 = arith.index_cast %scan3A_370 : i32 to index
      %get3A_451 = arith.constant 64 : index
      %get3A_452 = tpu.vector_load %arg19[%get3A_450, %get3A_451] {strides = array<i32>} : memref<64x128xf32, #tpu.memory_space<vmem>>, vector<16xf32>,
      %add3A_453 = arith.addf %get3A_449, %get3A_452 : vector<16xf32>
      %get3A_454 = arith.index_cast %scan3A_370 : i32 to index
      %get3A_455 = arith.constant 64 : index
      %get3A_456 = tpu.vector_load %arg20[%get3A_454, %get3A_455] {strides = array<i32>} : memref<64x128xf32, #tpu.memory_space<vmem>>, vector<16xf32>,
      %sub3A_457 = arith.subf %add3A_453, %get3A_456 : vector<16xf32>
      %abs3A_458 = math.absf %sub3A_457 : vector<16xf32>
      %add3A_459 = arith.addf %add3A_440, %abs3A_458 : vector<16xf32>
      %get3A_460 = arith.index_cast %scan3A_370 : i32 to index
      %get3A_461 = arith.constant 64 : index
      %get3A_462 = tpu.vector_load %arg21[%get3A_460, %get3A_461] {strides = array<i32>} : memref<64x128xf32, #tpu.memory_space<vmem>>, vector<16xf32>,
      %sub3A_463 = arith.subf %add3A_453, %get3A_462 : vector<16xf32>
      %abs3A_464 = math.absf %sub3A_463 : vector<16xf32>
      %add3A_465 = arith.addf %add3A_446, %abs3A_464 : vector<16xf32>
      %get3A_466 = arith.index_cast %scan3A_370 : i32 to index
      %get3A_467 = arith.constant 80 : index
      %get3A_468 = tpu.vector_load %arg18[%get3A_466, %get3A_467] {strides = array<i32>} : memref<64x128xf32, #tpu.memory_space<vmem>>, vector<16xf32>,
      %get3A_469 = arith.index_cast %scan3A_370 : i32 to index
      %get3A_470 = arith.constant 80 : index
      %get3A_471 = tpu.vector_load %arg19[%get3A_469, %get3A_470] {strides = array<i32>} : memref<64x128xf32, #tpu.memory_space<vmem>>, vector<16xf32>,
      %add3A_472 = arith.addf %get3A_468, %get3A_471 : vector<16xf32>
      %get3A_473 = arith.index_cast %scan3A_370 : i32 to index
      %get3A_474 = arith.constant 80 : index
      %get3A_475 = tpu.vector_load %arg20[%get3A_473, %get3A_474] {strides = array<i32>} : memref<64x128xf32, #tpu.memory_space<vmem>>, vector<16xf32>,
      %sub3A_476 = arith.subf %add3A_472, %get3A_475 : vector<16xf32>
      %abs3A_477 = math.absf %sub3A_476 : vector<16xf32>
      %add3A_478 = arith.addf %add3A_459, %abs3A_477 : vector<16xf32>
      %get3A_479 = arith.index_cast %scan3A_370 : i32 to index
      %get3A_480 = arith.constant 80 : index
      %get3A_481 = tpu.vector_load %arg21[%get3A_479, %get3A_480] {strides = array<i32>} : memref<64x128xf32, #tpu.memory_space<vmem>>, vector<16xf32>,
      %sub3A_482 = arith.subf %add3A_472, %get3A_481 : vector<16xf32>
      %abs3A_483 = math.absf %sub3A_482 : vector<16xf32>
      %add3A_484 = arith.addf %add3A_465, %abs3A_483 : vector<16xf32>
      %get3A_485 = arith.index_cast %scan3A_370 : i32 to index
      %get3A_486 = arith.constant 96 : index
      %get3A_487 = tpu.vector_load %arg18[%get3A_485, %get3A_486] {strides = array<i32>} : memref<64x128xf32, #tpu.memory_space<vmem>>, vector<16xf32>,
      %get3A_488 = arith.index_cast %scan3A_370 : i32 to index
      %get3A_489 = arith.constant 96 : index
      %get3A_490 = tpu.vector_load %arg19[%get3A_488, %get3A_489] {strides = array<i32>} : memref<64x128xf32, #tpu.memory_space<vmem>>, vector<16xf32>,
      %add3A_491 = arith.addf %get3A_487, %get3A_490 : vector<16xf32>
      %get3A_492 = arith.index_cast %scan3A_370 : i32 to index
      %get3A_493 = arith.constant 96 : index
      %get3A_494 = tpu.vector_load %arg20[%get3A_492, %get3A_493] {strides = array<i32>} : memref<64x128xf32, #tpu.memory_space<vmem>>, vector<16xf32>,
      %sub3A_495 = arith.subf %add3A_491, %get3A_494 : vector<16xf32>
      %abs3A_496 = math.absf %sub3A_495 : vector<16xf32>
      %add3A_497 = arith.addf %add3A_478, %abs3A_496 : vector<16xf32>
      %get3A_498 = arith.index_cast %scan3A_370 : i32 to index
      %get3A_499 = arith.constant 96 : index
      %get3A_500 = tpu.vector_load %arg21[%get3A_498, %get3A_499] {strides = array<i32>} : memref<64x128xf32, #tpu.memory_space<vmem>>, vector<16xf32>,
      %sub3A_501 = arith.subf %add3A_491, %get3A_500 : vector<16xf32>
      %abs3A_502 = math.absf %sub3A_501 : vector<16xf32>
      %add3A_503 = arith.addf %add3A_484, %abs3A_502 : vector<16xf32>
      %get3A_504 = arith.index_cast %scan3A_370 : i32 to index
      %get3A_505 = arith.constant 112 : index
      %get3A_506 = tpu.vector_load %arg18[%get3A_504, %get3A_505] {strides = array<i32>} : memref<64x128xf32, #tpu.memory_space<vmem>>, vector<16xf32>,
      %get3A_507 = arith.index_cast %scan3A_370 : i32 to index
      %get3A_508 = arith.constant 112 : index
      %get3A_509 = tpu.vector_load %arg19[%get3A_507, %get3A_508] {strides = array<i32>} : memref<64x128xf32, #tpu.memory_space<vmem>>, vector<16xf32>,
      %add3A_510 = arith.addf %get3A_506, %get3A_509 : vector<16xf32>
      %get3A_511 = arith.index_cast %scan3A_370 : i32 to index
      %get3A_512 = arith.constant 112 : index
      %get3A_513 = tpu.vector_load %arg20[%get3A_511, %get3A_512] {strides = array<i32>} : memref<64x128xf32, #tpu.memory_space<vmem>>, vector<16xf32>,
      %sub3A_514 = arith.subf %add3A_510, %get3A_513 : vector<16xf32>
      %abs3A_515 = math.absf %sub3A_514 : vector<16xf32>
      %add3A_516 = arith.addf %add3A_497, %abs3A_515 : vector<16xf32>
      %get3A_517 = arith.index_cast %scan3A_370 : i32 to index
      %get3A_518 = arith.constant 112 : index
      %get3A_519 = tpu.vector_load %arg21[%get3A_517, %get3A_518] {strides = array<i32>} : memref<64x128xf32, #tpu.memory_space<vmem>>, vector<16xf32>,
      %sub3A_520 = arith.subf %add3A_510, %get3A_519 : vector<16xf32>
      %abs3A_521 = math.absf %sub3A_520 : vector<16xf32>
      %add3A_522 = arith.addf %add3A_503, %abs3A_521 : vector<16xf32>
      %add3A_523 = arith.constant 320 : i32
      %add3A_524 = arith.addi %add3A_523, %scan3A_370 : i32
      %broadcast_in_dim3A_525 = vector.broadcast %add3A_524 : i32 to vector<16xi32>
      %broadcast_in_dim3A_526 = arith.constant true
      %broadcast_in_dim3A_527 = vector.broadcast %broadcast_in_dim3A_526 : i1 to vector<16xi1>
      %masked_cumsum3A = tpu.scan <sum>, %add3A_516 masked %broadcast_in_dim3A_527 : vector<16xf32>, vector<16xi1> -> vector<16xf32>
      tpu.vector_store_idx %arg22[%broadcast_in_dim3A_525], %masked_cumsum3A masked %eq3A_4 : memref<512xf32, #tpu.memory_space<vmem>>[vector<16xi32>], vector<16xf32>, vector<16xi1>
      %broadcast_in_dim3A_528 = arith.constant true
      %broadcast_in_dim3A_529 = vector.broadcast %broadcast_in_dim3A_528 : i1 to vector<16xi1>
      %masked_cumsum3A_530 = tpu.scan <sum>, %add3A_522 masked %broadcast_in_dim3A_529 : vector<16xf32>, vector<16xi1> -> vector<16xf32>
      tpu.vector_store_idx %arg23[%broadcast_in_dim3A_525], %masked_cumsum3A_530 masked %eq3A_4 : memref<512xf32, #tpu.memory_space<vmem>>[vector<16xi32>], vector<16xf32>, vector<16xi1>
    }
    %scan3A_297 = arith.constant 64 : i32
    %dma_start3A_298 = arith.constant 448 : i32
    %dma_start3A_299 = tpu.memref_slice %arg10[%dma_start3A_298] : memref<512xi32, #tpu.memory_space<vmem>> -> memref<64xi32, #tpu.memory_space<vmem>>
    %dma_start3A_300 = arith.constant 0 : i32
    %dma_start3A_301 = arith.constant 0 : i32
    %dma_start3A_302 = tpu.memref_slice %arg2[%dma_start3A_300, %dma_start3A_301] : memref<100000x128xf32, #tpu.memory_space<hbm>> -> memref<100000x128xf32, #tpu.memory_space<hbm>>
    tpu.enqueue_indirect_dma source(%dma_start3A_302 : memref<100000x128xf32, #tpu.memory_space<hbm>>) target(%arg18 : memref<64x128xf32, #tpu.memory_space<vmem>>) offsets(%dma_start3A_299 : memref<64xi32, #tpu.memory_space<vmem>>) semaphore(%arg25 : memref<!tpu.dma_semaphore, #tpu.memory_space<semaphore_mem>>)
    %dma_start3A_303 = arith.constant 448 : i32
    %dma_start3A_304 = tpu.memref_slice %arg11[%dma_start3A_303] : memref<512xi32, #tpu.memory_space<vmem>> -> memref<64xi32, #tpu.memory_space<vmem>>
    %dma_start3A_305 = arith.constant 0 : i32
    %dma_start3A_306 = arith.constant 0 : i32
    %dma_start3A_307 = tpu.memref_slice %arg3[%dma_start3A_305, %dma_start3A_306] : memref<1000x128xf32, #tpu.memory_space<hbm>> -> memref<1000x128xf32, #tpu.memory_space<hbm>>
    tpu.enqueue_indirect_dma source(%dma_start3A_307 : memref<1000x128xf32, #tpu.memory_space<hbm>>) target(%arg19 : memref<64x128xf32, #tpu.memory_space<vmem>>) offsets(%dma_start3A_304 : memref<64xi32, #tpu.memory_space<vmem>>) semaphore(%arg25 : memref<!tpu.dma_semaphore, #tpu.memory_space<semaphore_mem>>)
    %dma_start3A_308 = arith.constant 448 : i32
    %dma_start3A_309 = tpu.memref_slice %arg12[%dma_start3A_308] : memref<512xi32, #tpu.memory_space<vmem>> -> memref<64xi32, #tpu.memory_space<vmem>>
    %dma_start3A_310 = arith.constant 0 : i32
    %dma_start3A_311 = arith.constant 0 : i32
    %dma_start3A_312 = tpu.memref_slice %arg2[%dma_start3A_310, %dma_start3A_311] : memref<100000x128xf32, #tpu.memory_space<hbm>> -> memref<100000x128xf32, #tpu.memory_space<hbm>>
    tpu.enqueue_indirect_dma source(%dma_start3A_312 : memref<100000x128xf32, #tpu.memory_space<hbm>>) target(%arg20 : memref<64x128xf32, #tpu.memory_space<vmem>>) offsets(%dma_start3A_309 : memref<64xi32, #tpu.memory_space<vmem>>) semaphore(%arg25 : memref<!tpu.dma_semaphore, #tpu.memory_space<semaphore_mem>>)
    %dma_start3A_313 = arith.constant 448 : i32
    %dma_start3A_314 = tpu.memref_slice %arg13[%dma_start3A_313] : memref<512xi32, #tpu.memory_space<vmem>> -> memref<64xi32, #tpu.memory_space<vmem>>
    %dma_start3A_315 = arith.constant 0 : i32
    %dma_start3A_316 = arith.constant 0 : i32
    %dma_start3A_317 = tpu.memref_slice %arg2[%dma_start3A_315, %dma_start3A_316] : memref<100000x128xf32, #tpu.memory_space<hbm>> -> memref<100000x128xf32, #tpu.memory_space<hbm>>
    tpu.enqueue_indirect_dma source(%dma_start3A_317 : memref<100000x128xf32, #tpu.memory_space<hbm>>) target(%arg21 : memref<64x128xf32, #tpu.memory_space<vmem>>) offsets(%dma_start3A_314 : memref<64xi32, #tpu.memory_space<vmem>>) semaphore(%arg25 : memref<!tpu.dma_semaphore, #tpu.memory_space<semaphore_mem>>)
    %dma_wait3A_318 = arith.constant 384 : i32
    %dma_wait3A_319 = tpu.memref_slice %arg10[%dma_wait3A_318] : memref<512xi32, #tpu.memory_space<vmem>> -> memref<64xi32, #tpu.memory_space<vmem>>
    %dma_wait3A_320 = arith.constant 0 : i32
    %dma_wait3A_321 = arith.constant 0 : i32
    %dma_wait3A_322 = tpu.memref_slice %arg2[%dma_wait3A_320, %dma_wait3A_321] : memref<100000x128xf32, #tpu.memory_space<hbm>> -> memref<100000x128xf32, #tpu.memory_space<hbm>>
    tpu.wait_indirect_dma semaphore(%arg24 : memref<!tpu.dma_semaphore, #tpu.memory_space<semaphore_mem>>) src(%dma_wait3A_322 : memref<100000x128xf32, #tpu.memory_space<hbm>>) dst(%arg14 : memref<64x128xf32, #tpu.memory_space<vmem>>)
    %dma_wait3A_323 = arith.constant 384 : i32
    %dma_wait3A_324 = tpu.memref_slice %arg11[%dma_wait3A_323] : memref<512xi32, #tpu.memory_space<vmem>> -> memref<64xi32, #tpu.memory_space<vmem>>
    %dma_wait3A_325 = arith.constant 0 : i32
    %dma_wait3A_326 = arith.constant 0 : i32
    %dma_wait3A_327 = tpu.memref_slice %arg3[%dma_wait3A_325, %dma_wait3A_326] : memref<1000x128xf32, #tpu.memory_space<hbm>> -> memref<1000x128xf32, #tpu.memory_space<hbm>>
    tpu.wait_indirect_dma semaphore(%arg24 : memref<!tpu.dma_semaphore, #tpu.memory_space<semaphore_mem>>) src(%dma_wait3A_327 : memref<1000x128xf32, #tpu.memory_space<hbm>>) dst(%arg15 : memref<64x128xf32, #tpu.memory_space<vmem>>)
    %dma_wait3A_328 = arith.constant 384 : i32
    %dma_wait3A_329 = tpu.memref_slice %arg12[%dma_wait3A_328] : memref<512xi32, #tpu.memory_space<vmem>> -> memref<64xi32, #tpu.memory_space<vmem>>
    %dma_wait3A_330 = arith.constant 0 : i32
    %dma_wait3A_331 = arith.constant 0 : i32
    %dma_wait3A_332 = tpu.memref_slice %arg2[%dma_wait3A_330, %dma_wait3A_331] : memref<100000x128xf32, #tpu.memory_space<hbm>> -> memref<100000x128xf32, #tpu.memory_space<hbm>>
    tpu.wait_indirect_dma semaphore(%arg24 : memref<!tpu.dma_semaphore, #tpu.memory_space<semaphore_mem>>) src(%dma_wait3A_332 : memref<100000x128xf32, #tpu.memory_space<hbm>>) dst(%arg16 : memref<64x128xf32, #tpu.memory_space<vmem>>)
    %dma_wait3A_333 = arith.constant 384 : i32
    %dma_wait3A_334 = tpu.memref_slice %arg13[%dma_wait3A_333] : memref<512xi32, #tpu.memory_space<vmem>> -> memref<64xi32, #tpu.memory_space<vmem>>
    %dma_wait3A_335 = arith.constant 0 : i32
    %dma_wait3A_336 = arith.constant 0 : i32
    %dma_wait3A_337 = tpu.memref_slice %arg2[%dma_wait3A_335, %dma_wait3A_336] : memref<100000x128xf32, #tpu.memory_space<hbm>> -> memref<100000x128xf32, #tpu.memory_space<hbm>>
    tpu.wait_indirect_dma semaphore(%arg24 : memref<!tpu.dma_semaphore, #tpu.memory_space<semaphore_mem>>) src(%dma_wait3A_337 : memref<100000x128xf32, #tpu.memory_space<hbm>>) dst(%arg17 : memref<64x128xf32, #tpu.memory_space<vmem>>)
    %scan3A_338 = arith.constant 0 : i32
    %scan3A_339 = arith.constant 0 : i32
    %scan3A_340 = arith.constant 64 : i32
    %scan3A_341 = arith.addi %scan3A_339, %scan3A_340 : i32
    %scan3A_342 = arith.constant 1 : i32
    scf.for %scan3A_370 = %scan3A_339 to %scan3A_341 step %scan3A_342  : i32 {
      %broadcast_in_dim3A = arith.constant 0.000000e+00 : f32
      %broadcast_in_dim3A_371 = vector.broadcast %broadcast_in_dim3A : f32 to vector<16xf32>
      %broadcast_in_dim3A_372 = arith.constant 0.000000e+00 : f32
      %broadcast_in_dim3A_373 = vector.broadcast %broadcast_in_dim3A_372 : f32 to vector<16xf32>
      %get3A = arith.index_cast %scan3A_370 : i32 to index
      %get3A_374 = arith.constant 0 : index
      %get3A_375 = tpu.vector_load %arg14[%get3A, %get3A_374] {strides = array<i32>} : memref<64x128xf32, #tpu.memory_space<vmem>>, vector<16xf32>,
      %get3A_376 = arith.index_cast %scan3A_370 : i32 to index
      %get3A_377 = arith.constant 0 : index
      %get3A_378 = tpu.vector_load %arg15[%get3A_376, %get3A_377] {strides = array<i32>} : memref<64x128xf32, #tpu.memory_space<vmem>>, vector<16xf32>,
      %add3A_379 = arith.addf %get3A_375, %get3A_378 : vector<16xf32>
      %get3A_380 = arith.index_cast %scan3A_370 : i32 to index
      %get3A_381 = arith.constant 0 : index
      %get3A_382 = tpu.vector_load %arg16[%get3A_380, %get3A_381] {strides = array<i32>} : memref<64x128xf32, #tpu.memory_space<vmem>>, vector<16xf32>,
      %sub3A = arith.subf %add3A_379, %get3A_382 : vector<16xf32>
      %abs3A = math.absf %sub3A : vector<16xf32>
      %add3A_383 = arith.addf %broadcast_in_dim3A_371, %abs3A : vector<16xf32>
      %get3A_384 = arith.index_cast %scan3A_370 : i32 to index
      %get3A_385 = arith.constant 0 : index
      %get3A_386 = tpu.vector_load %arg17[%get3A_384, %get3A_385] {strides = array<i32>} : memref<64x128xf32, #tpu.memory_space<vmem>>, vector<16xf32>,
      %sub3A_387 = arith.subf %add3A_379, %get3A_386 : vector<16xf32>
      %abs3A_388 = math.absf %sub3A_387 : vector<16xf32>
      %add3A_389 = arith.addf %broadcast_in_dim3A_373, %abs3A_388 : vector<16xf32>
      %get3A_390 = arith.index_cast %scan3A_370 : i32 to index
      %get3A_391 = arith.constant 16 : index
      %get3A_392 = tpu.vector_load %arg14[%get3A_390, %get3A_391] {strides = array<i32>} : memref<64x128xf32, #tpu.memory_space<vmem>>, vector<16xf32>,
      %get3A_393 = arith.index_cast %scan3A_370 : i32 to index
      %get3A_394 = arith.constant 16 : index
      %get3A_395 = tpu.vector_load %arg15[%get3A_393, %get3A_394] {strides = array<i32>} : memref<64x128xf32, #tpu.memory_space<vmem>>, vector<16xf32>,
      %add3A_396 = arith.addf %get3A_392, %get3A_395 : vector<16xf32>
      %get3A_397 = arith.index_cast %scan3A_370 : i32 to index
      %get3A_398 = arith.constant 16 : index
      %get3A_399 = tpu.vector_load %arg16[%get3A_397, %get3A_398] {strides = array<i32>} : memref<64x128xf32, #tpu.memory_space<vmem>>, vector<16xf32>,
      %sub3A_400 = arith.subf %add3A_396, %get3A_399 : vector<16xf32>
      %abs3A_401 = math.absf %sub3A_400 : vector<16xf32>
      %add3A_402 = arith.addf %add3A_383, %abs3A_401 : vector<16xf32>
      %get3A_403 = arith.index_cast %scan3A_370 : i32 to index
      %get3A_404 = arith.constant 16 : index
      %get3A_405 = tpu.vector_load %arg17[%get3A_403, %get3A_404] {strides = array<i32>} : memref<64x128xf32, #tpu.memory_space<vmem>>, vector<16xf32>,
      %sub3A_406 = arith.subf %add3A_396, %get3A_405 : vector<16xf32>
      %abs3A_407 = math.absf %sub3A_406 : vector<16xf32>
      %add3A_408 = arith.addf %add3A_389, %abs3A_407 : vector<16xf32>
      %get3A_409 = arith.index_cast %scan3A_370 : i32 to index
      %get3A_410 = arith.constant 32 : index
      %get3A_411 = tpu.vector_load %arg14[%get3A_409, %get3A_410] {strides = array<i32>} : memref<64x128xf32, #tpu.memory_space<vmem>>, vector<16xf32>,
      %get3A_412 = arith.index_cast %scan3A_370 : i32 to index
      %get3A_413 = arith.constant 32 : index
      %get3A_414 = tpu.vector_load %arg15[%get3A_412, %get3A_413] {strides = array<i32>} : memref<64x128xf32, #tpu.memory_space<vmem>>, vector<16xf32>,
      %add3A_415 = arith.addf %get3A_411, %get3A_414 : vector<16xf32>
      %get3A_416 = arith.index_cast %scan3A_370 : i32 to index
      %get3A_417 = arith.constant 32 : index
      %get3A_418 = tpu.vector_load %arg16[%get3A_416, %get3A_417] {strides = array<i32>} : memref<64x128xf32, #tpu.memory_space<vmem>>, vector<16xf32>,
      %sub3A_419 = arith.subf %add3A_415, %get3A_418 : vector<16xf32>
      %abs3A_420 = math.absf %sub3A_419 : vector<16xf32>
      %add3A_421 = arith.addf %add3A_402, %abs3A_420 : vector<16xf32>
      %get3A_422 = arith.index_cast %scan3A_370 : i32 to index
      %get3A_423 = arith.constant 32 : index
      %get3A_424 = tpu.vector_load %arg17[%get3A_422, %get3A_423] {strides = array<i32>} : memref<64x128xf32, #tpu.memory_space<vmem>>, vector<16xf32>,
      %sub3A_425 = arith.subf %add3A_415, %get3A_424 : vector<16xf32>
      %abs3A_426 = math.absf %sub3A_425 : vector<16xf32>
      %add3A_427 = arith.addf %add3A_408, %abs3A_426 : vector<16xf32>
      %get3A_428 = arith.index_cast %scan3A_370 : i32 to index
      %get3A_429 = arith.constant 48 : index
      %get3A_430 = tpu.vector_load %arg14[%get3A_428, %get3A_429] {strides = array<i32>} : memref<64x128xf32, #tpu.memory_space<vmem>>, vector<16xf32>,
      %get3A_431 = arith.index_cast %scan3A_370 : i32 to index
      %get3A_432 = arith.constant 48 : index
      %get3A_433 = tpu.vector_load %arg15[%get3A_431, %get3A_432] {strides = array<i32>} : memref<64x128xf32, #tpu.memory_space<vmem>>, vector<16xf32>,
      %add3A_434 = arith.addf %get3A_430, %get3A_433 : vector<16xf32>
      %get3A_435 = arith.index_cast %scan3A_370 : i32 to index
      %get3A_436 = arith.constant 48 : index
      %get3A_437 = tpu.vector_load %arg16[%get3A_435, %get3A_436] {strides = array<i32>} : memref<64x128xf32, #tpu.memory_space<vmem>>, vector<16xf32>,
      %sub3A_438 = arith.subf %add3A_434, %get3A_437 : vector<16xf32>
      %abs3A_439 = math.absf %sub3A_438 : vector<16xf32>
      %add3A_440 = arith.addf %add3A_421, %abs3A_439 : vector<16xf32>
      %get3A_441 = arith.index_cast %scan3A_370 : i32 to index
      %get3A_442 = arith.constant 48 : index
      %get3A_443 = tpu.vector_load %arg17[%get3A_441, %get3A_442] {strides = array<i32>} : memref<64x128xf32, #tpu.memory_space<vmem>>, vector<16xf32>,
      %sub3A_444 = arith.subf %add3A_434, %get3A_443 : vector<16xf32>
      %abs3A_445 = math.absf %sub3A_444 : vector<16xf32>
      %add3A_446 = arith.addf %add3A_427, %abs3A_445 : vector<16xf32>
      %get3A_447 = arith.index_cast %scan3A_370 : i32 to index
      %get3A_448 = arith.constant 64 : index
      %get3A_449 = tpu.vector_load %arg14[%get3A_447, %get3A_448] {strides = array<i32>} : memref<64x128xf32, #tpu.memory_space<vmem>>, vector<16xf32>,
      %get3A_450 = arith.index_cast %scan3A_370 : i32 to index
      %get3A_451 = arith.constant 64 : index
      %get3A_452 = tpu.vector_load %arg15[%get3A_450, %get3A_451] {strides = array<i32>} : memref<64x128xf32, #tpu.memory_space<vmem>>, vector<16xf32>,
      %add3A_453 = arith.addf %get3A_449, %get3A_452 : vector<16xf32>
      %get3A_454 = arith.index_cast %scan3A_370 : i32 to index
      %get3A_455 = arith.constant 64 : index
      %get3A_456 = tpu.vector_load %arg16[%get3A_454, %get3A_455] {strides = array<i32>} : memref<64x128xf32, #tpu.memory_space<vmem>>, vector<16xf32>,
      %sub3A_457 = arith.subf %add3A_453, %get3A_456 : vector<16xf32>
      %abs3A_458 = math.absf %sub3A_457 : vector<16xf32>
      %add3A_459 = arith.addf %add3A_440, %abs3A_458 : vector<16xf32>
      %get3A_460 = arith.index_cast %scan3A_370 : i32 to index
      %get3A_461 = arith.constant 64 : index
      %get3A_462 = tpu.vector_load %arg17[%get3A_460, %get3A_461] {strides = array<i32>} : memref<64x128xf32, #tpu.memory_space<vmem>>, vector<16xf32>,
      %sub3A_463 = arith.subf %add3A_453, %get3A_462 : vector<16xf32>
      %abs3A_464 = math.absf %sub3A_463 : vector<16xf32>
      %add3A_465 = arith.addf %add3A_446, %abs3A_464 : vector<16xf32>
      %get3A_466 = arith.index_cast %scan3A_370 : i32 to index
      %get3A_467 = arith.constant 80 : index
      %get3A_468 = tpu.vector_load %arg14[%get3A_466, %get3A_467] {strides = array<i32>} : memref<64x128xf32, #tpu.memory_space<vmem>>, vector<16xf32>,
      %get3A_469 = arith.index_cast %scan3A_370 : i32 to index
      %get3A_470 = arith.constant 80 : index
      %get3A_471 = tpu.vector_load %arg15[%get3A_469, %get3A_470] {strides = array<i32>} : memref<64x128xf32, #tpu.memory_space<vmem>>, vector<16xf32>,
      %add3A_472 = arith.addf %get3A_468, %get3A_471 : vector<16xf32>
      %get3A_473 = arith.index_cast %scan3A_370 : i32 to index
      %get3A_474 = arith.constant 80 : index
      %get3A_475 = tpu.vector_load %arg16[%get3A_473, %get3A_474] {strides = array<i32>} : memref<64x128xf32, #tpu.memory_space<vmem>>, vector<16xf32>,
      %sub3A_476 = arith.subf %add3A_472, %get3A_475 : vector<16xf32>
      %abs3A_477 = math.absf %sub3A_476 : vector<16xf32>
      %add3A_478 = arith.addf %add3A_459, %abs3A_477 : vector<16xf32>
      %get3A_479 = arith.index_cast %scan3A_370 : i32 to index
      %get3A_480 = arith.constant 80 : index
      %get3A_481 = tpu.vector_load %arg17[%get3A_479, %get3A_480] {strides = array<i32>} : memref<64x128xf32, #tpu.memory_space<vmem>>, vector<16xf32>,
      %sub3A_482 = arith.subf %add3A_472, %get3A_481 : vector<16xf32>
      %abs3A_483 = math.absf %sub3A_482 : vector<16xf32>
      %add3A_484 = arith.addf %add3A_465, %abs3A_483 : vector<16xf32>
      %get3A_485 = arith.index_cast %scan3A_370 : i32 to index
      %get3A_486 = arith.constant 96 : index
      %get3A_487 = tpu.vector_load %arg14[%get3A_485, %get3A_486] {strides = array<i32>} : memref<64x128xf32, #tpu.memory_space<vmem>>, vector<16xf32>,
      %get3A_488 = arith.index_cast %scan3A_370 : i32 to index
      %get3A_489 = arith.constant 96 : index
      %get3A_490 = tpu.vector_load %arg15[%get3A_488, %get3A_489] {strides = array<i32>} : memref<64x128xf32, #tpu.memory_space<vmem>>, vector<16xf32>,
      %add3A_491 = arith.addf %get3A_487, %get3A_490 : vector<16xf32>
      %get3A_492 = arith.index_cast %scan3A_370 : i32 to index
      %get3A_493 = arith.constant 96 : index
      %get3A_494 = tpu.vector_load %arg16[%get3A_492, %get3A_493] {strides = array<i32>} : memref<64x128xf32, #tpu.memory_space<vmem>>, vector<16xf32>,
      %sub3A_495 = arith.subf %add3A_491, %get3A_494 : vector<16xf32>
      %abs3A_496 = math.absf %sub3A_495 : vector<16xf32>
      %add3A_497 = arith.addf %add3A_478, %abs3A_496 : vector<16xf32>
      %get3A_498 = arith.index_cast %scan3A_370 : i32 to index
      %get3A_499 = arith.constant 96 : index
      %get3A_500 = tpu.vector_load %arg17[%get3A_498, %get3A_499] {strides = array<i32>} : memref<64x128xf32, #tpu.memory_space<vmem>>, vector<16xf32>,
      %sub3A_501 = arith.subf %add3A_491, %get3A_500 : vector<16xf32>
      %abs3A_502 = math.absf %sub3A_501 : vector<16xf32>
      %add3A_503 = arith.addf %add3A_484, %abs3A_502 : vector<16xf32>
      %get3A_504 = arith.index_cast %scan3A_370 : i32 to index
      %get3A_505 = arith.constant 112 : index
      %get3A_506 = tpu.vector_load %arg14[%get3A_504, %get3A_505] {strides = array<i32>} : memref<64x128xf32, #tpu.memory_space<vmem>>, vector<16xf32>,
      %get3A_507 = arith.index_cast %scan3A_370 : i32 to index
      %get3A_508 = arith.constant 112 : index
      %get3A_509 = tpu.vector_load %arg15[%get3A_507, %get3A_508] {strides = array<i32>} : memref<64x128xf32, #tpu.memory_space<vmem>>, vector<16xf32>,
      %add3A_510 = arith.addf %get3A_506, %get3A_509 : vector<16xf32>
      %get3A_511 = arith.index_cast %scan3A_370 : i32 to index
      %get3A_512 = arith.constant 112 : index
      %get3A_513 = tpu.vector_load %arg16[%get3A_511, %get3A_512] {strides = array<i32>} : memref<64x128xf32, #tpu.memory_space<vmem>>, vector<16xf32>,
      %sub3A_514 = arith.subf %add3A_510, %get3A_513 : vector<16xf32>
      %abs3A_515 = math.absf %sub3A_514 : vector<16xf32>
      %add3A_516 = arith.addf %add3A_497, %abs3A_515 : vector<16xf32>
      %get3A_517 = arith.index_cast %scan3A_370 : i32 to index
      %get3A_518 = arith.constant 112 : index
      %get3A_519 = tpu.vector_load %arg17[%get3A_517, %get3A_518] {strides = array<i32>} : memref<64x128xf32, #tpu.memory_space<vmem>>, vector<16xf32>,
      %sub3A_520 = arith.subf %add3A_510, %get3A_519 : vector<16xf32>
      %abs3A_521 = math.absf %sub3A_520 : vector<16xf32>
      %add3A_522 = arith.addf %add3A_503, %abs3A_521 : vector<16xf32>
      %add3A_523 = arith.constant 384 : i32
      %add3A_524 = arith.addi %add3A_523, %scan3A_370 : i32
      %broadcast_in_dim3A_525 = vector.broadcast %add3A_524 : i32 to vector<16xi32>
      %broadcast_in_dim3A_526 = arith.constant true
      %broadcast_in_dim3A_527 = vector.broadcast %broadcast_in_dim3A_526 : i1 to vector<16xi1>
      %masked_cumsum3A = tpu.scan <sum>, %add3A_516 masked %broadcast_in_dim3A_527 : vector<16xf32>, vector<16xi1> -> vector<16xf32>
      tpu.vector_store_idx %arg22[%broadcast_in_dim3A_525], %masked_cumsum3A masked %eq3A_4 : memref<512xf32, #tpu.memory_space<vmem>>[vector<16xi32>], vector<16xf32>, vector<16xi1>
      %broadcast_in_dim3A_528 = arith.constant true
      %broadcast_in_dim3A_529 = vector.broadcast %broadcast_in_dim3A_528 : i1 to vector<16xi1>
      %masked_cumsum3A_530 = tpu.scan <sum>, %add3A_522 masked %broadcast_in_dim3A_529 : vector<16xf32>, vector<16xi1> -> vector<16xf32>
      tpu.vector_store_idx %arg23[%broadcast_in_dim3A_525], %masked_cumsum3A_530 masked %eq3A_4 : memref<512xf32, #tpu.memory_space<vmem>>[vector<16xi32>], vector<16xf32>, vector<16xi1>
    }
    %scan3A_343 = arith.constant 64 : i32
    %dma_wait3A_344 = arith.constant 448 : i32
    %dma_wait3A_345 = tpu.memref_slice %arg10[%dma_wait3A_344] : memref<512xi32, #tpu.memory_space<vmem>> -> memref<64xi32, #tpu.memory_space<vmem>>
    %dma_wait3A_346 = arith.constant 0 : i32
    %dma_wait3A_347 = arith.constant 0 : i32
    %dma_wait3A_348 = tpu.memref_slice %arg2[%dma_wait3A_346, %dma_wait3A_347] : memref<100000x128xf32, #tpu.memory_space<hbm>> -> memref<100000x128xf32, #tpu.memory_space<hbm>>
    tpu.wait_indirect_dma semaphore(%arg25 : memref<!tpu.dma_semaphore, #tpu.memory_space<semaphore_mem>>) src(%dma_wait3A_348 : memref<100000x128xf32, #tpu.memory_space<hbm>>) dst(%arg18 : memref<64x128xf32, #tpu.memory_space<vmem>>)
    %dma_wait3A_349 = arith.constant 448 : i32
    %dma_wait3A_350 = tpu.memref_slice %arg11[%dma_wait3A_349] : memref<512xi32, #tpu.memory_space<vmem>> -> memref<64xi32, #tpu.memory_space<vmem>>
    %dma_wait3A_351 = arith.constant 0 : i32
    %dma_wait3A_352 = arith.constant 0 : i32
    %dma_wait3A_353 = tpu.memref_slice %arg3[%dma_wait3A_351, %dma_wait3A_352] : memref<1000x128xf32, #tpu.memory_space<hbm>> -> memref<1000x128xf32, #tpu.memory_space<hbm>>
    tpu.wait_indirect_dma semaphore(%arg25 : memref<!tpu.dma_semaphore, #tpu.memory_space<semaphore_mem>>) src(%dma_wait3A_353 : memref<1000x128xf32, #tpu.memory_space<hbm>>) dst(%arg19 : memref<64x128xf32, #tpu.memory_space<vmem>>)
    %dma_wait3A_354 = arith.constant 448 : i32
    %dma_wait3A_355 = tpu.memref_slice %arg12[%dma_wait3A_354] : memref<512xi32, #tpu.memory_space<vmem>> -> memref<64xi32, #tpu.memory_space<vmem>>
    %dma_wait3A_356 = arith.constant 0 : i32
    %dma_wait3A_357 = arith.constant 0 : i32
    %dma_wait3A_358 = tpu.memref_slice %arg2[%dma_wait3A_356, %dma_wait3A_357] : memref<100000x128xf32, #tpu.memory_space<hbm>> -> memref<100000x128xf32, #tpu.memory_space<hbm>>
    tpu.wait_indirect_dma semaphore(%arg25 : memref<!tpu.dma_semaphore, #tpu.memory_space<semaphore_mem>>) src(%dma_wait3A_358 : memref<100000x128xf32, #tpu.memory_space<hbm>>) dst(%arg20 : memref<64x128xf32, #tpu.memory_space<vmem>>)
    %dma_wait3A_359 = arith.constant 448 : i32
    %dma_wait3A_360 = tpu.memref_slice %arg13[%dma_wait3A_359] : memref<512xi32, #tpu.memory_space<vmem>> -> memref<64xi32, #tpu.memory_space<vmem>>
    %dma_wait3A_361 = arith.constant 0 : i32
    %dma_wait3A_362 = arith.constant 0 : i32
    %dma_wait3A_363 = tpu.memref_slice %arg2[%dma_wait3A_361, %dma_wait3A_362] : memref<100000x128xf32, #tpu.memory_space<hbm>> -> memref<100000x128xf32, #tpu.memory_space<hbm>>
    tpu.wait_indirect_dma semaphore(%arg25 : memref<!tpu.dma_semaphore, #tpu.memory_space<semaphore_mem>>) src(%dma_wait3A_363 : memref<100000x128xf32, #tpu.memory_space<hbm>>) dst(%arg21 : memref<64x128xf32, #tpu.memory_space<vmem>>)
    %scan3A_364 = arith.constant 0 : i32
    %scan3A_365 = arith.constant 0 : i32
    %scan3A_366 = arith.constant 64 : i32
    %scan3A_367 = arith.addi %scan3A_365, %scan3A_366 : i32
    %scan3A_368 = arith.constant 1 : i32
    scf.for %scan3A_370 = %scan3A_365 to %scan3A_367 step %scan3A_368  : i32 {
      %broadcast_in_dim3A = arith.constant 0.000000e+00 : f32
      %broadcast_in_dim3A_371 = vector.broadcast %broadcast_in_dim3A : f32 to vector<16xf32>
      %broadcast_in_dim3A_372 = arith.constant 0.000000e+00 : f32
      %broadcast_in_dim3A_373 = vector.broadcast %broadcast_in_dim3A_372 : f32 to vector<16xf32>
      %get3A = arith.index_cast %scan3A_370 : i32 to index
      %get3A_374 = arith.constant 0 : index
      %get3A_375 = tpu.vector_load %arg18[%get3A, %get3A_374] {strides = array<i32>} : memref<64x128xf32, #tpu.memory_space<vmem>>, vector<16xf32>,
      %get3A_376 = arith.index_cast %scan3A_370 : i32 to index
      %get3A_377 = arith.constant 0 : index
      %get3A_378 = tpu.vector_load %arg19[%get3A_376, %get3A_377] {strides = array<i32>} : memref<64x128xf32, #tpu.memory_space<vmem>>, vector<16xf32>,
      %add3A_379 = arith.addf %get3A_375, %get3A_378 : vector<16xf32>
      %get3A_380 = arith.index_cast %scan3A_370 : i32 to index
      %get3A_381 = arith.constant 0 : index
      %get3A_382 = tpu.vector_load %arg20[%get3A_380, %get3A_381] {strides = array<i32>} : memref<64x128xf32, #tpu.memory_space<vmem>>, vector<16xf32>,
      %sub3A = arith.subf %add3A_379, %get3A_382 : vector<16xf32>
      %abs3A = math.absf %sub3A : vector<16xf32>
      %add3A_383 = arith.addf %broadcast_in_dim3A_371, %abs3A : vector<16xf32>
      %get3A_384 = arith.index_cast %scan3A_370 : i32 to index
      %get3A_385 = arith.constant 0 : index
      %get3A_386 = tpu.vector_load %arg21[%get3A_384, %get3A_385] {strides = array<i32>} : memref<64x128xf32, #tpu.memory_space<vmem>>, vector<16xf32>,
      %sub3A_387 = arith.subf %add3A_379, %get3A_386 : vector<16xf32>
      %abs3A_388 = math.absf %sub3A_387 : vector<16xf32>
      %add3A_389 = arith.addf %broadcast_in_dim3A_373, %abs3A_388 : vector<16xf32>
      %get3A_390 = arith.index_cast %scan3A_370 : i32 to index
      %get3A_391 = arith.constant 16 : index
      %get3A_392 = tpu.vector_load %arg18[%get3A_390, %get3A_391] {strides = array<i32>} : memref<64x128xf32, #tpu.memory_space<vmem>>, vector<16xf32>,
      %get3A_393 = arith.index_cast %scan3A_370 : i32 to index
      %get3A_394 = arith.constant 16 : index
      %get3A_395 = tpu.vector_load %arg19[%get3A_393, %get3A_394] {strides = array<i32>} : memref<64x128xf32, #tpu.memory_space<vmem>>, vector<16xf32>,
      %add3A_396 = arith.addf %get3A_392, %get3A_395 : vector<16xf32>
      %get3A_397 = arith.index_cast %scan3A_370 : i32 to index
      %get3A_398 = arith.constant 16 : index
      %get3A_399 = tpu.vector_load %arg20[%get3A_397, %get3A_398] {strides = array<i32>} : memref<64x128xf32, #tpu.memory_space<vmem>>, vector<16xf32>,
      %sub3A_400 = arith.subf %add3A_396, %get3A_399 : vector<16xf32>
      %abs3A_401 = math.absf %sub3A_400 : vector<16xf32>
      %add3A_402 = arith.addf %add3A_383, %abs3A_401 : vector<16xf32>
      %get3A_403 = arith.index_cast %scan3A_370 : i32 to index
      %get3A_404 = arith.constant 16 : index
      %get3A_405 = tpu.vector_load %arg21[%get3A_403, %get3A_404] {strides = array<i32>} : memref<64x128xf32, #tpu.memory_space<vmem>>, vector<16xf32>,
      %sub3A_406 = arith.subf %add3A_396, %get3A_405 : vector<16xf32>
      %abs3A_407 = math.absf %sub3A_406 : vector<16xf32>
      %add3A_408 = arith.addf %add3A_389, %abs3A_407 : vector<16xf32>
      %get3A_409 = arith.index_cast %scan3A_370 : i32 to index
      %get3A_410 = arith.constant 32 : index
      %get3A_411 = tpu.vector_load %arg18[%get3A_409, %get3A_410] {strides = array<i32>} : memref<64x128xf32, #tpu.memory_space<vmem>>, vector<16xf32>,
      %get3A_412 = arith.index_cast %scan3A_370 : i32 to index
      %get3A_413 = arith.constant 32 : index
      %get3A_414 = tpu.vector_load %arg19[%get3A_412, %get3A_413] {strides = array<i32>} : memref<64x128xf32, #tpu.memory_space<vmem>>, vector<16xf32>,
      %add3A_415 = arith.addf %get3A_411, %get3A_414 : vector<16xf32>
      %get3A_416 = arith.index_cast %scan3A_370 : i32 to index
      %get3A_417 = arith.constant 32 : index
      %get3A_418 = tpu.vector_load %arg20[%get3A_416, %get3A_417] {strides = array<i32>} : memref<64x128xf32, #tpu.memory_space<vmem>>, vector<16xf32>,
      %sub3A_419 = arith.subf %add3A_415, %get3A_418 : vector<16xf32>
      %abs3A_420 = math.absf %sub3A_419 : vector<16xf32>
      %add3A_421 = arith.addf %add3A_402, %abs3A_420 : vector<16xf32>
      %get3A_422 = arith.index_cast %scan3A_370 : i32 to index
      %get3A_423 = arith.constant 32 : index
      %get3A_424 = tpu.vector_load %arg21[%get3A_422, %get3A_423] {strides = array<i32>} : memref<64x128xf32, #tpu.memory_space<vmem>>, vector<16xf32>,
      %sub3A_425 = arith.subf %add3A_415, %get3A_424 : vector<16xf32>
      %abs3A_426 = math.absf %sub3A_425 : vector<16xf32>
      %add3A_427 = arith.addf %add3A_408, %abs3A_426 : vector<16xf32>
      %get3A_428 = arith.index_cast %scan3A_370 : i32 to index
      %get3A_429 = arith.constant 48 : index
      %get3A_430 = tpu.vector_load %arg18[%get3A_428, %get3A_429] {strides = array<i32>} : memref<64x128xf32, #tpu.memory_space<vmem>>, vector<16xf32>,
      %get3A_431 = arith.index_cast %scan3A_370 : i32 to index
      %get3A_432 = arith.constant 48 : index
      %get3A_433 = tpu.vector_load %arg19[%get3A_431, %get3A_432] {strides = array<i32>} : memref<64x128xf32, #tpu.memory_space<vmem>>, vector<16xf32>,
      %add3A_434 = arith.addf %get3A_430, %get3A_433 : vector<16xf32>
      %get3A_435 = arith.index_cast %scan3A_370 : i32 to index
      %get3A_436 = arith.constant 48 : index
      %get3A_437 = tpu.vector_load %arg20[%get3A_435, %get3A_436] {strides = array<i32>} : memref<64x128xf32, #tpu.memory_space<vmem>>, vector<16xf32>,
      %sub3A_438 = arith.subf %add3A_434, %get3A_437 : vector<16xf32>
      %abs3A_439 = math.absf %sub3A_438 : vector<16xf32>
      %add3A_440 = arith.addf %add3A_421, %abs3A_439 : vector<16xf32>
      %get3A_441 = arith.index_cast %scan3A_370 : i32 to index
      %get3A_442 = arith.constant 48 : index
      %get3A_443 = tpu.vector_load %arg21[%get3A_441, %get3A_442] {strides = array<i32>} : memref<64x128xf32, #tpu.memory_space<vmem>>, vector<16xf32>,
      %sub3A_444 = arith.subf %add3A_434, %get3A_443 : vector<16xf32>
      %abs3A_445 = math.absf %sub3A_444 : vector<16xf32>
      %add3A_446 = arith.addf %add3A_427, %abs3A_445 : vector<16xf32>
      %get3A_447 = arith.index_cast %scan3A_370 : i32 to index
      %get3A_448 = arith.constant 64 : index
      %get3A_449 = tpu.vector_load %arg18[%get3A_447, %get3A_448] {strides = array<i32>} : memref<64x128xf32, #tpu.memory_space<vmem>>, vector<16xf32>,
      %get3A_450 = arith.index_cast %scan3A_370 : i32 to index
      %get3A_451 = arith.constant 64 : index
      %get3A_452 = tpu.vector_load %arg19[%get3A_450, %get3A_451] {strides = array<i32>} : memref<64x128xf32, #tpu.memory_space<vmem>>, vector<16xf32>,
      %add3A_453 = arith.addf %get3A_449, %get3A_452 : vector<16xf32>
      %get3A_454 = arith.index_cast %scan3A_370 : i32 to index
      %get3A_455 = arith.constant 64 : index
      %get3A_456 = tpu.vector_load %arg20[%get3A_454, %get3A_455] {strides = array<i32>} : memref<64x128xf32, #tpu.memory_space<vmem>>, vector<16xf32>,
      %sub3A_457 = arith.subf %add3A_453, %get3A_456 : vector<16xf32>
      %abs3A_458 = math.absf %sub3A_457 : vector<16xf32>
      %add3A_459 = arith.addf %add3A_440, %abs3A_458 : vector<16xf32>
      %get3A_460 = arith.index_cast %scan3A_370 : i32 to index
      %get3A_461 = arith.constant 64 : index
      %get3A_462 = tpu.vector_load %arg21[%get3A_460, %get3A_461] {strides = array<i32>} : memref<64x128xf32, #tpu.memory_space<vmem>>, vector<16xf32>,
      %sub3A_463 = arith.subf %add3A_453, %get3A_462 : vector<16xf32>
      %abs3A_464 = math.absf %sub3A_463 : vector<16xf32>
      %add3A_465 = arith.addf %add3A_446, %abs3A_464 : vector<16xf32>
      %get3A_466 = arith.index_cast %scan3A_370 : i32 to index
      %get3A_467 = arith.constant 80 : index
      %get3A_468 = tpu.vector_load %arg18[%get3A_466, %get3A_467] {strides = array<i32>} : memref<64x128xf32, #tpu.memory_space<vmem>>, vector<16xf32>,
      %get3A_469 = arith.index_cast %scan3A_370 : i32 to index
      %get3A_470 = arith.constant 80 : index
      %get3A_471 = tpu.vector_load %arg19[%get3A_469, %get3A_470] {strides = array<i32>} : memref<64x128xf32, #tpu.memory_space<vmem>>, vector<16xf32>,
      %add3A_472 = arith.addf %get3A_468, %get3A_471 : vector<16xf32>
      %get3A_473 = arith.index_cast %scan3A_370 : i32 to index
      %get3A_474 = arith.constant 80 : index
      %get3A_475 = tpu.vector_load %arg20[%get3A_473, %get3A_474] {strides = array<i32>} : memref<64x128xf32, #tpu.memory_space<vmem>>, vector<16xf32>,
      %sub3A_476 = arith.subf %add3A_472, %get3A_475 : vector<16xf32>
      %abs3A_477 = math.absf %sub3A_476 : vector<16xf32>
      %add3A_478 = arith.addf %add3A_459, %abs3A_477 : vector<16xf32>
      %get3A_479 = arith.index_cast %scan3A_370 : i32 to index
      %get3A_480 = arith.constant 80 : index
      %get3A_481 = tpu.vector_load %arg21[%get3A_479, %get3A_480] {strides = array<i32>} : memref<64x128xf32, #tpu.memory_space<vmem>>, vector<16xf32>,
      %sub3A_482 = arith.subf %add3A_472, %get3A_481 : vector<16xf32>
      %abs3A_483 = math.absf %sub3A_482 : vector<16xf32>
      %add3A_484 = arith.addf %add3A_465, %abs3A_483 : vector<16xf32>
      %get3A_485 = arith.index_cast %scan3A_370 : i32 to index
      %get3A_486 = arith.constant 96 : index
      %get3A_487 = tpu.vector_load %arg18[%get3A_485, %get3A_486] {strides = array<i32>} : memref<64x128xf32, #tpu.memory_space<vmem>>, vector<16xf32>,
      %get3A_488 = arith.index_cast %scan3A_370 : i32 to index
      %get3A_489 = arith.constant 96 : index
      %get3A_490 = tpu.vector_load %arg19[%get3A_488, %get3A_489] {strides = array<i32>} : memref<64x128xf32, #tpu.memory_space<vmem>>, vector<16xf32>,
      %add3A_491 = arith.addf %get3A_487, %get3A_490 : vector<16xf32>
      %get3A_492 = arith.index_cast %scan3A_370 : i32 to index
      %get3A_493 = arith.constant 96 : index
      %get3A_494 = tpu.vector_load %arg20[%get3A_492, %get3A_493] {strides = array<i32>} : memref<64x128xf32, #tpu.memory_space<vmem>>, vector<16xf32>,
      %sub3A_495 = arith.subf %add3A_491, %get3A_494 : vector<16xf32>
      %abs3A_496 = math.absf %sub3A_495 : vector<16xf32>
      %add3A_497 = arith.addf %add3A_478, %abs3A_496 : vector<16xf32>
      %get3A_498 = arith.index_cast %scan3A_370 : i32 to index
      %get3A_499 = arith.constant 96 : index
      %get3A_500 = tpu.vector_load %arg21[%get3A_498, %get3A_499] {strides = array<i32>} : memref<64x128xf32, #tpu.memory_space<vmem>>, vector<16xf32>,
      %sub3A_501 = arith.subf %add3A_491, %get3A_500 : vector<16xf32>
      %abs3A_502 = math.absf %sub3A_501 : vector<16xf32>
      %add3A_503 = arith.addf %add3A_484, %abs3A_502 : vector<16xf32>
      %get3A_504 = arith.index_cast %scan3A_370 : i32 to index
      %get3A_505 = arith.constant 112 : index
      %get3A_506 = tpu.vector_load %arg18[%get3A_504, %get3A_505] {strides = array<i32>} : memref<64x128xf32, #tpu.memory_space<vmem>>, vector<16xf32>,
      %get3A_507 = arith.index_cast %scan3A_370 : i32 to index
      %get3A_508 = arith.constant 112 : index
      %get3A_509 = tpu.vector_load %arg19[%get3A_507, %get3A_508] {strides = array<i32>} : memref<64x128xf32, #tpu.memory_space<vmem>>, vector<16xf32>,
      %add3A_510 = arith.addf %get3A_506, %get3A_509 : vector<16xf32>
      %get3A_511 = arith.index_cast %scan3A_370 : i32 to index
      %get3A_512 = arith.constant 112 : index
      %get3A_513 = tpu.vector_load %arg20[%get3A_511, %get3A_512] {strides = array<i32>} : memref<64x128xf32, #tpu.memory_space<vmem>>, vector<16xf32>,
      %sub3A_514 = arith.subf %add3A_510, %get3A_513 : vector<16xf32>
      %abs3A_515 = math.absf %sub3A_514 : vector<16xf32>
      %add3A_516 = arith.addf %add3A_497, %abs3A_515 : vector<16xf32>
      %get3A_517 = arith.index_cast %scan3A_370 : i32 to index
      %get3A_518 = arith.constant 112 : index
      %get3A_519 = tpu.vector_load %arg21[%get3A_517, %get3A_518] {strides = array<i32>} : memref<64x128xf32, #tpu.memory_space<vmem>>, vector<16xf32>,
      %sub3A_520 = arith.subf %add3A_510, %get3A_519 : vector<16xf32>
      %abs3A_521 = math.absf %sub3A_520 : vector<16xf32>
      %add3A_522 = arith.addf %add3A_503, %abs3A_521 : vector<16xf32>
      %add3A_523 = arith.constant 448 : i32
      %add3A_524 = arith.addi %add3A_523, %scan3A_370 : i32
      %broadcast_in_dim3A_525 = vector.broadcast %add3A_524 : i32 to vector<16xi32>
      %broadcast_in_dim3A_526 = arith.constant true
      %broadcast_in_dim3A_527 = vector.broadcast %broadcast_in_dim3A_526 : i1 to vector<16xi1>
      %masked_cumsum3A = tpu.scan <sum>, %add3A_516 masked %broadcast_in_dim3A_527 : vector<16xf32>, vector<16xi1> -> vector<16xf32>
      tpu.vector_store_idx %arg22[%broadcast_in_dim3A_525], %masked_cumsum3A masked %eq3A_4 : memref<512xf32, #tpu.memory_space<vmem>>[vector<16xi32>], vector<16xf32>, vector<16xi1>
      %broadcast_in_dim3A_528 = arith.constant true
      %broadcast_in_dim3A_529 = vector.broadcast %broadcast_in_dim3A_528 : i1 to vector<16xi1>
      %masked_cumsum3A_530 = tpu.scan <sum>, %add3A_522 masked %broadcast_in_dim3A_529 : vector<16xf32>, vector<16xi1> -> vector<16xf32>
      tpu.vector_store_idx %arg23[%broadcast_in_dim3A_525], %masked_cumsum3A_530 masked %eq3A_4 : memref<512xf32, #tpu.memory_space<vmem>>[vector<16xi32>], vector<16xf32>, vector<16xi1>
    }
    %scan3A_369 = arith.constant 64 : i32
    "tpu.region"() ({
      %run_scoped3A = tpu.sem_alloc : memref<!tpu.dma_semaphore, #tpu.memory_space<semaphore_mem>>
      %dma_start3A_370 = tpu.memref_slice %arg8[%mul3A_2] : memref<16384xf32, #tpu.memory_space<hbm>> -> memref<512xf32, #tpu.memory_space<hbm>>
      %dma_start3A_371 = tpu.memref_slice %arg8[%mul3A_2] : memref<16384xf32, #tpu.memory_space<hbm>> -> memref<512xf32, #tpu.memory_space<hbm>>
      tpu.enqueue_dma source(%arg22 : memref<512xf32, #tpu.memory_space<vmem>>) target(%dma_start3A_371 : memref<512xf32, #tpu.memory_space<hbm>>) target_semaphore(%run_scoped3A : memref<!tpu.dma_semaphore, #tpu.memory_space<semaphore_mem>>)
      %dma_wait3A_372 = tpu.memref_slice %arg8[%mul3A_2] : memref<16384xf32, #tpu.memory_space<hbm>> -> memref<512xf32, #tpu.memory_space<hbm>>
      %dma_wait3A_373 = tpu.memref_slice %arg8[%mul3A_2] : memref<16384xf32, #tpu.memory_space<hbm>> -> memref<512xf32, #tpu.memory_space<hbm>>
      tpu.wait_dma2 semaphore(%run_scoped3A : memref<!tpu.dma_semaphore, #tpu.memory_space<semaphore_mem>>) src(%arg22 : memref<512xf32, #tpu.memory_space<vmem>>) dst(%dma_wait3A_373 : memref<512xf32, #tpu.memory_space<hbm>>)
      tpu.yield
    }) : () -> ()
    "tpu.region"() ({
      %run_scoped3A = tpu.sem_alloc : memref<!tpu.dma_semaphore, #tpu.memory_space<semaphore_mem>>
      %dma_start3A_370 = tpu.memref_slice %arg9[%mul3A_2] : memref<16384xf32, #tpu.memory_space<hbm>> -> memref<512xf32, #tpu.memory_space<hbm>>
      %dma_start3A_371 = tpu.memref_slice %arg9[%mul3A_2] : memref<16384xf32, #tpu.memory_space<hbm>> -> memref<512xf32, #tpu.memory_space<hbm>>
      tpu.enqueue_dma source(%arg23 : memref<512xf32, #tpu.memory_space<vmem>>) target(%dma_start3A_371 : memref<512xf32, #tpu.memory_space<hbm>>) target_semaphore(%run_scoped3A : memref<!tpu.dma_semaphore, #tpu.memory_space<semaphore_mem>>)
      %dma_wait3A_372 = tpu.memref_slice %arg9[%mul3A_2] : memref<16384xf32, #tpu.memory_space<hbm>> -> memref<512xf32, #tpu.memory_space<hbm>>
      %dma_wait3A_373 = tpu.memref_slice %arg9[%mul3A_2] : memref<16384xf32, #tpu.memory_space<hbm>> -> memref<512xf32, #tpu.memory_space<hbm>>
      tpu.wait_dma2 semaphore(%run_scoped3A : memref<!tpu.dma_semaphore, #tpu.memory_space<semaphore_mem>>) src(%arg23 : memref<512xf32, #tpu.memory_space<vmem>>) dst(%dma_wait3A_373 : memref<512xf32, #tpu.memory_space<hbm>>)
      tpu.yield
    }) : () -> ()
    return
  }
}

</mosaic_0001>

<sc_bundles>
// kernel: kernel.3.cloned.1.call-start
scs
__scs_entry_jumppad:
0x0: {  	(pc) =	sbr.rel $0x88, $3  }
0x1: {  	(tag) =	ssettag $0x0;
	lr =	simm.s32 $0x1  }
0x2: {  	[smem:$0x3F9B] =	sst lr;
	_ =	strace $0xD0000000  }
0x3: {  	_ = 	snop  }
0x4: {  	_ = 	snop  }
0x5: {  	_ = 	snop  }
0x6: {  	_ = 	snop  }
0x7: {  	_ = 	snop  }
__scs_overlays_trampoline_lowered:
0x8: {  	[smem:$0x3FAA] =	sst s0  }
0x9: {  	[smem:$0x3FAB] =	sst s1  }
0xa: {  	[smem:$0x3FAC] =	sst s2  }
0xb: {  	[smem:$0x3FAD] =	sst s3  }
0xc: {  	[smem:$0x3FAE] =	sst s4  }
0xd: {  	[smem:$0x3FAF] =	sst s5  }
0xe: {  	[smem:$0x3FB0] =	sst s6  }
0xf: {  	[smem:$0x3FB1] =	sst s7  }
0x10: {  	[smem:$0x3FB2] =	sst s8  }
0x11: {  	[smem:$0x3FB3] =	sst s9;
	s0 =	simm.s32 @!p0 $0x0  }
0x12: {  	s1 =	sld [smem:$0x3F99];
	s0 =	simm.s32 @p0 $0x1  }
0x13: {  	[smem:$0x3FB4] =	sst s0;
	s0 =	simm.s32 @!p1 $0x0  }
0x14: {  	s2 =	sld [smem:$0x3F98];
	s0 =	simm.s32 @p1 $0x1  }
0x15: {  	[smem:$0x3FB5] =	sst s0;
	s0 =	simm.s32 @!p2 $0x0  }
0x16: {  	s3 =	sld [smem:$0x3FDB];
	s0 =	simm.s32 @p2 $0x1  }
0x17: {  	s4 =	simm.s32 $0x1BF5;
	[smem:$0x3FB7] =	sst s0  }
0x18: {  	s0 =	sld [smem:$0x3F9A];
	_ =	swait.ge [sflag:s4], $0x0  }
0x19: {  	s7 =	sld [smem:$0x3F9B]  }
0x1a: {  	s8 =	sadd.s32 $0xFFFFE003, lr  }
0x1b: {  	s9 =	sadd.s32 $0xFFFFFEF7, lr;
	s5 =	simm.s32 $0xFFFFFFFF;
	p2 =	slt.u32 s8, $0xFFFFF086  }
0x1c: {  	p1 =	slt.u32 s9, $0xF7A;
	s5 =	simm.s32 @!p2 $0x0  }
0x1d: {  	s5 =	simm.s32 @p1 $0x1;
	p0 =	seq.s32 s7, s2  }
0x1e: {  	s7 =	smul.u32 @!p0 $0xF7A, s2;
	p2 =	seq.s32 @!p0 s5, $0x0  }
0x1f: {  	s9 =	smul.u32 $0xF7A, s1;
	s8 =	simm.s32 @!p0 $0x1BF5;
	p2 =	por !p2, p0  }
0x20: {  	[sflag:s8] =	ssyncset.s32 @!p0 $0xFFFFF086;
	s6 =	sadd.s32 @!p0 s3, s7;
	s7 =	simm.s32 @!p0 $0x108  }
0x21: {  	s3 =	sadd.s32 s3, s9;
	s6 =	sadd.s32 @!p0 $0x88, s6;
	s7 =	simm.s32 @p2 $0x1082  }
0x22: {  	[simem:s7], [sflag:s8] =	dma.local @!p0 [hbm:s6], $0xF7A  }
0x23: {  	s9 =	sor.u32 $0xD0000000, s2;
	s6 =	simm.s32 $0x108;
	_ =	swait.ge @!p0 [sflag:s8], $0x0  }
0x24: {  	s3 =	sadd.s32 $0x88, s3;
	s6 =	simm.s32 @!p1 $0x1082;
	[sflag:s4] =	ssyncset.s32 $0xFFFFF086  }
0x25: {  	[simem:s6], [sflag:s4] =	dma.local [hbm:s3], $0xF7A  }
0x26: {  	[smem:$0x3F9B] =	sst s1;
	(tag) =	ssettag s2;
	_ =	strace s9  }
0x27: {  	s1 =	sld [smem:$0x3FAB]  }
0x28: {  	s2 =	sld [smem:$0x3FAC]  }
0x29: {  	s4 =	sld [smem:$0x3FAE]  }
0x2a: {  	p0 =	seq.s32 s5, $0x0;
	s5 =	sld [smem:$0x3FAF]  }
0x2b: {  	s6 =	sld [smem:$0x3FB0]  }
0x2c: {  	s7 =	sld [smem:$0x3FB1]  }
0x2d: {  	s3 =	simm.s32 $0x108;
	s8 =	sld [smem:$0x3FB2]  }
0x2e: {  	s3 =	simm.s32 @!p0 $0x1082;
	s9 =	sld [smem:$0x3FB3]  }
0x2f: {  	lr =	sadd.s32 s0, s3;
	s0 =	sld [smem:$0x3FAA]  }
0x30: {  	s3 =	sld [smem:$0x3FAD]  }
0x31: {  	[smem:$0x3FB6] =	sst s10  }
0x32: {  	s10 =	sld [smem:$0x3FB4];
	_ =	sdelay $0x3  }
0x33: {  	p0 =	seq.s32 s10, $0x1;
	s10 =	sld [smem:$0x3FB6];
	_ =	sdelay $0x3  }
0x34: {  	[smem:$0x3FB6] =	sst s10  }
0x35: {  	s10 =	sld [smem:$0x3FB5];
	_ =	sdelay $0x3  }
0x36: {  	p1 =	seq.s32 s10, $0x1;
	s10 =	sld [smem:$0x3FB6];
	_ =	sdelay $0x3  }
0x37: {  	[smem:$0x3FB6] =	sst s10  }
0x38: {  	s10 =	sld [smem:$0x3FB7]  }
0x39: {  	_ = 	snop;
	(pc) =	sbr.ind lr, $3  }
0x3a: {  	_ = 	snop  }
0x3b: {  	_ = 	snop  }
0x3c: {  	p2 =	seq.s32 s10, $0x1;
	s10 =	sld [smem:$0x3FB6]  }
0x3d: {  	_ =	shalt  }
0x3e: {  	_ =	shalt  }
0x3f: {  	_ =	shalt  }
0x40: {  	_ =	shalt  }
0x41: {  	_ =	shalt  }
0x42: {  	_ =	shalt  }
0x43: {  	_ =	shalt  }
0x44: {  	_ =	shalt  }
0x45: {  	_ =	shalt  }
0x46: {  	_ =	shalt  }
0x47: {  	_ =	shalt  }
0x48: {  	_ =	shalt  }
0x49: {  	_ =	shalt  }
0x4a: {  	_ =	shalt  }
0x4b: {  	_ =	shalt  }
0x4c: {  	_ =	shalt  }
0x4d: {  	_ =	shalt  }
0x4e: {  	_ =	shalt  }
0x4f: {  	_ =	shalt  }
0x50: {  	_ =	shalt  }
0x51: {  	_ =	shalt  }
0x52: {  	_ =	shalt  }
0x53: {  	_ =	shalt  }
0x54: {  	_ =	shalt  }
0x55: {  	_ =	shalt  }
0x56: {  	_ =	shalt  }
0x57: {  	_ =	shalt  }
0x58: {  	_ =	shalt  }
0x59: {  	_ =	shalt  }
0x5a: {  	_ =	shalt  }
0x5b: {  	_ =	shalt  }
0x5c: {  	_ =	shalt  }
0x5d: {  	_ =	shalt  }
0x5e: {  	_ =	shalt  }
0x5f: {  	_ =	shalt  }
0x60: {  	_ =	shalt  }
0x61: {  	_ =	shalt  }
0x62: {  	_ =	shalt  }
0x63: {  	_ =	shalt  }
0x64: {  	_ =	shalt  }
0x65: {  	_ =	shalt  }
0x66: {  	_ =	shalt  }
0x67: {  	_ =	shalt  }
0x68: {  	_ =	shalt  }
0x69: {  	_ =	shalt  }
0x6a: {  	_ =	shalt  }
0x6b: {  	_ =	shalt  }
0x6c: {  	_ =	shalt  }
0x6d: {  	_ =	shalt  }
0x6e: {  	_ =	shalt  }
0x6f: {  	_ =	shalt  }
0x70: {  	_ =	shalt  }
0x71: {  	_ =	shalt  }
0x72: {  	_ =	shalt  }
0x73: {  	_ =	shalt  }
0x74: {  	_ =	shalt  }
0x75: {  	_ =	shalt  }
0x76: {  	_ =	shalt  }
0x77: {  	_ =	shalt  }
0x78: {  	_ =	shalt  }
0x79: {  	_ =	shalt  }
0x7a: {  	_ =	shalt  }
0x7b: {  	_ =	shalt  }
0x7c: {  	_ =	shalt  }
0x7d: {  	_ =	shalt  }
0x7e: {  	_ =	shalt  }
0x7f: {  	_ =	shalt  }
0x80: {  	_ =	shalt  }
0x81: {  	_ =	shalt  }
0x82: {  	_ =	shalt  }
0x83: {  	_ =	shalt  }
0x84: {  	_ =	shalt  }
0x85: {  	_ =	shalt  }
0x86: {  	_ =	shalt  }
0x87: {  	_ =	shalt  }
.Lfunc_end0:
.L_simem_size_0:
called_computation_lowered:
.L_overlay_start_0:
0x88: {  	s2 =	sld [smem:$0x3FD9]  }
0x89: {  	s3 =	sld [smem:$0x3FFE];
	_ =	sdelay $0x1  }
0x8a: {  	s1 =	srdreg.scid  }
0x8b: {  	s0 =	sand.u32 $0x1, s1  }
0x8c: {  	s15 =	sshll.u32 s0, $0xA;
	s2 =	sadd.s32 s3, s2  }
0x8d: {  	s2 =	sadd.s32 s2, s15  }
0x8e: {  	[smem:$0x3FC2] =	sst s2  }
0x8f: {  	_ = 	snop  }
0x90: {  	s2 =	sld [smem:$0x3FC9]  }
0x91: {  	s16 =	sld [smem:$0x3FC8]  }
0x92: {  	s4 =	sld [smem:$0x3FC7]  }
0x93: {  	s5 =	sld [smem:$0x3FD0]  }
0x94: {  	s6 =	sld [smem:$0x3FC6]  }
0x95: {  	s7 =	sld [smem:$0x3FC5]  }
0x96: {  	s9 =	simm.s32 $0xA;
	s10 =	simm.s32 $0x10;
	s8 =	sld [smem:$0x3FC4]  }
0x97: {  	[smem:s10], [sflag:s9] =	dma.local [hbm:s5], $0x1  }
0x98: {  	_ =	swait.eq [sflag:s9], $0x1  }
0x99: {  	[sflag:s9] =	ssyncset.done $0x0  }
0x9a: {  	s17 =	sld [smem:$0x10];
	[sflag:s9] =	ssyncadd.s32 $0xFFFFFFFF  }
0x9b: {  	s18 =	sld [smem:$0x11];
	(tm) =	ssettm $0x1  }
0x9c: {  	s19 =	sld [smem:$0x3FFB];
	_ =	sdelay $0x3  }
0x9d: {  	_ =	strace s19  }
0x9e: {  	s10 =	sld [smem:$0x3FFC];
	_ =	sdelay $0x3  }
0x9f: {  	_ =	strace s10  }
0xa0: {  	s10 =	sld [smem:$0x3FFD];
	_ =	sdelay $0x3  }
0xa1: {  	_ =	strace s10  }
0xa2: {  	_ =	strace $0x8FFFFFFF  }
0xa3: {  	s20 =	sld [smem:$0x3FDB];
	_ =	sdelay $0x1  }
0xa4: {  	s11 =	simm.s32 $_scs_section_size  }
0xa5: {  	s12 =	simm.s32 $_size__tile_overlayer_lowered;
	s13 =	simm.s32 $_tile_overlayer_lowered  }
0xa6: {  	s23 =	simm.s32 $0x1BFF;
	s22 =	sshll.u32 s13, $0x1;
	s10 =	sadd.s32 s11, s20  }
0xa7: {  	s14 =	simm.s32 $0x0;
	s21 =	sshll.u32 s12, $0x1;
	s12 =	sadd.s32 s22, s10  }
0xa8: {  	[timem:s14], [sflag:s23] =	dma.local [hbm:s12], s21  }
0xa9: {  	_ =	swait.ge [sflag:s23], s21  }
0xaa: {  	s11 =	ssub.s32 $0x0, s21;
	[sflag:s23] =	ssyncset.done $0x0  }
0xab: {  	[sflag:s23] =	ssyncadd.s32 s11;
	_ =	sdelay $0x1  }
0xac: {  	s24 =	simm.s32 $0x1B8B  }
0xad: {  	_ =	swait.ge [sflag:s24], $0x1  }
0xae: {  	[sflag:s24] =	ssyncset.done $0x0  }
0xaf: {  	s25 =	simm.s32 $0x1B8E;
	[sflag:s24] =	ssyncadd.s32 $0xFFFFFFFF  }
0xb0: {  	s26 =	simm.s32 $execute0_lowered;
	[smem:$0x3FD2] =	sst s25  }
0xb1: {  	s11 =	sshll.u32 s26, $0x1;
	_ =	strace $0x80000046;
	[dreg:$0x1] =	wrdreg $0xFFFFFFFF  }
0xb2: {  	s28 =	simm.s32 $_size_execute0_lowered;
	s10 =	sadd.s32 s10, s11;
	[dreg:$0x0] =	wrdreg $0x0  }
0xb3: {  	s11 =	sshll.u32 s28, $0x1;
	[dreg:$0x2] =	wrdreg s10  }
0xb4: {  	[dreg:$0x3] =	wrdreg s11  }
0xb5: {  	[dreg:$0x4] =	wrdreg $0xC0  }
0xb6: {  	_ =	task [dreg:s14], $0x5FFFF  }
0xb7: {  	[dreg:$0x1] =	wrdreg $0xFFFFFFFF  }
0xb8: {  	[dreg:$0x0] =	wrdreg $0x60  }
0xb9: {  	[dreg:$0x2] =	wrdreg s2  }
0xba: {  	[dreg:$0x3] =	wrdreg s16  }
0xbb: {  	[dreg:$0x4] =	wrdreg s4  }
0xbc: {  	[dreg:$0x5] =	wrdreg s6  }
0xbd: {  	[dreg:$0x6] =	wrdreg s7  }
0xbe: {  	[dreg:$0x7] =	wrdreg s8  }
0xbf: {  	[dreg:$0x8] =	wrdreg s17  }
0xc0: {  	[dreg:$0x9] =	wrdreg s18  }
0xc1: {  	[dreg:$0xa] =	wrdreg $0x9  }
0xc2: {  	_ =	task.clear_ibuf [dreg:s14], $0xBFFFF;
	_ =	strace $0x90000046  }
0xc3: {  	s29 =	simm.s32 $0x9;
	_ =	strace $0x80000048  }
0xc4: {  	_ =	swait.ge [sflag:s29], $0x1  }
0xc5: {  	[sflag:s29] =	ssyncadd.s32 $0xFFFFFFFF  }
0xc6: {  	_ =	strace $0x90000048  }
0xc7: {  	_ =	sfence  }
0xc8: {  	s30 =	sld [smem:$0x0];
	_ =	sdelay $0x2  }
0xc9: {  	s31 =	sshll.u32 s1, $0xD;
	s1 =	sshrl.u32 s1, $0x2  }
0xca: {  	s3 =	sand.u32 $0x4000, s31;
	s1 =	sadd.s32 s1, s30  }
0xcb: {  	s0 =	sor.u32 s3, s0;
	s1 =	sshll.u32 s1, $0x11  }
0xcc: {  	s0 =	sor.u32 s1, s0  }
0xcd: {  	s0 =	sadd.s32 $0x8F2B, s0  }
0xce: {  	[sflag:s0] =	ssyncadd.remote.s32 $0x1  }
0xcf: {  	_ =	sfence.sel $0xFFFF  }
0xd0: {  	[dreg:$0x0] =	wrdreg $0xFFFFFFFF;
	(pc) =	sbr.abs _section_cstart, $3  }
0xd1: {  	[dreg:$0x1] =	wrdreg $0xFFFFFFFF  }
0xd2: {  	_ =	task.clear_ibuf [dreg:s14], $0x2FFFF;
	_ =	strace $0x9FFFFFFF  }
0xd3: {  	(tm) =	ssettm $0x7FFFFFFF  }
tec
execute0_lowered:
.L_overlay_start_1:
0x0: {  	(tag) =	ssettag $0x1  }
0x1: {  	s0 =	rddreg [dreg:$0x0]  }
0x2: {  	s1 =	rddreg [dreg:$0x1]  }
0x3: {  	s2 =	rddreg [dreg:$0x2]  }
0x4: {  	s3 =	rddreg [dreg:$0x3]  }
0x5: {  	s7 =	rddreg [dreg:$0x4]  }
0x6: {  	s8 =	rddreg [dreg:$0x5]  }
0x7: {  	s9 =	rddreg [dreg:$0x6]  }
0x8: {  	s10 =	rddreg [dreg:$0x7];
	s5 =	srdreg.scid  }
0x9: {  	s4 =	simm.s32 $0x0;
	s11 =	stileid.u32;
	s16 =	simm.s32 $0x40  }
0xa: {  	s17 =	simm.s32 $0x800;
	s18 =	simm.s32 $0x2800;
	s19 =	simm.s32 $0x4800  }
0xb: {  	s20 =	simm.s32 $0x6800;
	s21 =	simm.s32 $0x8800;
	s23 =	simm.s32 $0xA800  }
0xc: {  	s25 =	simm.s32 $0xC800;
	s28 =	simm.s32 $0xE800;
	s29 =	simm.s32 $0x1  }
0xd: {  	s30 =	simm.s32 $0x10800;
	s31 =	simm.s32 $0x10A00;
	s5 =	sand.u32 $0x1, s5  }
0xe: {  	s26 =	simm.s32 $0x2;
	s11 =	sshll.u32 s11, $0x7;
	s6 =	ssub.s32 $0x2, s5  }
0xf: {  	[smem:$0x7FF] =	sst s4;
	s5 =	sshll.u32 s5, $0x6;
	s12 =	sshrl.u32 s6, $0x1  }
0x10: {  	_ =	strace $0x80000047;
	s11 =	sor.u32 s5, s11;
	s12 =	ssub.s32 s6, s12  }
0x11: {  	s5 =	sadd.s32 s2, s11;
	s6 =	sadd.s32 s3, s11;
	s7 =	sadd.s32 s7, s11  }
0x12: {  	s8 =	sadd.s32 s8, s11;
	s9 =	sadd.s32 s9, s11;
	s10 =	sadd.s32 s10, s11  }
0x13: {  	vm0 =	vcmask $0x3F3C;
	s2 =	simm.s32 $0x0;
	s11 =	smax.u32 s12, $0x1;
	s12 =	simm.s32 $0x3  }
.LBB2_1:
0x14: {  	[tilespmem:s4], [sflag:$0x3] =	stream.linear.gather [hbm4b:s5+s4], $0x200, $0x38;
	[tilespmem:$0x10C00] =	vst v63  }
0x15: {  	_ =	swait.ge [sflag:s12], $0x200  }
0x16: {  	[sflag:s12] =	ssyncset.done $0x0  }
0x17: {  	s3 =	simm.s32 $0x200;
	[sflag:s12] =	ssyncadd.s32 $0xFFFFFE00  }
0x18: {  	[tilespmem:s3], [sflag:$0x3] =	stream.linear.gather [hbm4b:s6+s4], $0x200, $0x38;
	[tilespmem:$0x10C00] =	vst v63  }
0x19: {  	_ =	swait.ge [sflag:s12], $0x200  }
0x1a: {  	[sflag:s12] =	ssyncset.done $0x0  }
0x1b: {  	s13 =	simm.s32 $0x400;
	[sflag:s12] =	ssyncadd.s32 $0xFFFFFE00  }
0x1c: {  	[tilespmem:s13], [sflag:$0x3] =	stream.linear.gather [hbm4b:s7+s4], $0x200, $0x38;
	[tilespmem:$0x10C00] =	vst v63  }
0x1d: {  	_ =	swait.ge [sflag:s12], $0x200  }
0x1e: {  	[sflag:s12] =	ssyncset.done $0x0  }
0x1f: {  	s14 =	simm.s32 $0x600;
	[sflag:s12] =	ssyncadd.s32 $0xFFFFFE00  }
0x20: {  	[tilespmem:s14], [sflag:$0x3] =	stream.linear.gather [hbm4b:s8+s4], $0x200, $0x38;
	[tilespmem:$0x10C00] =	vst v63  }
0x21: {  	_ =	swait.ge [sflag:s12], $0x200  }
0x22: {  	[sflag:s12] =	ssyncset.done $0x0  }
0x23: {  	[sflag:s12] =	ssyncadd.s32 $0xFFFFFE00  }
0x24: {  	[tilespmem:s17], [sflag:$0x1] =	stream.indirect.gather [hbm4b:s0+s16], $0x80, s4, s16, $0xb8;
	[tilespmem:$0x10C00] =	vst v63  }
0x25: {  	_ = 	snop  }
0x26: {  	[tilespmem:s18], [sflag:$0x1] =	stream.indirect.gather [hbm4b:s1+s16], $0x80, s3, s16, $0xb8;
	[tilespmem:$0x10C00] =	vst v63  }
0x27: {  	_ = 	snop  }
0x28: {  	[tilespmem:s19], [sflag:$0x1] =	stream.indirect.gather [hbm4b:s0+s16], $0x80, s13, s16, $0xb8;
	[tilespmem:$0x10C00] =	vst v63  }
0x29: {  	_ = 	snop  }
0x2a: {  	[tilespmem:s20], [sflag:$0x1] =	stream.indirect.gather [hbm4b:s0+s16], $0x80, s14, s16, $0xb8;
	[tilespmem:$0x10C00] =	vst v63  }
0x2b: {  	_ = 	snop  }
0x2c: {  	[tilespmem:s21], [sflag:$0x2] =	stream.indirect.gather [hbm4b:s0+s16], $0x80, s16, s16, $0xb8;
	[tilespmem:$0x10C00] =	vst v63  }
0x2d: {  	s15 =	simm.s32 $0x240  }
0x2e: {  	[tilespmem:s23], [sflag:$0x2] =	stream.indirect.gather [hbm4b:s1+s16], $0x80, s15, s16, $0xb8;
	[tilespmem:$0x10C00] =	vst v63  }
0x2f: {  	s22 =	simm.s32 $0x440  }
0x30: {  	[tilespmem:s25], [sflag:$0x2] =	stream.indirect.gather [hbm4b:s0+s16], $0x80, s22, s16, $0xb8;
	[tilespmem:$0x10C00] =	vst v63  }
0x31: {  	s24 =	simm.s32 $0x640  }
0x32: {  	[tilespmem:s28], [sflag:$0x2] =	stream.indirect.gather [hbm4b:s0+s16], $0x80, s24, s16, $0xb8;
	[tilespmem:$0x10C00] =	vst v63  }
0x33: {  	_ =	swait.ge [sflag:s29], $0x2000  }
0x34: {  	[sflag:s29] =	ssyncset.done $0x0  }
0x35: {  	[sflag:s29] =	ssyncadd.s32 $0xFFFFE000  }
0x36: {  	_ =	swait.ge [sflag:s29], $0x2000  }
0x37: {  	[sflag:s29] =	ssyncset.done $0x0  }
0x38: {  	[sflag:s29] =	ssyncadd.s32 $0xFFFFE000  }
0x39: {  	_ =	swait.ge [sflag:s29], $0x2000  }
0x3a: {  	[sflag:s29] =	ssyncset.done $0x0  }
0x3b: {  	[sflag:s29] =	ssyncadd.s32 $0xFFFFE000  }
0x3c: {  	_ =	swait.ge [sflag:s29], $0x2000  }
0x3d: {  	[sflag:s29] =	ssyncset.done $0x0  }
0x3e: {  	s22 =	simm.s32 $0x4840;
	[sflag:s29] =	ssyncadd.s32 $0xFFFFE000  }
0x3f: {  	v1 =	vld [tilespmem:s22+$0xFFFFFFF0]  }
0x40: {  	s13 =	simm.s32 $0x2840;
	v2 =	vld [tilespmem:s22+$0xFFFFFFE0]  }
0x41: {  	s14 =	simm.s32 $0x840;
	v0 =	vld [tilespmem:s13+$0x30]  }
0x42: {  	v19 =	vld [tilespmem:s14+$0x30]  }
0x43: {  	v3 =	vld [tilespmem:s22+$0xFFFFFFC0]  }
0x44: {  	v4 =	vld [tilespmem:s22+$0xFFFFFFD0]  }
0x45: {  	v5 =	vld [tilespmem:s13+$0x20]  }
0x46: {  	v7 =	vld [tilespmem:s14+$0x20]  }
0x47: {  	v9 =	vld [tilespmem:s13+$0x10]  }
0x48: {  	v11 =	vld [tilespmem:s14+$0x10]  }
0x49: {  	v6 =	vld [tilespmem:s13+$0x0]  }
0x4a: {  	v8 =	vld [tilespmem:s14+$0x0]  }
0x4b: {  	v12 =	vld [tilespmem:s13+$0xFFFFFFE0]  }
0x4c: {  	v14 =	vld [tilespmem:s13+$0xFFFFFFC0]  }
0x4d: {  	v16 =	vld [tilespmem:s14+$0xFFFFFFC0]  }
0x4e: {  	v15 =	vld [tilespmem:s13+$0xFFFFFFD0]  }
0x4f: {  	v18 =	vld [tilespmem:s14+$0xFFFFFFD0]  }
0x50: {  	v17 =	vld [tilespmem:s14+$0xFFFFFFE0]  }
0x51: {  	v10 =	vld [tilespmem:s13+$0xFFFFFFF0]  }
0x52: {  	s3 =	simm.s32 $0x0;
	s15 =	simm.s32 $0x1;
	s24 =	simm.s32 $0x6840;
	v13 =	vld [tilespmem:s14+$0xFFFFFFF0];
	v0 =	vadd.f32 v0, v19  }
.LBB2_2:
0x53: {  	p0 =	sne.s32 s15, $0x3F;
	v19 =	vld [tilespmem:s24+$0xFFFFFFC0];
	v9 =	vadd.f32 v9, v11;
	v5 =	vadd.f32 v5, v7  }
0x54: {  	v7 =	vadd.f32 v14, v16;
	v11 =	vadd.f32 v15, v18;
	v14 =	vld [tilespmem:s24+$0xFFFFFFD0]  }
0x55: {  	v6 =	vadd.f32 v6, v8;
	v12 =	vadd.f32 v12, v17;
	v15 =	vld [tilespmem:s24+$0xFFFFFFE0]  }
0x56: {  	v3 =	vsub.f32 v7, v3;
	v4 =	vsub.f32 v11, v4  }
0x57: {  	v2 =	vsub.f32 v12, v2;
	v8 =	vadd.f32 v10, v13;
	v10 =	vld [tilespmem:s22+$0x0]  }
0x58: {  	v3 =	vand.u32 $0x7FFFFFFF, v3;
	v7 =	vsub.f32 v7, v19;
	v4 =	vand.u32 $0x7FFFFFFF, v4;
	v13 =	vld [tilespmem:s24+$0xFFFFFFF0]  }
0x59: {  	v3 =	vadd.f32 v4, v3;
	v4 =	vsub.f32 v11, v14;
	v11 =	vld [tilespmem:s22+$0x10]  }
0x5a: {  	v2 =	vand.u32 $0x7FFFFFFF, v2;
	v1 =	vsub.f32 v8, v1;
	v12 =	vsub.f32 v12, v15;
	v14 =	vld [tilespmem:s24+$0x0]  }
0x5b: {  	v7 =	vand.u32 $0x7FFFFFFF, v7;
	v4 =	vand.u32 $0x7FFFFFFF, v4;
	v2 =	vadd.f32 v2, v3;
	v3 =	vld [tilespmem:s22+$0x20]  }
0x5c: {  	v1 =	vand.u32 $0x7FFFFFFF, v1;
	v4 =	vadd.f32 v4, v7;
	v7 =	vsub.f32 v6, v10;
	v10 =	vld [tilespmem:s24+$0x10]  }
0x5d: {  	v12 =	vand.u32 $0x7FFFFFFF, v12;
	v1 =	vadd.f32 v1, v2;
	v2 =	vsub.f32 v8, v13;
	v8 =	vld [tilespmem:s22+$0x30]  }
0x5e: {  	v4 =	vadd.f32 v12, v4;
	v7 =	vand.u32 $0x7FFFFFFF, v7;
	v11 =	vsub.f32 v9, v11;
	v12 =	vld [tilespmem:s24+$0x20]  }
0x5f: {  	v2 =	vand.u32 $0x7FFFFFFF, v2;
	v1 =	vadd.f32 v7, v1;
	v6 =	vsub.f32 v6, v14  }
0x60: {  	v2 =	vadd.f32 v2, v4;
	v4 =	vand.u32 $0x7FFFFFFF, v11;
	v3 =	vsub.f32 v5, v3;
	v7 =	vld [tilespmem:s24+$0x30]  }
0x61: {  	v6 =	vand.u32 $0x7FFFFFFF, v6;
	v1 =	vadd.f32 v4, v1;
	v4 =	vsub.f32 v9, v10  }
0x62: {  	v2 =	vadd.f32 v6, v2;
	v3 =	vand.u32 $0x7FFFFFFF, v3;
	v6 =	vsub.f32 v0, v8  }
0x63: {  	v4 =	vand.u32 $0x7FFFFFFF, v4;
	v1 =	vadd.f32 v3, v1;
	v3 =	vsub.f32 v5, v12  }
0x64: {  	v2 =	vadd.f32 v4, v2;
	v4 =	vand.u32 $0x7FFFFFFF, v6  }
0x65: {  	v3 =	vand.u32 $0x7FFFFFFF, v3;
	v1 =	vadd.f32 v4, v1;
	v0 =	vsub.f32 v0, v7  }
0x66: {  	v2 =	vadd.f32 v3, v2  }
0x67: {  	v0 =	vand.u32 $0x7FFFFFFF, v0;
	(xrf2) =	vadd.scan.msk.f32 $0xffff, v1  }
0x68: {  	v0 =	vadd.f32 v0, v2;
	_ =	sdelay $0x1  }
0x69: {  	(xrf2) =	vadd.scan.msk.f32 $0xffff, v0;
	_ =	sdelay $0x4  }
0x6a: {  	v0 =	vmov s3;
	s3 =	smov.u32 s15;
	_ =	sdelay $0x1  }
0x6b: {  	v1, _, _ =	vpop (xrf2);
	_ =	sdelay $0x2  }
0x6c: {  	[tilespmem:v0+s30+$0x0] =	vst.idx.msk vm0, v1;
	v1, _, _ =	vpop (xrf2)  }
0x6d: {  	s22 =	sadd.s32 $0x80, s22;
	[tilespmem:v0+s31+$0x0] =	vst.idx.msk vm0, v1  }
0x6e: {  	v1 =	vld [tilespmem:s22+$0xFFFFFFF0]  }
0x6f: {  	s13 =	sadd.s32 $0x80, s13;
	v2 =	vld [tilespmem:s22+$0xFFFFFFE0]  }
0x70: {  	s14 =	sadd.s32 $0x80, s14;
	v0 =	vld [tilespmem:s13+$0x30]  }
0x71: {  	v19 =	vld [tilespmem:s14+$0x30]  }
0x72: {  	v3 =	vld [tilespmem:s22+$0xFFFFFFC0]  }
0x73: {  	v4 =	vld [tilespmem:s22+$0xFFFFFFD0]  }
0x74: {  	v5 =	vld [tilespmem:s13+$0x20]  }
0x75: {  	v7 =	vld [tilespmem:s14+$0x20]  }
0x76: {  	v9 =	vld [tilespmem:s13+$0x10]  }
0x77: {  	v11 =	vld [tilespmem:s14+$0x10]  }
0x78: {  	v6 =	vld [tilespmem:s13+$0x0]  }
0x79: {  	v8 =	vld [tilespmem:s14+$0x0]  }
0x7a: {  	v12 =	vld [tilespmem:s13+$0xFFFFFFE0]  }
0x7b: {  	v14 =	vld [tilespmem:s13+$0xFFFFFFC0]  }
0x7c: {  	v16 =	vld [tilespmem:s14+$0xFFFFFFC0]  }
.Ltmp0:
0x7d: {  	v15 =	vld [tilespmem:s13+$0xFFFFFFD0];
	(pc) =	sbr.rel @p0 .LBB2_2-.Ltmp0, $4  }
0x7e: {  	v18 =	vld [tilespmem:s14+$0xFFFFFFD0]  }
0x7f: {  	v17 =	vld [tilespmem:s14+$0xFFFFFFE0]  }
0x80: {  	v10 =	vld [tilespmem:s13+$0xFFFFFFF0]  }
0x81: {  	s24 =	sadd.s32 $0x80, s24;
	s15 =	sadd.s32 $0x1, s15;
	v0 =	vadd.f32 v0, v19;
	v13 =	vld [tilespmem:s14+$0xFFFFFFF0]  }
0x82: {  	v19 =	vld [tilespmem:s24+$0xFFFFFFC0]  }
0x83: {  	v14 =	vadd.f32 v14, v16;
	v16 =	vld [tilespmem:s24+$0xFFFFFFD0]  }
0x84: {  	v9 =	vadd.f32 v9, v11;
	v11 =	vadd.f32 v15, v18  }
0x85: {  	v15 =	vld [tilespmem:s24+$0xFFFFFFE0];
	v12 =	vadd.f32 v12, v17;
	v3 =	vsub.f32 v14, v3  }
0x86: {  	v5 =	vadd.f32 v5, v7;
	v4 =	vsub.f32 v11, v4  }
0x87: {  	v6 =	vadd.f32 v6, v8;
	v7 =	vld [tilespmem:s24+$0xFFFFFFF0];
	v2 =	vsub.f32 v12, v2;
	v3 =	vand.u32 $0x7FFFFFFF, v3  }
0x88: {  	v8 =	vld [tilespmem:s22+$0x0];
	v14 =	vsub.f32 v14, v19;
	v4 =	vand.u32 $0x7FFFFFFF, v4;
	v11 =	vsub.f32 v11, v16  }
0x89: {  	v10 =	vadd.f32 v10, v13;
	v3 =	vadd.f32 v4, v3;
	v4 =	vld [tilespmem:s24+$0x0]  }
0x8a: {  	v13 =	vld [tilespmem:s22+$0x10];
	v12 =	vsub.f32 v12, v15;
	v14 =	vand.u32 $0x7FFFFFFF, v14;
	v11 =	vand.u32 $0x7FFFFFFF, v11  }
0x8b: {  	v2 =	vand.u32 $0x7FFFFFFF, v2;
	v1 =	vsub.f32 v10, v1;
	v11 =	vadd.f32 v11, v14;
	v14 =	vld [tilespmem:s24+$0x10]  }
0x8c: {  	v7 =	vsub.f32 v10, v7;
	v2 =	vadd.f32 v2, v3;
	v3 =	vld [tilespmem:s22+$0x20];
	v12 =	vand.u32 $0x7FFFFFFF, v12  }
0x8d: {  	v8 =	vsub.f32 v6, v8;
	v1 =	vand.u32 $0x7FFFFFFF, v1;
	v10 =	vadd.f32 v12, v11;
	v11 =	vld [tilespmem:s24+$0x20]  }
0x8e: {  	v7 =	vand.u32 $0x7FFFFFFF, v7;
	v1 =	vadd.f32 v1, v2;
	v2 =	vld [tilespmem:s22+$0x30];
	v4 =	vsub.f32 v6, v4  }
0x8f: {  	v6 =	vand.u32 $0x7FFFFFFF, v8;
	v8 =	vsub.f32 v9, v13;
	v7 =	vadd.f32 v7, v10;
	v10 =	vld [tilespmem:s24+$0x30]  }
0x90: {  	v1 =	vadd.f32 v6, v1;
	v4 =	vand.u32 $0x7FFFFFFF, v4;
	v6 =	vsub.f32 v9, v14  }
0x91: {  	v8 =	vand.u32 $0x7FFFFFFF, v8;
	v3 =	vsub.f32 v5, v3;
	v4 =	vadd.f32 v4, v7  }
0x92: {  	v1 =	vadd.f32 v8, v1;
	v6 =	vand.u32 $0x7FFFFFFF, v6;
	v5 =	vsub.f32 v5, v11  }
0x93: {  	v3 =	vand.u32 $0x7FFFFFFF, v3;
	v2 =	vsub.f32 v0, v2;
	v4 =	vadd.f32 v6, v4  }
0x94: {  	v1 =	vadd.f32 v3, v1;
	v3 =	vand.u32 $0x7FFFFFFF, v5;
	v0 =	vsub.f32 v0, v10  }
0x95: {  	v2 =	vand.u32 $0x7FFFFFFF, v2;
	v3 =	vadd.f32 v3, v4  }
0x96: {  	v1 =	vadd.f32 v2, v1;
	v0 =	vand.u32 $0x7FFFFFFF, v0  }
0x97: {  	v0 =	vadd.f32 v0, v3  }
0x98: {  	(xrf2) =	vadd.scan.msk.f32 $0xffff, v1  }
0x99: {  	(xrf2) =	vadd.scan.msk.f32 $0xffff, v0;
	_ =	sdelay $0x4  }
0x9a: {  	v0 =	vmov s3;
	_ =	sdelay $0x3  }
0x9b: {  	v1, _, _ =	vpop (xrf2)  }
0x9c: {  	[tilespmem:v0+s30+$0x0] =	vst.idx.msk vm0, v1;
	v1, _, _ =	vpop (xrf2)  }
0x9d: {  	s13 =	simm.s32 $0x80;
	s3 =	simm.s32 $0x40;
	[tilespmem:v0+s31+$0x0] =	vst.idx.msk vm0, v1  }
0x9e: {  	[tilespmem:s17], [sflag:$0x1] =	stream.indirect.gather [hbm4b:s0+s3], $0x80, s13, s3, $0xb8;
	[tilespmem:$0x10C00] =	vst v63  }
0x9f: {  	s15 =	simm.s32 $0x280  }
0xa0: {  	[tilespmem:s18], [sflag:$0x1] =	stream.indirect.gather [hbm4b:s1+s3], $0x80, s15, s3, $0xb8;
	[tilespmem:$0x10C00] =	vst v63  }
0xa1: {  	s22 =	simm.s32 $0x480  }
0xa2: {  	[tilespmem:s19], [sflag:$0x1] =	stream.indirect.gather [hbm4b:s0+s3], $0x80, s22, s3, $0xb8;
	[tilespmem:$0x10C00] =	vst v63  }
0xa3: {  	s24 =	simm.s32 $0x680  }
0xa4: {  	[tilespmem:s20], [sflag:$0x1] =	stream.indirect.gather [hbm4b:s0+s3], $0x80, s24, s3, $0xb8;
	[tilespmem:$0x10C00] =	vst v63  }
0xa5: {  	_ =	swait.ge [sflag:s26], $0x2000  }
0xa6: {  	[sflag:s26] =	ssyncset.done $0x0  }
0xa7: {  	[sflag:s26] =	ssyncadd.s32 $0xFFFFE000  }
0xa8: {  	_ =	swait.ge [sflag:s26], $0x2000  }
0xa9: {  	[sflag:s26] =	ssyncset.done $0x0  }
0xaa: {  	[sflag:s26] =	ssyncadd.s32 $0xFFFFE000  }
0xab: {  	_ =	swait.ge [sflag:s26], $0x2000  }
0xac: {  	[sflag:s26] =	ssyncset.done $0x0  }
0xad: {  	[sflag:s26] =	ssyncadd.s32 $0xFFFFE000  }
0xae: {  	_ =	swait.ge [sflag:s26], $0x2000  }
0xaf: {  	[sflag:s26] =	ssyncset.done $0x0  }
0xb0: {  	s22 =	simm.s32 $0xC840;
	[sflag:s26] =	ssyncadd.s32 $0xFFFFE000  }
0xb1: {  	v1 =	vld [tilespmem:s22+$0xFFFFFFF0]  }
0xb2: {  	s13 =	simm.s32 $0xA840;
	v2 =	vld [tilespmem:s22+$0xFFFFFFE0]  }
0xb3: {  	s14 =	simm.s32 $0x8840;
	v0 =	vld [tilespmem:s13+$0x30]  }
0xb4: {  	v19 =	vld [tilespmem:s14+$0x30]  }
0xb5: {  	v3 =	vld [tilespmem:s22+$0xFFFFFFC0]  }
0xb6: {  	v4 =	vld [tilespmem:s22+$0xFFFFFFD0]  }
0xb7: {  	v5 =	vld [tilespmem:s13+$0x20]  }
0xb8: {  	v7 =	vld [tilespmem:s14+$0x20]  }
0xb9: {  	v9 =	vld [tilespmem:s13+$0x10]  }
0xba: {  	v11 =	vld [tilespmem:s14+$0x10]  }
0xbb: {  	v6 =	vld [tilespmem:s13+$0x0]  }
0xbc: {  	v8 =	vld [tilespmem:s14+$0x0]  }
0xbd: {  	v12 =	vld [tilespmem:s13+$0xFFFFFFE0]  }
0xbe: {  	v14 =	vld [tilespmem:s13+$0xFFFFFFC0]  }
0xbf: {  	v16 =	vld [tilespmem:s14+$0xFFFFFFC0]  }
0xc0: {  	v15 =	vld [tilespmem:s13+$0xFFFFFFD0]  }
0xc1: {  	v18 =	vld [tilespmem:s14+$0xFFFFFFD0]  }
0xc2: {  	v17 =	vld [tilespmem:s14+$0xFFFFFFE0]  }
0xc3: {  	v10 =	vld [tilespmem:s13+$0xFFFFFFF0]  }
0xc4: {  	s15 =	simm.s32 $0x41;
	s24 =	simm.s32 $0xE840;
	v13 =	vld [tilespmem:s14+$0xFFFFFFF0];
	v0 =	vadd.f32 v0, v19  }
.LBB2_4:
0xc5: {  	p0 =	sne.s32 s15, $0x7F;
	v19 =	vld [tilespmem:s24+$0xFFFFFFC0];
	v9 =	vadd.f32 v9, v11;
	v5 =	vadd.f32 v5, v7  }
0xc6: {  	v7 =	vadd.f32 v14, v16;
	v11 =	vadd.f32 v15, v18;
	v14 =	vld [tilespmem:s24+$0xFFFFFFD0]  }
0xc7: {  	v6 =	vadd.f32 v6, v8;
	v12 =	vadd.f32 v12, v17;
	v15 =	vld [tilespmem:s24+$0xFFFFFFE0]  }
0xc8: {  	v3 =	vsub.f32 v7, v3;
	v4 =	vsub.f32 v11, v4  }
0xc9: {  	v2 =	vsub.f32 v12, v2;
	v8 =	vadd.f32 v10, v13;
	v10 =	vld [tilespmem:s22+$0x0]  }
0xca: {  	v3 =	vand.u32 $0x7FFFFFFF, v3;
	v7 =	vsub.f32 v7, v19;
	v4 =	vand.u32 $0x7FFFFFFF, v4;
	v13 =	vld [tilespmem:s24+$0xFFFFFFF0]  }
0xcb: {  	v3 =	vadd.f32 v4, v3;
	v4 =	vsub.f32 v11, v14;
	v11 =	vld [tilespmem:s22+$0x10]  }
0xcc: {  	v2 =	vand.u32 $0x7FFFFFFF, v2;
	v1 =	vsub.f32 v8, v1;
	v12 =	vsub.f32 v12, v15;
	v14 =	vld [tilespmem:s24+$0x0]  }
0xcd: {  	v7 =	vand.u32 $0x7FFFFFFF, v7;
	v4 =	vand.u32 $0x7FFFFFFF, v4;
	v2 =	vadd.f32 v2, v3;
	v3 =	vld [tilespmem:s22+$0x20]  }
0xce: {  	v1 =	vand.u32 $0x7FFFFFFF, v1;
	v4 =	vadd.f32 v4, v7;
	v7 =	vsub.f32 v6, v10;
	v10 =	vld [tilespmem:s24+$0x10]  }
0xcf: {  	v12 =	vand.u32 $0x7FFFFFFF, v12;
	v1 =	vadd.f32 v1, v2;
	v2 =	vsub.f32 v8, v13;
	v8 =	vld [tilespmem:s22+$0x30]  }
0xd0: {  	v4 =	vadd.f32 v12, v4;
	v7 =	vand.u32 $0x7FFFFFFF, v7;
	v11 =	vsub.f32 v9, v11;
	v12 =	vld [tilespmem:s24+$0x20]  }
0xd1: {  	v2 =	vand.u32 $0x7FFFFFFF, v2;
	v1 =	vadd.f32 v7, v1;
	v6 =	vsub.f32 v6, v14  }
0xd2: {  	v2 =	vadd.f32 v2, v4;
	v4 =	vand.u32 $0x7FFFFFFF, v11;
	v3 =	vsub.f32 v5, v3;
	v7 =	vld [tilespmem:s24+$0x30]  }
0xd3: {  	v6 =	vand.u32 $0x7FFFFFFF, v6;
	v1 =	vadd.f32 v4, v1;
	v4 =	vsub.f32 v9, v10  }
0xd4: {  	v2 =	vadd.f32 v6, v2;
	v3 =	vand.u32 $0x7FFFFFFF, v3;
	v6 =	vsub.f32 v0, v8  }
0xd5: {  	v4 =	vand.u32 $0x7FFFFFFF, v4;
	v1 =	vadd.f32 v3, v1;
	v3 =	vsub.f32 v5, v12  }
0xd6: {  	v2 =	vadd.f32 v4, v2;
	v4 =	vand.u32 $0x7FFFFFFF, v6  }
0xd7: {  	v3 =	vand.u32 $0x7FFFFFFF, v3;
	v1 =	vadd.f32 v4, v1;
	v0 =	vsub.f32 v0, v7  }
0xd8: {  	v2 =	vadd.f32 v3, v2  }
0xd9: {  	v0 =	vand.u32 $0x7FFFFFFF, v0;
	(xrf2) =	vadd.scan.msk.f32 $0xffff, v1  }
0xda: {  	v0 =	vadd.f32 v0, v2;
	_ =	sdelay $0x1  }
0xdb: {  	(xrf2) =	vadd.scan.msk.f32 $0xffff, v0;
	_ =	sdelay $0x4  }
0xdc: {  	v0 =	vmov s3;
	s3 =	smov.u32 s15;
	_ =	sdelay $0x1  }
0xdd: {  	v1, _, _ =	vpop (xrf2);
	_ =	sdelay $0x2  }
0xde: {  	[tilespmem:v0+s30+$0x0] =	vst.idx.msk vm0, v1;
	v1, _, _ =	vpop (xrf2)  }
0xdf: {  	s22 =	sadd.s32 $0x80, s22;
	[tilespmem:v0+s31+$0x0] =	vst.idx.msk vm0, v1  }
0xe0: {  	v1 =	vld [tilespmem:s22+$0xFFFFFFF0]  }
0xe1: {  	s13 =	sadd.s32 $0x80, s13;
	v2 =	vld [tilespmem:s22+$0xFFFFFFE0]  }
0xe2: {  	s14 =	sadd.s32 $0x80, s14;
	v0 =	vld [tilespmem:s13+$0x30]  }
0xe3: {  	v19 =	vld [tilespmem:s14+$0x30]  }
0xe4: {  	v3 =	vld [tilespmem:s22+$0xFFFFFFC0]  }
0xe5: {  	v4 =	vld [tilespmem:s22+$0xFFFFFFD0]  }
0xe6: {  	v5 =	vld [tilespmem:s13+$0x20]  }
0xe7: {  	v7 =	vld [tilespmem:s14+$0x20]  }
0xe8: {  	v9 =	vld [tilespmem:s13+$0x10]  }
0xe9: {  	v11 =	vld [tilespmem:s14+$0x10]  }
0xea: {  	v6 =	vld [tilespmem:s13+$0x0]  }
0xeb: {  	v8 =	vld [tilespmem:s14+$0x0]  }
0xec: {  	v12 =	vld [tilespmem:s13+$0xFFFFFFE0]  }
0xed: {  	v14 =	vld [tilespmem:s13+$0xFFFFFFC0]  }
0xee: {  	v16 =	vld [tilespmem:s14+$0xFFFFFFC0]  }
.Ltmp1:
0xef: {  	v15 =	vld [tilespmem:s13+$0xFFFFFFD0];
	(pc) =	sbr.rel @p0 .LBB2_4-.Ltmp1, $4  }
0xf0: {  	v18 =	vld [tilespmem:s14+$0xFFFFFFD0]  }
0xf1: {  	v17 =	vld [tilespmem:s14+$0xFFFFFFE0]  }
0xf2: {  	v10 =	vld [tilespmem:s13+$0xFFFFFFF0]  }
0xf3: {  	s24 =	sadd.s32 $0x80, s24;
	s15 =	sadd.s32 $0x1, s15;
	v0 =	vadd.f32 v0, v19;
	v13 =	vld [tilespmem:s14+$0xFFFFFFF0]  }
0xf4: {  	v19 =	vld [tilespmem:s24+$0xFFFFFFC0]  }
0xf5: {  	v14 =	vadd.f32 v14, v16;
	v16 =	vld [tilespmem:s24+$0xFFFFFFD0]  }
0xf6: {  	v9 =	vadd.f32 v9, v11;
	v11 =	vadd.f32 v15, v18  }
0xf7: {  	v15 =	vld [tilespmem:s24+$0xFFFFFFE0];
	v12 =	vadd.f32 v12, v17;
	v3 =	vsub.f32 v14, v3  }
0xf8: {  	v5 =	vadd.f32 v5, v7;
	v4 =	vsub.f32 v11, v4  }
0xf9: {  	v6 =	vadd.f32 v6, v8;
	v7 =	vld [tilespmem:s24+$0xFFFFFFF0];
	v2 =	vsub.f32 v12, v2;
	v3 =	vand.u32 $0x7FFFFFFF, v3  }
0xfa: {  	v8 =	vld [tilespmem:s22+$0x0];
	v14 =	vsub.f32 v14, v19;
	v4 =	vand.u32 $0x7FFFFFFF, v4;
	v11 =	vsub.f32 v11, v16  }
0xfb: {  	v10 =	vadd.f32 v10, v13;
	v3 =	vadd.f32 v4, v3;
	v4 =	vld [tilespmem:s24+$0x0]  }
0xfc: {  	v13 =	vld [tilespmem:s22+$0x10];
	v12 =	vsub.f32 v12, v15;
	v14 =	vand.u32 $0x7FFFFFFF, v14;
	v11 =	vand.u32 $0x7FFFFFFF, v11  }
0xfd: {  	v2 =	vand.u32 $0x7FFFFFFF, v2;
	v1 =	vsub.f32 v10, v1;
	v11 =	vadd.f32 v11, v14;
	v14 =	vld [tilespmem:s24+$0x10]  }
0xfe: {  	v7 =	vsub.f32 v10, v7;
	v2 =	vadd.f32 v2, v3;
	v3 =	vld [tilespmem:s22+$0x20];
	v12 =	vand.u32 $0x7FFFFFFF, v12  }
0xff: {  	v8 =	vsub.f32 v6, v8;
	v1 =	vand.u32 $0x7FFFFFFF, v1;
	v10 =	vadd.f32 v12, v11;
	v11 =	vld [tilespmem:s24+$0x20]  }
0x100: {  	v7 =	vand.u32 $0x7FFFFFFF, v7;
	v1 =	vadd.f32 v1, v2;
	v2 =	vld [tilespmem:s22+$0x30];
	v4 =	vsub.f32 v6, v4  }
0x101: {  	v6 =	vand.u32 $0x7FFFFFFF, v8;
	v8 =	vsub.f32 v9, v13;
	v7 =	vadd.f32 v7, v10;
	v10 =	vld [tilespmem:s24+$0x30]  }
0x102: {  	v1 =	vadd.f32 v6, v1;
	v4 =	vand.u32 $0x7FFFFFFF, v4;
	v6 =	vsub.f32 v9, v14  }
0x103: {  	v8 =	vand.u32 $0x7FFFFFFF, v8;
	v3 =	vsub.f32 v5, v3;
	v4 =	vadd.f32 v4, v7  }
0x104: {  	v1 =	vadd.f32 v8, v1;
	v6 =	vand.u32 $0x7FFFFFFF, v6;
	v5 =	vsub.f32 v5, v11  }
0x105: {  	v3 =	vand.u32 $0x7FFFFFFF, v3;
	v2 =	vsub.f32 v0, v2;
	v4 =	vadd.f32 v6, v4  }
0x106: {  	v1 =	vadd.f32 v3, v1;
	v3 =	vand.u32 $0x7FFFFFFF, v5;
	v0 =	vsub.f32 v0, v10  }
0x107: {  	v2 =	vand.u32 $0x7FFFFFFF, v2;
	v3 =	vadd.f32 v3, v4  }
0x108: {  	v1 =	vadd.f32 v2, v1;
	v0 =	vand.u32 $0x7FFFFFFF, v0  }
0x109: {  	v0 =	vadd.f32 v0, v3  }
0x10a: {  	(xrf2) =	vadd.scan.msk.f32 $0xffff, v1  }
0x10b: {  	(xrf2) =	vadd.scan.msk.f32 $0xffff, v0;
	_ =	sdelay $0x4  }
0x10c: {  	v0 =	vmov s3;
	_ =	sdelay $0x3  }
0x10d: {  	v1, _, _ =	vpop (xrf2)  }
0x10e: {  	[tilespmem:v0+s30+$0x0] =	vst.idx.msk vm0, v1;
	v1, _, _ =	vpop (xrf2)  }
0x10f: {  	s14 =	simm.s32 $0xC0;
	[tilespmem:v0+s31+$0x0] =	vst.idx.msk vm0, v1  }
0x110: {  	[tilespmem:s21], [sflag:$0x2] =	stream.indirect.gather [hbm4b:s0+s16], $0x80, s14, s16, $0xb8;
	[tilespmem:$0x10C00] =	vst v63  }
0x111: {  	s15 =	simm.s32 $0x2C0  }
0x112: {  	[tilespmem:s23], [sflag:$0x2] =	stream.indirect.gather [hbm4b:s1+s16], $0x80, s15, s16, $0xb8;
	[tilespmem:$0x10C00] =	vst v63  }
0x113: {  	s22 =	simm.s32 $0x4C0  }
0x114: {  	[tilespmem:s25], [sflag:$0x2] =	stream.indirect.gather [hbm4b:s0+s16], $0x80, s22, s16, $0xb8;
	[tilespmem:$0x10C00] =	vst v63  }
0x115: {  	s24 =	simm.s32 $0x6C0  }
0x116: {  	[tilespmem:s28], [sflag:$0x2] =	stream.indirect.gather [hbm4b:s0+s16], $0x80, s24, s16, $0xb8;
	[tilespmem:$0x10C00] =	vst v63  }
0x117: {  	_ =	swait.ge [sflag:s29], $0x2000  }
0x118: {  	[sflag:s29] =	ssyncset.done $0x0  }
0x119: {  	[sflag:s29] =	ssyncadd.s32 $0xFFFFE000  }
0x11a: {  	_ =	swait.ge [sflag:s29], $0x2000  }
0x11b: {  	[sflag:s29] =	ssyncset.done $0x0  }
0x11c: {  	[sflag:s29] =	ssyncadd.s32 $0xFFFFE000  }
0x11d: {  	_ =	swait.ge [sflag:s29], $0x2000  }
0x11e: {  	[sflag:s29] =	ssyncset.done $0x0  }
0x11f: {  	[sflag:s29] =	ssyncadd.s32 $0xFFFFE000  }
0x120: {  	_ =	swait.ge [sflag:s29], $0x2000  }
0x121: {  	[sflag:s29] =	ssyncset.done $0x0  }
0x122: {  	s22 =	simm.s32 $0x4840;
	[sflag:s29] =	ssyncadd.s32 $0xFFFFE000  }
0x123: {  	v1 =	vld [tilespmem:s22+$0xFFFFFFF0]  }
0x124: {  	s13 =	simm.s32 $0x2840;
	v2 =	vld [tilespmem:s22+$0xFFFFFFE0]  }
0x125: {  	s14 =	simm.s32 $0x840;
	v0 =	vld [tilespmem:s13+$0x30]  }
0x126: {  	v19 =	vld [tilespmem:s14+$0x30]  }
0x127: {  	v3 =	vld [tilespmem:s22+$0xFFFFFFC0]  }
0x128: {  	v4 =	vld [tilespmem:s22+$0xFFFFFFD0]  }
0x129: {  	v5 =	vld [tilespmem:s13+$0x20]  }
0x12a: {  	v7 =	vld [tilespmem:s14+$0x20]  }
0x12b: {  	v9 =	vld [tilespmem:s13+$0x10]  }
0x12c: {  	v11 =	vld [tilespmem:s14+$0x10]  }
0x12d: {  	v6 =	vld [tilespmem:s13+$0x0]  }
0x12e: {  	v8 =	vld [tilespmem:s14+$0x0]  }
0x12f: {  	v12 =	vld [tilespmem:s13+$0xFFFFFFE0]  }
0x130: {  	v14 =	vld [tilespmem:s13+$0xFFFFFFC0]  }
0x131: {  	v16 =	vld [tilespmem:s14+$0xFFFFFFC0]  }
0x132: {  	v15 =	vld [tilespmem:s13+$0xFFFFFFD0]  }
0x133: {  	v18 =	vld [tilespmem:s14+$0xFFFFFFD0]  }
0x134: {  	v17 =	vld [tilespmem:s14+$0xFFFFFFE0]  }
0x135: {  	v10 =	vld [tilespmem:s13+$0xFFFFFFF0]  }
0x136: {  	s3 =	simm.s32 $0x80;
	s15 =	simm.s32 $0x81;
	s24 =	simm.s32 $0x6840;
	v13 =	vld [tilespmem:s14+$0xFFFFFFF0];
	v0 =	vadd.f32 v0, v19  }
.LBB2_6:
0x137: {  	p0 =	sne.s32 s15, $0xBF;
	v19 =	vld [tilespmem:s24+$0xFFFFFFC0];
	v9 =	vadd.f32 v9, v11;
	v5 =	vadd.f32 v5, v7  }
0x138: {  	v7 =	vadd.f32 v14, v16;
	v11 =	vadd.f32 v15, v18;
	v14 =	vld [tilespmem:s24+$0xFFFFFFD0]  }
0x139: {  	v6 =	vadd.f32 v6, v8;
	v12 =	vadd.f32 v12, v17;
	v15 =	vld [tilespmem:s24+$0xFFFFFFE0]  }
0x13a: {  	v3 =	vsub.f32 v7, v3;
	v4 =	vsub.f32 v11, v4  }
0x13b: {  	v2 =	vsub.f32 v12, v2;
	v8 =	vadd.f32 v10, v13;
	v10 =	vld [tilespmem:s22+$0x0]  }
0x13c: {  	v3 =	vand.u32 $0x7FFFFFFF, v3;
	v7 =	vsub.f32 v7, v19;
	v4 =	vand.u32 $0x7FFFFFFF, v4;
	v13 =	vld [tilespmem:s24+$0xFFFFFFF0]  }
0x13d: {  	v3 =	vadd.f32 v4, v3;
	v4 =	vsub.f32 v11, v14;
	v11 =	vld [tilespmem:s22+$0x10]  }
0x13e: {  	v2 =	vand.u32 $0x7FFFFFFF, v2;
	v1 =	vsub.f32 v8, v1;
	v12 =	vsub.f32 v12, v15;
	v14 =	vld [tilespmem:s24+$0x0]  }
0x13f: {  	v7 =	vand.u32 $0x7FFFFFFF, v7;
	v4 =	vand.u32 $0x7FFFFFFF, v4;
	v2 =	vadd.f32 v2, v3;
	v3 =	vld [tilespmem:s22+$0x20]  }
0x140: {  	v1 =	vand.u32 $0x7FFFFFFF, v1;
	v4 =	vadd.f32 v4, v7;
	v7 =	vsub.f32 v6, v10;
	v10 =	vld [tilespmem:s24+$0x10]  }
0x141: {  	v12 =	vand.u32 $0x7FFFFFFF, v12;
	v1 =	vadd.f32 v1, v2;
	v2 =	vsub.f32 v8, v13;
	v8 =	vld [tilespmem:s22+$0x30]  }
0x142: {  	v4 =	vadd.f32 v12, v4;
	v7 =	vand.u32 $0x7FFFFFFF, v7;
	v11 =	vsub.f32 v9, v11;
	v12 =	vld [tilespmem:s24+$0x20]  }
0x143: {  	v2 =	vand.u32 $0x7FFFFFFF, v2;
	v1 =	vadd.f32 v7, v1;
	v6 =	vsub.f32 v6, v14  }
0x144: {  	v2 =	vadd.f32 v2, v4;
	v4 =	vand.u32 $0x7FFFFFFF, v11;
	v3 =	vsub.f32 v5, v3;
	v7 =	vld [tilespmem:s24+$0x30]  }
0x145: {  	v6 =	vand.u32 $0x7FFFFFFF, v6;
	v1 =	vadd.f32 v4, v1;
	v4 =	vsub.f32 v9, v10  }
0x146: {  	v2 =	vadd.f32 v6, v2;
	v3 =	vand.u32 $0x7FFFFFFF, v3;
	v6 =	vsub.f32 v0, v8  }
0x147: {  	v4 =	vand.u32 $0x7FFFFFFF, v4;
	v1 =	vadd.f32 v3, v1;
	v3 =	vsub.f32 v5, v12  }
0x148: {  	v2 =	vadd.f32 v4, v2;
	v4 =	vand.u32 $0x7FFFFFFF, v6  }
0x149: {  	v3 =	vand.u32 $0x7FFFFFFF, v3;
	v1 =	vadd.f32 v4, v1;
	v0 =	vsub.f32 v0, v7  }
0x14a: {  	v2 =	vadd.f32 v3, v2  }
0x14b: {  	v0 =	vand.u32 $0x7FFFFFFF, v0;
	(xrf2) =	vadd.scan.msk.f32 $0xffff, v1  }
0x14c: {  	v0 =	vadd.f32 v0, v2;
	_ =	sdelay $0x1  }
0x14d: {  	(xrf2) =	vadd.scan.msk.f32 $0xffff, v0;
	_ =	sdelay $0x4  }
0x14e: {  	v0 =	vmov s3;
	s3 =	smov.u32 s15;
	_ =	sdelay $0x1  }
0x14f: {  	v1, _, _ =	vpop (xrf2);
	_ =	sdelay $0x2  }
0x150: {  	[tilespmem:v0+s30+$0x0] =	vst.idx.msk vm0, v1;
	v1, _, _ =	vpop (xrf2)  }
0x151: {  	s22 =	sadd.s32 $0x80, s22;
	[tilespmem:v0+s31+$0x0] =	vst.idx.msk vm0, v1  }
0x152: {  	v1 =	vld [tilespmem:s22+$0xFFFFFFF0]  }
0x153: {  	s13 =	sadd.s32 $0x80, s13;
	v2 =	vld [tilespmem:s22+$0xFFFFFFE0]  }
0x154: {  	s14 =	sadd.s32 $0x80, s14;
	v0 =	vld [tilespmem:s13+$0x30]  }
0x155: {  	v19 =	vld [tilespmem:s14+$0x30]  }
0x156: {  	v3 =	vld [tilespmem:s22+$0xFFFFFFC0]  }
0x157: {  	v4 =	vld [tilespmem:s22+$0xFFFFFFD0]  }
0x158: {  	v5 =	vld [tilespmem:s13+$0x20]  }
0x159: {  	v7 =	vld [tilespmem:s14+$0x20]  }
0x15a: {  	v9 =	vld [tilespmem:s13+$0x10]  }
0x15b: {  	v11 =	vld [tilespmem:s14+$0x10]  }
0x15c: {  	v6 =	vld [tilespmem:s13+$0x0]  }
0x15d: {  	v8 =	vld [tilespmem:s14+$0x0]  }
0x15e: {  	v12 =	vld [tilespmem:s13+$0xFFFFFFE0]  }
0x15f: {  	v14 =	vld [tilespmem:s13+$0xFFFFFFC0]  }
0x160: {  	v16 =	vld [tilespmem:s14+$0xFFFFFFC0]  }
.Ltmp2:
0x161: {  	v15 =	vld [tilespmem:s13+$0xFFFFFFD0];
	(pc) =	sbr.rel @p0 .LBB2_6-.Ltmp2, $4  }
0x162: {  	v18 =	vld [tilespmem:s14+$0xFFFFFFD0]  }
0x163: {  	v17 =	vld [tilespmem:s14+$0xFFFFFFE0]  }
0x164: {  	v10 =	vld [tilespmem:s13+$0xFFFFFFF0]  }
0x165: {  	s24 =	sadd.s32 $0x80, s24;
	s15 =	sadd.s32 $0x1, s15;
	v0 =	vadd.f32 v0, v19;
	v13 =	vld [tilespmem:s14+$0xFFFFFFF0]  }
0x166: {  	v19 =	vld [tilespmem:s24+$0xFFFFFFC0]  }
0x167: {  	v14 =	vadd.f32 v14, v16;
	v16 =	vld [tilespmem:s24+$0xFFFFFFD0]  }
0x168: {  	v9 =	vadd.f32 v9, v11;
	v11 =	vadd.f32 v15, v18  }
0x169: {  	v15 =	vld [tilespmem:s24+$0xFFFFFFE0];
	v12 =	vadd.f32 v12, v17;
	v3 =	vsub.f32 v14, v3  }
0x16a: {  	v5 =	vadd.f32 v5, v7;
	v4 =	vsub.f32 v11, v4  }
0x16b: {  	v6 =	vadd.f32 v6, v8;
	v7 =	vld [tilespmem:s24+$0xFFFFFFF0];
	v2 =	vsub.f32 v12, v2;
	v3 =	vand.u32 $0x7FFFFFFF, v3  }
0x16c: {  	v8 =	vld [tilespmem:s22+$0x0];
	v14 =	vsub.f32 v14, v19;
	v4 =	vand.u32 $0x7FFFFFFF, v4;
	v11 =	vsub.f32 v11, v16  }
0x16d: {  	v10 =	vadd.f32 v10, v13;
	v3 =	vadd.f32 v4, v3;
	v4 =	vld [tilespmem:s24+$0x0]  }
0x16e: {  	v13 =	vld [tilespmem:s22+$0x10];
	v12 =	vsub.f32 v12, v15;
	v14 =	vand.u32 $0x7FFFFFFF, v14;
	v11 =	vand.u32 $0x7FFFFFFF, v11  }
0x16f: {  	v2 =	vand.u32 $0x7FFFFFFF, v2;
	v1 =	vsub.f32 v10, v1;
	v11 =	vadd.f32 v11, v14;
	v14 =	vld [tilespmem:s24+$0x10]  }
0x170: {  	v7 =	vsub.f32 v10, v7;
	v2 =	vadd.f32 v2, v3;
	v3 =	vld [tilespmem:s22+$0x20];
	v12 =	vand.u32 $0x7FFFFFFF, v12  }
0x171: {  	v8 =	vsub.f32 v6, v8;
	v1 =	vand.u32 $0x7FFFFFFF, v1;
	v10 =	vadd.f32 v12, v11;
	v11 =	vld [tilespmem:s24+$0x20]  }
0x172: {  	v7 =	vand.u32 $0x7FFFFFFF, v7;
	v1 =	vadd.f32 v1, v2;
	v2 =	vld [tilespmem:s22+$0x30];
	v4 =	vsub.f32 v6, v4  }
0x173: {  	v6 =	vand.u32 $0x7FFFFFFF, v8;
	v8 =	vsub.f32 v9, v13;
	v7 =	vadd.f32 v7, v10;
	v10 =	vld [tilespmem:s24+$0x30]  }
0x174: {  	v1 =	vadd.f32 v6, v1;
	v4 =	vand.u32 $0x7FFFFFFF, v4;
	v6 =	vsub.f32 v9, v14  }
0x175: {  	v8 =	vand.u32 $0x7FFFFFFF, v8;
	v3 =	vsub.f32 v5, v3;
	v4 =	vadd.f32 v4, v7  }
0x176: {  	v1 =	vadd.f32 v8, v1;
	v6 =	vand.u32 $0x7FFFFFFF, v6;
	v5 =	vsub.f32 v5, v11  }
0x177: {  	v3 =	vand.u32 $0x7FFFFFFF, v3;
	v2 =	vsub.f32 v0, v2;
	v4 =	vadd.f32 v6, v4  }
0x178: {  	v1 =	vadd.f32 v3, v1;
	v3 =	vand.u32 $0x7FFFFFFF, v5;
	v0 =	vsub.f32 v0, v10  }
0x179: {  	v2 =	vand.u32 $0x7FFFFFFF, v2;
	v3 =	vadd.f32 v3, v4  }
0x17a: {  	v1 =	vadd.f32 v2, v1;
	v0 =	vand.u32 $0x7FFFFFFF, v0  }
0x17b: {  	v0 =	vadd.f32 v0, v3  }
0x17c: {  	(xrf2) =	vadd.scan.msk.f32 $0xffff, v1  }
0x17d: {  	(xrf2) =	vadd.scan.msk.f32 $0xffff, v0;
	_ =	sdelay $0x4  }
0x17e: {  	v0 =	vmov s3;
	_ =	sdelay $0x3  }
0x17f: {  	v1, _, _ =	vpop (xrf2)  }
0x180: {  	[tilespmem:v0+s30+$0x0] =	vst.idx.msk vm0, v1;
	v1, _, _ =	vpop (xrf2)  }
0x181: {  	s14 =	simm.s32 $0x100;
	[tilespmem:v0+s31+$0x0] =	vst.idx.msk vm0, v1  }
0x182: {  	[tilespmem:s17], [sflag:$0x1] =	stream.indirect.gather [hbm4b:s0+s16], $0x80, s14, s16, $0xb8;
	[tilespmem:$0x10C00] =	vst v63  }
0x183: {  	s15 =	simm.s32 $0x300  }
0x184: {  	[tilespmem:s18], [sflag:$0x1] =	stream.indirect.gather [hbm4b:s1+s16], $0x80, s15, s16, $0xb8;
	[tilespmem:$0x10C00] =	vst v63  }
0x185: {  	s22 =	simm.s32 $0x500  }
0x186: {  	[tilespmem:s19], [sflag:$0x1] =	stream.indirect.gather [hbm4b:s0+s16], $0x80, s22, s16, $0xb8;
	[tilespmem:$0x10C00] =	vst v63  }
0x187: {  	s24 =	simm.s32 $0x700  }
0x188: {  	[tilespmem:s20], [sflag:$0x1] =	stream.indirect.gather [hbm4b:s0+s16], $0x80, s24, s16, $0xb8;
	[tilespmem:$0x10C00] =	vst v63  }
0x189: {  	_ =	swait.ge [sflag:s26], $0x2000  }
0x18a: {  	[sflag:s26] =	ssyncset.done $0x0  }
0x18b: {  	[sflag:s26] =	ssyncadd.s32 $0xFFFFE000  }
0x18c: {  	_ =	swait.ge [sflag:s26], $0x2000  }
0x18d: {  	[sflag:s26] =	ssyncset.done $0x0  }
0x18e: {  	[sflag:s26] =	ssyncadd.s32 $0xFFFFE000  }
0x18f: {  	_ =	swait.ge [sflag:s26], $0x2000  }
0x190: {  	[sflag:s26] =	ssyncset.done $0x0  }
0x191: {  	[sflag:s26] =	ssyncadd.s32 $0xFFFFE000  }
0x192: {  	_ =	swait.ge [sflag:s26], $0x2000  }
0x193: {  	[sflag:s26] =	ssyncset.done $0x0  }
0x194: {  	s22 =	simm.s32 $0xC840;
	[sflag:s26] =	ssyncadd.s32 $0xFFFFE000  }
0x195: {  	v1 =	vld [tilespmem:s22+$0xFFFFFFF0]  }
0x196: {  	s13 =	simm.s32 $0xA840;
	v2 =	vld [tilespmem:s22+$0xFFFFFFE0]  }
0x197: {  	s14 =	simm.s32 $0x8840;
	v0 =	vld [tilespmem:s13+$0x30]  }
0x198: {  	v19 =	vld [tilespmem:s14+$0x30]  }
0x199: {  	v3 =	vld [tilespmem:s22+$0xFFFFFFC0]  }
0x19a: {  	v4 =	vld [tilespmem:s22+$0xFFFFFFD0]  }
0x19b: {  	v5 =	vld [tilespmem:s13+$0x20]  }
0x19c: {  	v7 =	vld [tilespmem:s14+$0x20]  }
0x19d: {  	v9 =	vld [tilespmem:s13+$0x10]  }
0x19e: {  	v11 =	vld [tilespmem:s14+$0x10]  }
0x19f: {  	v6 =	vld [tilespmem:s13+$0x0]  }
0x1a0: {  	v8 =	vld [tilespmem:s14+$0x0]  }
0x1a1: {  	v12 =	vld [tilespmem:s13+$0xFFFFFFE0]  }
0x1a2: {  	v14 =	vld [tilespmem:s13+$0xFFFFFFC0]  }
0x1a3: {  	v16 =	vld [tilespmem:s14+$0xFFFFFFC0]  }
0x1a4: {  	v15 =	vld [tilespmem:s13+$0xFFFFFFD0]  }
0x1a5: {  	v18 =	vld [tilespmem:s14+$0xFFFFFFD0]  }
0x1a6: {  	v17 =	vld [tilespmem:s14+$0xFFFFFFE0]  }
0x1a7: {  	v10 =	vld [tilespmem:s13+$0xFFFFFFF0]  }
0x1a8: {  	s3 =	simm.s32 $0xC0;
	s15 =	simm.s32 $0xC1;
	s24 =	simm.s32 $0xE840;
	v13 =	vld [tilespmem:s14+$0xFFFFFFF0];
	v0 =	vadd.f32 v0, v19  }
.LBB2_8:
0x1a9: {  	p0 =	sne.s32 s15, $0xFF;
	v19 =	vld [tilespmem:s24+$0xFFFFFFC0];
	v9 =	vadd.f32 v9, v11;
	v5 =	vadd.f32 v5, v7  }
0x1aa: {  	v7 =	vadd.f32 v14, v16;
	v11 =	vadd.f32 v15, v18;
	v14 =	vld [tilespmem:s24+$0xFFFFFFD0]  }
0x1ab: {  	v6 =	vadd.f32 v6, v8;
	v12 =	vadd.f32 v12, v17;
	v15 =	vld [tilespmem:s24+$0xFFFFFFE0]  }
0x1ac: {  	v3 =	vsub.f32 v7, v3;
	v4 =	vsub.f32 v11, v4  }
0x1ad: {  	v2 =	vsub.f32 v12, v2;
	v8 =	vadd.f32 v10, v13;
	v10 =	vld [tilespmem:s22+$0x0]  }
0x1ae: {  	v3 =	vand.u32 $0x7FFFFFFF, v3;
	v7 =	vsub.f32 v7, v19;
	v4 =	vand.u32 $0x7FFFFFFF, v4;
	v13 =	vld [tilespmem:s24+$0xFFFFFFF0]  }
0x1af: {  	v3 =	vadd.f32 v4, v3;
	v4 =	vsub.f32 v11, v14;
	v11 =	vld [tilespmem:s22+$0x10]  }
0x1b0: {  	v2 =	vand.u32 $0x7FFFFFFF, v2;
	v1 =	vsub.f32 v8, v1;
	v12 =	vsub.f32 v12, v15;
	v14 =	vld [tilespmem:s24+$0x0]  }
0x1b1: {  	v7 =	vand.u32 $0x7FFFFFFF, v7;
	v4 =	vand.u32 $0x7FFFFFFF, v4;
	v2 =	vadd.f32 v2, v3;
	v3 =	vld [tilespmem:s22+$0x20]  }
0x1b2: {  	v1 =	vand.u32 $0x7FFFFFFF, v1;
	v4 =	vadd.f32 v4, v7;
	v7 =	vsub.f32 v6, v10;
	v10 =	vld [tilespmem:s24+$0x10]  }
0x1b3: {  	v12 =	vand.u32 $0x7FFFFFFF, v12;
	v1 =	vadd.f32 v1, v2;
	v2 =	vsub.f32 v8, v13;
	v8 =	vld [tilespmem:s22+$0x30]  }
0x1b4: {  	v4 =	vadd.f32 v12, v4;
	v7 =	vand.u32 $0x7FFFFFFF, v7;
	v11 =	vsub.f32 v9, v11;
	v12 =	vld [tilespmem:s24+$0x20]  }
0x1b5: {  	v2 =	vand.u32 $0x7FFFFFFF, v2;
	v1 =	vadd.f32 v7, v1;
	v6 =	vsub.f32 v6, v14  }
0x1b6: {  	v2 =	vadd.f32 v2, v4;
	v4 =	vand.u32 $0x7FFFFFFF, v11;
	v3 =	vsub.f32 v5, v3;
	v7 =	vld [tilespmem:s24+$0x30]  }
0x1b7: {  	v6 =	vand.u32 $0x7FFFFFFF, v6;
	v1 =	vadd.f32 v4, v1;
	v4 =	vsub.f32 v9, v10  }
0x1b8: {  	v2 =	vadd.f32 v6, v2;
	v3 =	vand.u32 $0x7FFFFFFF, v3;
	v6 =	vsub.f32 v0, v8  }
0x1b9: {  	v4 =	vand.u32 $0x7FFFFFFF, v4;
	v1 =	vadd.f32 v3, v1;
	v3 =	vsub.f32 v5, v12  }
0x1ba: {  	v2 =	vadd.f32 v4, v2;
	v4 =	vand.u32 $0x7FFFFFFF, v6  }
0x1bb: {  	v3 =	vand.u32 $0x7FFFFFFF, v3;
	v1 =	vadd.f32 v4, v1;
	v0 =	vsub.f32 v0, v7  }
0x1bc: {  	v2 =	vadd.f32 v3, v2  }
0x1bd: {  	v0 =	vand.u32 $0x7FFFFFFF, v0;
	(xrf2) =	vadd.scan.msk.f32 $0xffff, v1  }
0x1be: {  	v0 =	vadd.f32 v0, v2;
	_ =	sdelay $0x1  }
0x1bf: {  	(xrf2) =	vadd.scan.msk.f32 $0xffff, v0;
	_ =	sdelay $0x4  }
0x1c0: {  	v0 =	vmov s3;
	s3 =	smov.u32 s15;
	_ =	sdelay $0x1  }
0x1c1: {  	v1, _, _ =	vpop (xrf2);
	_ =	sdelay $0x2  }
0x1c2: {  	[tilespmem:v0+s30+$0x0] =	vst.idx.msk vm0, v1;
	v1, _, _ =	vpop (xrf2)  }
0x1c3: {  	s22 =	sadd.s32 $0x80, s22;
	[tilespmem:v0+s31+$0x0] =	vst.idx.msk vm0, v1  }
0x1c4: {  	v1 =	vld [tilespmem:s22+$0xFFFFFFF0]  }
0x1c5: {  	s13 =	sadd.s32 $0x80, s13;
	v2 =	vld [tilespmem:s22+$0xFFFFFFE0]  }
0x1c6: {  	s14 =	sadd.s32 $0x80, s14;
	v0 =	vld [tilespmem:s13+$0x30]  }
0x1c7: {  	v19 =	vld [tilespmem:s14+$0x30]  }
0x1c8: {  	v3 =	vld [tilespmem:s22+$0xFFFFFFC0]  }
0x1c9: {  	v4 =	vld [tilespmem:s22+$0xFFFFFFD0]  }
0x1ca: {  	v5 =	vld [tilespmem:s13+$0x20]  }
0x1cb: {  	v7 =	vld [tilespmem:s14+$0x20]  }
0x1cc: {  	v9 =	vld [tilespmem:s13+$0x10]  }
0x1cd: {  	v11 =	vld [tilespmem:s14+$0x10]  }
0x1ce: {  	v6 =	vld [tilespmem:s13+$0x0]  }
0x1cf: {  	v8 =	vld [tilespmem:s14+$0x0]  }
0x1d0: {  	v12 =	vld [tilespmem:s13+$0xFFFFFFE0]  }
0x1d1: {  	v14 =	vld [tilespmem:s13+$0xFFFFFFC0]  }
0x1d2: {  	v16 =	vld [tilespmem:s14+$0xFFFFFFC0]  }
.Ltmp3:
0x1d3: {  	v15 =	vld [tilespmem:s13+$0xFFFFFFD0];
	(pc) =	sbr.rel @p0 .LBB2_8-.Ltmp3, $4  }
0x1d4: {  	v18 =	vld [tilespmem:s14+$0xFFFFFFD0]  }
0x1d5: {  	v17 =	vld [tilespmem:s14+$0xFFFFFFE0]  }
0x1d6: {  	v10 =	vld [tilespmem:s13+$0xFFFFFFF0]  }
0x1d7: {  	s24 =	sadd.s32 $0x80, s24;
	s15 =	sadd.s32 $0x1, s15;
	v0 =	vadd.f32 v0, v19;
	v13 =	vld [tilespmem:s14+$0xFFFFFFF0]  }
0x1d8: {  	v19 =	vld [tilespmem:s24+$0xFFFFFFC0]  }
0x1d9: {  	v14 =	vadd.f32 v14, v16;
	v16 =	vld [tilespmem:s24+$0xFFFFFFD0]  }
0x1da: {  	v9 =	vadd.f32 v9, v11;
	v11 =	vadd.f32 v15, v18  }
0x1db: {  	v15 =	vld [tilespmem:s24+$0xFFFFFFE0];
	v12 =	vadd.f32 v12, v17;
	v3 =	vsub.f32 v14, v3  }
0x1dc: {  	v5 =	vadd.f32 v5, v7;
	v4 =	vsub.f32 v11, v4  }
0x1dd: {  	v6 =	vadd.f32 v6, v8;
	v7 =	vld [tilespmem:s24+$0xFFFFFFF0];
	v2 =	vsub.f32 v12, v2;
	v3 =	vand.u32 $0x7FFFFFFF, v3  }
0x1de: {  	v8 =	vld [tilespmem:s22+$0x0];
	v14 =	vsub.f32 v14, v19;
	v4 =	vand.u32 $0x7FFFFFFF, v4;
	v11 =	vsub.f32 v11, v16  }
0x1df: {  	v10 =	vadd.f32 v10, v13;
	v3 =	vadd.f32 v4, v3;
	v4 =	vld [tilespmem:s24+$0x0]  }
0x1e0: {  	v13 =	vld [tilespmem:s22+$0x10];
	v12 =	vsub.f32 v12, v15;
	v14 =	vand.u32 $0x7FFFFFFF, v14;
	v11 =	vand.u32 $0x7FFFFFFF, v11  }
0x1e1: {  	v2 =	vand.u32 $0x7FFFFFFF, v2;
	v1 =	vsub.f32 v10, v1;
	v11 =	vadd.f32 v11, v14;
	v14 =	vld [tilespmem:s24+$0x10]  }
0x1e2: {  	v7 =	vsub.f32 v10, v7;
	v2 =	vadd.f32 v2, v3;
	v3 =	vld [tilespmem:s22+$0x20];
	v12 =	vand.u32 $0x7FFFFFFF, v12  }
0x1e3: {  	v8 =	vsub.f32 v6, v8;
	v1 =	vand.u32 $0x7FFFFFFF, v1;
	v10 =	vadd.f32 v12, v11;
	v11 =	vld [tilespmem:s24+$0x20]  }
0x1e4: {  	v7 =	vand.u32 $0x7FFFFFFF, v7;
	v1 =	vadd.f32 v1, v2;
	v2 =	vld [tilespmem:s22+$0x30];
	v4 =	vsub.f32 v6, v4  }
0x1e5: {  	v6 =	vand.u32 $0x7FFFFFFF, v8;
	v8 =	vsub.f32 v9, v13;
	v7 =	vadd.f32 v7, v10;
	v10 =	vld [tilespmem:s24+$0x30]  }
0x1e6: {  	v1 =	vadd.f32 v6, v1;
	v4 =	vand.u32 $0x7FFFFFFF, v4;
	v6 =	vsub.f32 v9, v14  }
0x1e7: {  	v8 =	vand.u32 $0x7FFFFFFF, v8;
	v3 =	vsub.f32 v5, v3;
	v4 =	vadd.f32 v4, v7  }
0x1e8: {  	v1 =	vadd.f32 v8, v1;
	v6 =	vand.u32 $0x7FFFFFFF, v6;
	v5 =	vsub.f32 v5, v11  }
0x1e9: {  	v3 =	vand.u32 $0x7FFFFFFF, v3;
	v2 =	vsub.f32 v0, v2;
	v4 =	vadd.f32 v6, v4  }
0x1ea: {  	v1 =	vadd.f32 v3, v1;
	v3 =	vand.u32 $0x7FFFFFFF, v5;
	v0 =	vsub.f32 v0, v10  }
0x1eb: {  	v2 =	vand.u32 $0x7FFFFFFF, v2;
	v3 =	vadd.f32 v3, v4  }
0x1ec: {  	v1 =	vadd.f32 v2, v1;
	v0 =	vand.u32 $0x7FFFFFFF, v0  }
0x1ed: {  	v0 =	vadd.f32 v0, v3  }
0x1ee: {  	(xrf2) =	vadd.scan.msk.f32 $0xffff, v1  }
0x1ef: {  	(xrf2) =	vadd.scan.msk.f32 $0xffff, v0;
	_ =	sdelay $0x4  }
0x1f0: {  	v0 =	vmov s3;
	_ =	sdelay $0x3  }
0x1f1: {  	v1, _, _ =	vpop (xrf2)  }
0x1f2: {  	[tilespmem:v0+s30+$0x0] =	vst.idx.msk vm0, v1;
	v1, _, _ =	vpop (xrf2)  }
0x1f3: {  	s14 =	simm.s32 $0x140;
	[tilespmem:v0+s31+$0x0] =	vst.idx.msk vm0, v1  }
0x1f4: {  	[tilespmem:s21], [sflag:$0x2] =	stream.indirect.gather [hbm4b:s0+s16], $0x80, s14, s16, $0xb8;
	[tilespmem:$0x10C00] =	vst v63  }
0x1f5: {  	s15 =	simm.s32 $0x340  }
0x1f6: {  	[tilespmem:s23], [sflag:$0x2] =	stream.indirect.gather [hbm4b:s1+s16], $0x80, s15, s16, $0xb8;
	[tilespmem:$0x10C00] =	vst v63  }
0x1f7: {  	s22 =	simm.s32 $0x540  }
0x1f8: {  	[tilespmem:s25], [sflag:$0x2] =	stream.indirect.gather [hbm4b:s0+s16], $0x80, s22, s16, $0xb8;
	[tilespmem:$0x10C00] =	vst v63  }
0x1f9: {  	s24 =	simm.s32 $0x740  }
0x1fa: {  	[tilespmem:s28], [sflag:$0x2] =	stream.indirect.gather [hbm4b:s0+s16], $0x80, s24, s16, $0xb8;
	[tilespmem:$0x10C00] =	vst v63  }
0x1fb: {  	_ =	swait.ge [sflag:s29], $0x2000  }
0x1fc: {  	[sflag:s29] =	ssyncset.done $0x0  }
0x1fd: {  	[sflag:s29] =	ssyncadd.s32 $0xFFFFE000  }
0x1fe: {  	_ =	swait.ge [sflag:s29], $0x2000  }
0x1ff: {  	[sflag:s29] =	ssyncset.done $0x0  }
0x200: {  	[sflag:s29] =	ssyncadd.s32 $0xFFFFE000  }
0x201: {  	_ =	swait.ge [sflag:s29], $0x2000  }
0x202: {  	[sflag:s29] =	ssyncset.done $0x0  }
0x203: {  	[sflag:s29] =	ssyncadd.s32 $0xFFFFE000  }
0x204: {  	_ =	swait.ge [sflag:s29], $0x2000  }
0x205: {  	[sflag:s29] =	ssyncset.done $0x0  }
0x206: {  	s22 =	simm.s32 $0x4840;
	[sflag:s29] =	ssyncadd.s32 $0xFFFFE000  }
0x207: {  	v1 =	vld [tilespmem:s22+$0xFFFFFFF0]  }
0x208: {  	s13 =	simm.s32 $0x2840;
	v2 =	vld [tilespmem:s22+$0xFFFFFFE0]  }
0x209: {  	s14 =	simm.s32 $0x840;
	v0 =	vld [tilespmem:s13+$0x30]  }
0x20a: {  	v19 =	vld [tilespmem:s14+$0x30]  }
0x20b: {  	v3 =	vld [tilespmem:s22+$0xFFFFFFC0]  }
0x20c: {  	v4 =	vld [tilespmem:s22+$0xFFFFFFD0]  }
0x20d: {  	v5 =	vld [tilespmem:s13+$0x20]  }
0x20e: {  	v7 =	vld [tilespmem:s14+$0x20]  }
0x20f: {  	v9 =	vld [tilespmem:s13+$0x10]  }
0x210: {  	v11 =	vld [tilespmem:s14+$0x10]  }
0x211: {  	v6 =	vld [tilespmem:s13+$0x0]  }
0x212: {  	v8 =	vld [tilespmem:s14+$0x0]  }
0x213: {  	v12 =	vld [tilespmem:s13+$0xFFFFFFE0]  }
0x214: {  	v14 =	vld [tilespmem:s13+$0xFFFFFFC0]  }
0x215: {  	v16 =	vld [tilespmem:s14+$0xFFFFFFC0]  }
0x216: {  	v15 =	vld [tilespmem:s13+$0xFFFFFFD0]  }
0x217: {  	v18 =	vld [tilespmem:s14+$0xFFFFFFD0]  }
0x218: {  	v17 =	vld [tilespmem:s14+$0xFFFFFFE0]  }
0x219: {  	v10 =	vld [tilespmem:s13+$0xFFFFFFF0]  }
0x21a: {  	s3 =	simm.s32 $0x100;
	s15 =	simm.s32 $0x101;
	s24 =	simm.s32 $0x6840;
	v13 =	vld [tilespmem:s14+$0xFFFFFFF0];
	v0 =	vadd.f32 v0, v19  }
.LBB2_10:
0x21b: {  	p0 =	sne.s32 s15, $0x13F;
	v19 =	vld [tilespmem:s24+$0xFFFFFFC0];
	v9 =	vadd.f32 v9, v11;
	v5 =	vadd.f32 v5, v7  }
0x21c: {  	v7 =	vadd.f32 v14, v16;
	v11 =	vadd.f32 v15, v18;
	v14 =	vld [tilespmem:s24+$0xFFFFFFD0]  }
0x21d: {  	v6 =	vadd.f32 v6, v8;
	v12 =	vadd.f32 v12, v17;
	v15 =	vld [tilespmem:s24+$0xFFFFFFE0]  }
0x21e: {  	v3 =	vsub.f32 v7, v3;
	v4 =	vsub.f32 v11, v4  }
0x21f: {  	v2 =	vsub.f32 v12, v2;
	v8 =	vadd.f32 v10, v13;
	v10 =	vld [tilespmem:s22+$0x0]  }
0x220: {  	v3 =	vand.u32 $0x7FFFFFFF, v3;
	v7 =	vsub.f32 v7, v19;
	v4 =	vand.u32 $0x7FFFFFFF, v4;
	v13 =	vld [tilespmem:s24+$0xFFFFFFF0]  }
0x221: {  	v3 =	vadd.f32 v4, v3;
	v4 =	vsub.f32 v11, v14;
	v11 =	vld [tilespmem:s22+$0x10]  }
0x222: {  	v2 =	vand.u32 $0x7FFFFFFF, v2;
	v1 =	vsub.f32 v8, v1;
	v12 =	vsub.f32 v12, v15;
	v14 =	vld [tilespmem:s24+$0x0]  }
0x223: {  	v7 =	vand.u32 $0x7FFFFFFF, v7;
	v4 =	vand.u32 $0x7FFFFFFF, v4;
	v2 =	vadd.f32 v2, v3;
	v3 =	vld [tilespmem:s22+$0x20]  }
0x224: {  	v1 =	vand.u32 $0x7FFFFFFF, v1;
	v4 =	vadd.f32 v4, v7;
	v7 =	vsub.f32 v6, v10;
	v10 =	vld [tilespmem:s24+$0x10]  }
0x225: {  	v12 =	vand.u32 $0x7FFFFFFF, v12;
	v1 =	vadd.f32 v1, v2;
	v2 =	vsub.f32 v8, v13;
	v8 =	vld [tilespmem:s22+$0x30]  }
0x226: {  	v4 =	vadd.f32 v12, v4;
	v7 =	vand.u32 $0x7FFFFFFF, v7;
	v11 =	vsub.f32 v9, v11;
	v12 =	vld [tilespmem:s24+$0x20]  }
0x227: {  	v2 =	vand.u32 $0x7FFFFFFF, v2;
	v1 =	vadd.f32 v7, v1;
	v6 =	vsub.f32 v6, v14  }
0x228: {  	v2 =	vadd.f32 v2, v4;
	v4 =	vand.u32 $0x7FFFFFFF, v11;
	v3 =	vsub.f32 v5, v3;
	v7 =	vld [tilespmem:s24+$0x30]  }
0x229: {  	v6 =	vand.u32 $0x7FFFFFFF, v6;
	v1 =	vadd.f32 v4, v1;
	v4 =	vsub.f32 v9, v10  }
0x22a: {  	v2 =	vadd.f32 v6, v2;
	v3 =	vand.u32 $0x7FFFFFFF, v3;
	v6 =	vsub.f32 v0, v8  }
0x22b: {  	v4 =	vand.u32 $0x7FFFFFFF, v4;
	v1 =	vadd.f32 v3, v1;
	v3 =	vsub.f32 v5, v12  }
0x22c: {  	v2 =	vadd.f32 v4, v2;
	v4 =	vand.u32 $0x7FFFFFFF, v6  }
0x22d: {  	v3 =	vand.u32 $0x7FFFFFFF, v3;
	v1 =	vadd.f32 v4, v1;
	v0 =	vsub.f32 v0, v7  }
0x22e: {  	v2 =	vadd.f32 v3, v2  }
0x22f: {  	v0 =	vand.u32 $0x7FFFFFFF, v0;
	(xrf2) =	vadd.scan.msk.f32 $0xffff, v1  }
0x230: {  	v0 =	vadd.f32 v0, v2;
	_ =	sdelay $0x1  }
0x231: {  	(xrf2) =	vadd.scan.msk.f32 $0xffff, v0;
	_ =	sdelay $0x4  }
0x232: {  	v0 =	vmov s3;
	s3 =	smov.u32 s15;
	_ =	sdelay $0x1  }
0x233: {  	v1, _, _ =	vpop (xrf2);
	_ =	sdelay $0x2  }
0x234: {  	[tilespmem:v0+s30+$0x0] =	vst.idx.msk vm0, v1;
	v1, _, _ =	vpop (xrf2)  }
0x235: {  	s22 =	sadd.s32 $0x80, s22;
	[tilespmem:v0+s31+$0x0] =	vst.idx.msk vm0, v1  }
0x236: {  	v1 =	vld [tilespmem:s22+$0xFFFFFFF0]  }
0x237: {  	s13 =	sadd.s32 $0x80, s13;
	v2 =	vld [tilespmem:s22+$0xFFFFFFE0]  }
0x238: {  	s14 =	sadd.s32 $0x80, s14;
	v0 =	vld [tilespmem:s13+$0x30]  }
0x239: {  	v19 =	vld [tilespmem:s14+$0x30]  }
0x23a: {  	v3 =	vld [tilespmem:s22+$0xFFFFFFC0]  }
0x23b: {  	v4 =	vld [tilespmem:s22+$0xFFFFFFD0]  }
0x23c: {  	v5 =	vld [tilespmem:s13+$0x20]  }
0x23d: {  	v7 =	vld [tilespmem:s14+$0x20]  }
0x23e: {  	v9 =	vld [tilespmem:s13+$0x10]  }
0x23f: {  	v11 =	vld [tilespmem:s14+$0x10]  }
0x240: {  	v6 =	vld [tilespmem:s13+$0x0]  }
0x241: {  	v8 =	vld [tilespmem:s14+$0x0]  }
0x242: {  	v12 =	vld [tilespmem:s13+$0xFFFFFFE0]  }
0x243: {  	v14 =	vld [tilespmem:s13+$0xFFFFFFC0]  }
0x244: {  	v16 =	vld [tilespmem:s14+$0xFFFFFFC0]  }
.Ltmp4:
0x245: {  	v15 =	vld [tilespmem:s13+$0xFFFFFFD0];
	(pc) =	sbr.rel @p0 .LBB2_10-.Ltmp4, $4  }
0x246: {  	v18 =	vld [tilespmem:s14+$0xFFFFFFD0]  }
0x247: {  	v17 =	vld [tilespmem:s14+$0xFFFFFFE0]  }
0x248: {  	v10 =	vld [tilespmem:s13+$0xFFFFFFF0]  }
0x249: {  	s24 =	sadd.s32 $0x80, s24;
	s15 =	sadd.s32 $0x1, s15;
	v0 =	vadd.f32 v0, v19;
	v13 =	vld [tilespmem:s14+$0xFFFFFFF0]  }
0x24a: {  	v19 =	vld [tilespmem:s24+$0xFFFFFFC0]  }
0x24b: {  	v14 =	vadd.f32 v14, v16;
	v16 =	vld [tilespmem:s24+$0xFFFFFFD0]  }
0x24c: {  	v9 =	vadd.f32 v9, v11;
	v11 =	vadd.f32 v15, v18  }
0x24d: {  	v15 =	vld [tilespmem:s24+$0xFFFFFFE0];
	v12 =	vadd.f32 v12, v17;
	v3 =	vsub.f32 v14, v3  }
0x24e: {  	v5 =	vadd.f32 v5, v7;
	v4 =	vsub.f32 v11, v4  }
0x24f: {  	v6 =	vadd.f32 v6, v8;
	v7 =	vld [tilespmem:s24+$0xFFFFFFF0];
	v2 =	vsub.f32 v12, v2;
	v3 =	vand.u32 $0x7FFFFFFF, v3  }
0x250: {  	v8 =	vld [tilespmem:s22+$0x0];
	v14 =	vsub.f32 v14, v19;
	v4 =	vand.u32 $0x7FFFFFFF, v4;
	v11 =	vsub.f32 v11, v16  }
0x251: {  	v10 =	vadd.f32 v10, v13;
	v3 =	vadd.f32 v4, v3;
	v4 =	vld [tilespmem:s24+$0x0]  }
0x252: {  	v13 =	vld [tilespmem:s22+$0x10];
	v12 =	vsub.f32 v12, v15;
	v14 =	vand.u32 $0x7FFFFFFF, v14;
	v11 =	vand.u32 $0x7FFFFFFF, v11  }
0x253: {  	v2 =	vand.u32 $0x7FFFFFFF, v2;
	v1 =	vsub.f32 v10, v1;
	v11 =	vadd.f32 v11, v14;
	v14 =	vld [tilespmem:s24+$0x10]  }
0x254: {  	v7 =	vsub.f32 v10, v7;
	v2 =	vadd.f32 v2, v3;
	v3 =	vld [tilespmem:s22+$0x20];
	v12 =	vand.u32 $0x7FFFFFFF, v12  }
0x255: {  	v8 =	vsub.f32 v6, v8;
	v1 =	vand.u32 $0x7FFFFFFF, v1;
	v10 =	vadd.f32 v12, v11;
	v11 =	vld [tilespmem:s24+$0x20]  }
0x256: {  	v7 =	vand.u32 $0x7FFFFFFF, v7;
	v1 =	vadd.f32 v1, v2;
	v2 =	vld [tilespmem:s22+$0x30];
	v4 =	vsub.f32 v6, v4  }
0x257: {  	v6 =	vand.u32 $0x7FFFFFFF, v8;
	v8 =	vsub.f32 v9, v13;
	v7 =	vadd.f32 v7, v10;
	v10 =	vld [tilespmem:s24+$0x30]  }
0x258: {  	v1 =	vadd.f32 v6, v1;
	v4 =	vand.u32 $0x7FFFFFFF, v4;
	v6 =	vsub.f32 v9, v14  }
0x259: {  	v8 =	vand.u32 $0x7FFFFFFF, v8;
	v3 =	vsub.f32 v5, v3;
	v4 =	vadd.f32 v4, v7  }
0x25a: {  	v1 =	vadd.f32 v8, v1;
	v6 =	vand.u32 $0x7FFFFFFF, v6;
	v5 =	vsub.f32 v5, v11  }
0x25b: {  	v3 =	vand.u32 $0x7FFFFFFF, v3;
	v2 =	vsub.f32 v0, v2;
	v4 =	vadd.f32 v6, v4  }
0x25c: {  	v1 =	vadd.f32 v3, v1;
	v3 =	vand.u32 $0x7FFFFFFF, v5;
	v0 =	vsub.f32 v0, v10  }
0x25d: {  	v2 =	vand.u32 $0x7FFFFFFF, v2;
	v3 =	vadd.f32 v3, v4  }
0x25e: {  	v1 =	vadd.f32 v2, v1;
	v0 =	vand.u32 $0x7FFFFFFF, v0  }
0x25f: {  	v0 =	vadd.f32 v0, v3  }
0x260: {  	(xrf2) =	vadd.scan.msk.f32 $0xffff, v1  }
0x261: {  	(xrf2) =	vadd.scan.msk.f32 $0xffff, v0;
	_ =	sdelay $0x4  }
0x262: {  	v0 =	vmov s3;
	_ =	sdelay $0x3  }
0x263: {  	v1, _, _ =	vpop (xrf2)  }
0x264: {  	[tilespmem:v0+s30+$0x0] =	vst.idx.msk vm0, v1;
	v1, _, _ =	vpop (xrf2)  }
0x265: {  	s14 =	simm.s32 $0x180;
	[tilespmem:v0+s31+$0x0] =	vst.idx.msk vm0, v1  }
0x266: {  	[tilespmem:s17], [sflag:$0x1] =	stream.indirect.gather [hbm4b:s0+s16], $0x80, s14, s16, $0xb8;
	[tilespmem:$0x10C00] =	vst v63  }
0x267: {  	s15 =	simm.s32 $0x380  }
0x268: {  	[tilespmem:s18], [sflag:$0x1] =	stream.indirect.gather [hbm4b:s1+s16], $0x80, s15, s16, $0xb8;
	[tilespmem:$0x10C00] =	vst v63  }
0x269: {  	s22 =	simm.s32 $0x580  }
0x26a: {  	[tilespmem:s19], [sflag:$0x1] =	stream.indirect.gather [hbm4b:s0+s16], $0x80, s22, s16, $0xb8;
	[tilespmem:$0x10C00] =	vst v63  }
0x26b: {  	s24 =	simm.s32 $0x780  }
0x26c: {  	[tilespmem:s20], [sflag:$0x1] =	stream.indirect.gather [hbm4b:s0+s16], $0x80, s24, s16, $0xb8;
	[tilespmem:$0x10C00] =	vst v63  }
0x26d: {  	_ =	swait.ge [sflag:s26], $0x2000  }
0x26e: {  	[sflag:s26] =	ssyncset.done $0x0  }
0x26f: {  	[sflag:s26] =	ssyncadd.s32 $0xFFFFE000  }
0x270: {  	_ =	swait.ge [sflag:s26], $0x2000  }
0x271: {  	[sflag:s26] =	ssyncset.done $0x0  }
0x272: {  	[sflag:s26] =	ssyncadd.s32 $0xFFFFE000  }
0x273: {  	_ =	swait.ge [sflag:s26], $0x2000  }
0x274: {  	[sflag:s26] =	ssyncset.done $0x0  }
0x275: {  	[sflag:s26] =	ssyncadd.s32 $0xFFFFE000  }
0x276: {  	_ =	swait.ge [sflag:s26], $0x2000  }
0x277: {  	[sflag:s26] =	ssyncset.done $0x0  }
0x278: {  	s22 =	simm.s32 $0xC840;
	[sflag:s26] =	ssyncadd.s32 $0xFFFFE000  }
0x279: {  	v1 =	vld [tilespmem:s22+$0xFFFFFFF0]  }
0x27a: {  	s13 =	simm.s32 $0xA840;
	v2 =	vld [tilespmem:s22+$0xFFFFFFE0]  }
0x27b: {  	s14 =	simm.s32 $0x8840;
	v0 =	vld [tilespmem:s13+$0x30]  }
0x27c: {  	v19 =	vld [tilespmem:s14+$0x30]  }
0x27d: {  	v3 =	vld [tilespmem:s22+$0xFFFFFFC0]  }
0x27e: {  	v4 =	vld [tilespmem:s22+$0xFFFFFFD0]  }
0x27f: {  	v5 =	vld [tilespmem:s13+$0x20]  }
0x280: {  	v7 =	vld [tilespmem:s14+$0x20]  }
0x281: {  	v9 =	vld [tilespmem:s13+$0x10]  }
0x282: {  	v11 =	vld [tilespmem:s14+$0x10]  }
0x283: {  	v6 =	vld [tilespmem:s13+$0x0]  }
0x284: {  	v8 =	vld [tilespmem:s14+$0x0]  }
0x285: {  	v12 =	vld [tilespmem:s13+$0xFFFFFFE0]  }
0x286: {  	v14 =	vld [tilespmem:s13+$0xFFFFFFC0]  }
0x287: {  	v16 =	vld [tilespmem:s14+$0xFFFFFFC0]  }
0x288: {  	v15 =	vld [tilespmem:s13+$0xFFFFFFD0]  }
0x289: {  	v18 =	vld [tilespmem:s14+$0xFFFFFFD0]  }
0x28a: {  	v17 =	vld [tilespmem:s14+$0xFFFFFFE0]  }
0x28b: {  	v10 =	vld [tilespmem:s13+$0xFFFFFFF0]  }
0x28c: {  	s3 =	simm.s32 $0x140;
	s15 =	simm.s32 $0x141;
	s24 =	simm.s32 $0xE840;
	v13 =	vld [tilespmem:s14+$0xFFFFFFF0];
	v0 =	vadd.f32 v0, v19  }
.LBB2_12:
0x28d: {  	p0 =	sne.s32 s15, $0x17F;
	v19 =	vld [tilespmem:s24+$0xFFFFFFC0];
	v9 =	vadd.f32 v9, v11;
	v5 =	vadd.f32 v5, v7  }
0x28e: {  	v7 =	vadd.f32 v14, v16;
	v11 =	vadd.f32 v15, v18;
	v14 =	vld [tilespmem:s24+$0xFFFFFFD0]  }
0x28f: {  	v6 =	vadd.f32 v6, v8;
	v12 =	vadd.f32 v12, v17;
	v15 =	vld [tilespmem:s24+$0xFFFFFFE0]  }
0x290: {  	v3 =	vsub.f32 v7, v3;
	v4 =	vsub.f32 v11, v4  }
0x291: {  	v2 =	vsub.f32 v12, v2;
	v8 =	vadd.f32 v10, v13;
	v10 =	vld [tilespmem:s22+$0x0]  }
0x292: {  	v3 =	vand.u32 $0x7FFFFFFF, v3;
	v7 =	vsub.f32 v7, v19;
	v4 =	vand.u32 $0x7FFFFFFF, v4;
	v13 =	vld [tilespmem:s24+$0xFFFFFFF0]  }
0x293: {  	v3 =	vadd.f32 v4, v3;
	v4 =	vsub.f32 v11, v14;
	v11 =	vld [tilespmem:s22+$0x10]  }
0x294: {  	v2 =	vand.u32 $0x7FFFFFFF, v2;
	v1 =	vsub.f32 v8, v1;
	v12 =	vsub.f32 v12, v15;
	v14 =	vld [tilespmem:s24+$0x0]  }
0x295: {  	v7 =	vand.u32 $0x7FFFFFFF, v7;
	v4 =	vand.u32 $0x7FFFFFFF, v4;
	v2 =	vadd.f32 v2, v3;
	v3 =	vld [tilespmem:s22+$0x20]  }
0x296: {  	v1 =	vand.u32 $0x7FFFFFFF, v1;
	v4 =	vadd.f32 v4, v7;
	v7 =	vsub.f32 v6, v10;
	v10 =	vld [tilespmem:s24+$0x10]  }
0x297: {  	v12 =	vand.u32 $0x7FFFFFFF, v12;
	v1 =	vadd.f32 v1, v2;
	v2 =	vsub.f32 v8, v13;
	v8 =	vld [tilespmem:s22+$0x30]  }
0x298: {  	v4 =	vadd.f32 v12, v4;
	v7 =	vand.u32 $0x7FFFFFFF, v7;
	v11 =	vsub.f32 v9, v11;
	v12 =	vld [tilespmem:s24+$0x20]  }
0x299: {  	v2 =	vand.u32 $0x7FFFFFFF, v2;
	v1 =	vadd.f32 v7, v1;
	v6 =	vsub.f32 v6, v14  }
0x29a: {  	v2 =	vadd.f32 v2, v4;
	v4 =	vand.u32 $0x7FFFFFFF, v11;
	v3 =	vsub.f32 v5, v3;
	v7 =	vld [tilespmem:s24+$0x30]  }
0x29b: {  	v6 =	vand.u32 $0x7FFFFFFF, v6;
	v1 =	vadd.f32 v4, v1;
	v4 =	vsub.f32 v9, v10  }
0x29c: {  	v2 =	vadd.f32 v6, v2;
	v3 =	vand.u32 $0x7FFFFFFF, v3;
	v6 =	vsub.f32 v0, v8  }
0x29d: {  	v4 =	vand.u32 $0x7FFFFFFF, v4;
	v1 =	vadd.f32 v3, v1;
	v3 =	vsub.f32 v5, v12  }
0x29e: {  	v2 =	vadd.f32 v4, v2;
	v4 =	vand.u32 $0x7FFFFFFF, v6  }
0x29f: {  	v3 =	vand.u32 $0x7FFFFFFF, v3;
	v1 =	vadd.f32 v4, v1;
	v0 =	vsub.f32 v0, v7  }
0x2a0: {  	v2 =	vadd.f32 v3, v2  }
0x2a1: {  	v0 =	vand.u32 $0x7FFFFFFF, v0;
	(xrf2) =	vadd.scan.msk.f32 $0xffff, v1  }
0x2a2: {  	v0 =	vadd.f32 v0, v2;
	_ =	sdelay $0x1  }
0x2a3: {  	(xrf2) =	vadd.scan.msk.f32 $0xffff, v0;
	_ =	sdelay $0x4  }
0x2a4: {  	v0 =	vmov s3;
	s3 =	smov.u32 s15;
	_ =	sdelay $0x1  }
0x2a5: {  	v1, _, _ =	vpop (xrf2);
	_ =	sdelay $0x2  }
0x2a6: {  	[tilespmem:v0+s30+$0x0] =	vst.idx.msk vm0, v1;
	v1, _, _ =	vpop (xrf2)  }
0x2a7: {  	s22 =	sadd.s32 $0x80, s22;
	[tilespmem:v0+s31+$0x0] =	vst.idx.msk vm0, v1  }
0x2a8: {  	v1 =	vld [tilespmem:s22+$0xFFFFFFF0]  }
0x2a9: {  	s13 =	sadd.s32 $0x80, s13;
	v2 =	vld [tilespmem:s22+$0xFFFFFFE0]  }
0x2aa: {  	s14 =	sadd.s32 $0x80, s14;
	v0 =	vld [tilespmem:s13+$0x30]  }
0x2ab: {  	v19 =	vld [tilespmem:s14+$0x30]  }
0x2ac: {  	v3 =	vld [tilespmem:s22+$0xFFFFFFC0]  }
0x2ad: {  	v4 =	vld [tilespmem:s22+$0xFFFFFFD0]  }
0x2ae: {  	v5 =	vld [tilespmem:s13+$0x20]  }
0x2af: {  	v7 =	vld [tilespmem:s14+$0x20]  }
0x2b0: {  	v9 =	vld [tilespmem:s13+$0x10]  }
0x2b1: {  	v11 =	vld [tilespmem:s14+$0x10]  }
0x2b2: {  	v6 =	vld [tilespmem:s13+$0x0]  }
0x2b3: {  	v8 =	vld [tilespmem:s14+$0x0]  }
0x2b4: {  	v12 =	vld [tilespmem:s13+$0xFFFFFFE0]  }
0x2b5: {  	v14 =	vld [tilespmem:s13+$0xFFFFFFC0]  }
0x2b6: {  	v16 =	vld [tilespmem:s14+$0xFFFFFFC0]  }
.Ltmp5:
0x2b7: {  	v15 =	vld [tilespmem:s13+$0xFFFFFFD0];
	(pc) =	sbr.rel @p0 .LBB2_12-.Ltmp5, $4  }
0x2b8: {  	v18 =	vld [tilespmem:s14+$0xFFFFFFD0]  }
0x2b9: {  	v17 =	vld [tilespmem:s14+$0xFFFFFFE0]  }
0x2ba: {  	v10 =	vld [tilespmem:s13+$0xFFFFFFF0]  }
0x2bb: {  	s24 =	sadd.s32 $0x80, s24;
	s15 =	sadd.s32 $0x1, s15;
	v0 =	vadd.f32 v0, v19;
	v13 =	vld [tilespmem:s14+$0xFFFFFFF0]  }
0x2bc: {  	v19 =	vld [tilespmem:s24+$0xFFFFFFC0]  }
0x2bd: {  	v14 =	vadd.f32 v14, v16;
	v16 =	vld [tilespmem:s24+$0xFFFFFFD0]  }
0x2be: {  	v9 =	vadd.f32 v9, v11;
	v11 =	vadd.f32 v15, v18  }
0x2bf: {  	v15 =	vld [tilespmem:s24+$0xFFFFFFE0];
	v12 =	vadd.f32 v12, v17;
	v3 =	vsub.f32 v14, v3  }
0x2c0: {  	v5 =	vadd.f32 v5, v7;
	v4 =	vsub.f32 v11, v4  }
0x2c1: {  	v6 =	vadd.f32 v6, v8;
	v7 =	vld [tilespmem:s24+$0xFFFFFFF0];
	v2 =	vsub.f32 v12, v2;
	v3 =	vand.u32 $0x7FFFFFFF, v3  }
0x2c2: {  	v8 =	vld [tilespmem:s22+$0x0];
	v14 =	vsub.f32 v14, v19;
	v4 =	vand.u32 $0x7FFFFFFF, v4;
	v11 =	vsub.f32 v11, v16  }
0x2c3: {  	v10 =	vadd.f32 v10, v13;
	v3 =	vadd.f32 v4, v3;
	v4 =	vld [tilespmem:s24+$0x0]  }
0x2c4: {  	v13 =	vld [tilespmem:s22+$0x10];
	v12 =	vsub.f32 v12, v15;
	v14 =	vand.u32 $0x7FFFFFFF, v14;
	v11 =	vand.u32 $0x7FFFFFFF, v11  }
0x2c5: {  	v2 =	vand.u32 $0x7FFFFFFF, v2;
	v1 =	vsub.f32 v10, v1;
	v11 =	vadd.f32 v11, v14;
	v14 =	vld [tilespmem:s24+$0x10]  }
0x2c6: {  	v7 =	vsub.f32 v10, v7;
	v2 =	vadd.f32 v2, v3;
	v3 =	vld [tilespmem:s22+$0x20];
	v12 =	vand.u32 $0x7FFFFFFF, v12  }
0x2c7: {  	v8 =	vsub.f32 v6, v8;
	v1 =	vand.u32 $0x7FFFFFFF, v1;
	v10 =	vadd.f32 v12, v11;
	v11 =	vld [tilespmem:s24+$0x20]  }
0x2c8: {  	v7 =	vand.u32 $0x7FFFFFFF, v7;
	v1 =	vadd.f32 v1, v2;
	v2 =	vld [tilespmem:s22+$0x30];
	v4 =	vsub.f32 v6, v4  }
0x2c9: {  	v6 =	vand.u32 $0x7FFFFFFF, v8;
	v8 =	vsub.f32 v9, v13;
	v7 =	vadd.f32 v7, v10;
	v10 =	vld [tilespmem:s24+$0x30]  }
0x2ca: {  	v1 =	vadd.f32 v6, v1;
	v4 =	vand.u32 $0x7FFFFFFF, v4;
	v6 =	vsub.f32 v9, v14  }
0x2cb: {  	v8 =	vand.u32 $0x7FFFFFFF, v8;
	v3 =	vsub.f32 v5, v3;
	v4 =	vadd.f32 v4, v7  }
0x2cc: {  	v1 =	vadd.f32 v8, v1;
	v6 =	vand.u32 $0x7FFFFFFF, v6;
	v5 =	vsub.f32 v5, v11  }
0x2cd: {  	v3 =	vand.u32 $0x7FFFFFFF, v3;
	v2 =	vsub.f32 v0, v2;
	v4 =	vadd.f32 v6, v4  }
0x2ce: {  	v1 =	vadd.f32 v3, v1;
	v3 =	vand.u32 $0x7FFFFFFF, v5;
	v0 =	vsub.f32 v0, v10  }
0x2cf: {  	v2 =	vand.u32 $0x7FFFFFFF, v2;
	v3 =	vadd.f32 v3, v4  }
0x2d0: {  	v1 =	vadd.f32 v2, v1;
	v0 =	vand.u32 $0x7FFFFFFF, v0  }
0x2d1: {  	v0 =	vadd.f32 v0, v3  }
0x2d2: {  	(xrf2) =	vadd.scan.msk.f32 $0xffff, v1  }
0x2d3: {  	(xrf2) =	vadd.scan.msk.f32 $0xffff, v0;
	_ =	sdelay $0x4  }
0x2d4: {  	v0 =	vmov s3;
	_ =	sdelay $0x3  }
0x2d5: {  	v1, _, _ =	vpop (xrf2)  }
0x2d6: {  	[tilespmem:v0+s30+$0x0] =	vst.idx.msk vm0, v1;
	v1, _, _ =	vpop (xrf2)  }
0x2d7: {  	s14 =	simm.s32 $0x1C0;
	[tilespmem:v0+s31+$0x0] =	vst.idx.msk vm0, v1  }
0x2d8: {  	[tilespmem:s21], [sflag:$0x2] =	stream.indirect.gather [hbm4b:s0+s16], $0x80, s14, s16, $0xb8;
	[tilespmem:$0x10C00] =	vst v63  }
0x2d9: {  	s15 =	simm.s32 $0x3C0  }
0x2da: {  	[tilespmem:s23], [sflag:$0x2] =	stream.indirect.gather [hbm4b:s1+s16], $0x80, s15, s16, $0xb8;
	[tilespmem:$0x10C00] =	vst v63  }
0x2db: {  	s22 =	simm.s32 $0x5C0  }
0x2dc: {  	[tilespmem:s25], [sflag:$0x2] =	stream.indirect.gather [hbm4b:s0+s16], $0x80, s22, s16, $0xb8;
	[tilespmem:$0x10C00] =	vst v63  }
0x2dd: {  	s24 =	simm.s32 $0x7C0  }
0x2de: {  	[tilespmem:s28], [sflag:$0x2] =	stream.indirect.gather [hbm4b:s0+s16], $0x80, s24, s16, $0xb8;
	[tilespmem:$0x10C00] =	vst v63  }
0x2df: {  	_ =	swait.ge [sflag:s29], $0x2000  }
0x2e0: {  	[sflag:s29] =	ssyncset.done $0x0  }
0x2e1: {  	[sflag:s29] =	ssyncadd.s32 $0xFFFFE000  }
0x2e2: {  	_ =	swait.ge [sflag:s29], $0x2000  }
0x2e3: {  	[sflag:s29] =	ssyncset.done $0x0  }
0x2e4: {  	[sflag:s29] =	ssyncadd.s32 $0xFFFFE000  }
0x2e5: {  	_ =	swait.ge [sflag:s29], $0x2000  }
0x2e6: {  	[sflag:s29] =	ssyncset.done $0x0  }
0x2e7: {  	[sflag:s29] =	ssyncadd.s32 $0xFFFFE000  }
0x2e8: {  	_ =	swait.ge [sflag:s29], $0x2000  }
0x2e9: {  	[sflag:s29] =	ssyncset.done $0x0  }
0x2ea: {  	s22 =	simm.s32 $0x4840;
	[sflag:s29] =	ssyncadd.s32 $0xFFFFE000  }
0x2eb: {  	v1 =	vld [tilespmem:s22+$0xFFFFFFF0]  }
0x2ec: {  	s13 =	simm.s32 $0x2840;
	v2 =	vld [tilespmem:s22+$0xFFFFFFE0]  }
0x2ed: {  	s14 =	simm.s32 $0x840;
	v0 =	vld [tilespmem:s13+$0x30]  }
0x2ee: {  	v19 =	vld [tilespmem:s14+$0x30]  }
0x2ef: {  	v3 =	vld [tilespmem:s22+$0xFFFFFFC0]  }
0x2f0: {  	v4 =	vld [tilespmem:s22+$0xFFFFFFD0]  }
0x2f1: {  	v5 =	vld [tilespmem:s13+$0x20]  }
0x2f2: {  	v7 =	vld [tilespmem:s14+$0x20]  }
0x2f3: {  	v9 =	vld [tilespmem:s13+$0x10]  }
0x2f4: {  	v11 =	vld [tilespmem:s14+$0x10]  }
0x2f5: {  	v6 =	vld [tilespmem:s13+$0x0]  }
0x2f6: {  	v8 =	vld [tilespmem:s14+$0x0]  }
0x2f7: {  	v12 =	vld [tilespmem:s13+$0xFFFFFFE0]  }
0x2f8: {  	v14 =	vld [tilespmem:s13+$0xFFFFFFC0]  }
0x2f9: {  	v16 =	vld [tilespmem:s14+$0xFFFFFFC0]  }
0x2fa: {  	v15 =	vld [tilespmem:s13+$0xFFFFFFD0]  }
0x2fb: {  	v18 =	vld [tilespmem:s14+$0xFFFFFFD0]  }
0x2fc: {  	v17 =	vld [tilespmem:s14+$0xFFFFFFE0]  }
0x2fd: {  	v10 =	vld [tilespmem:s13+$0xFFFFFFF0]  }
0x2fe: {  	s3 =	simm.s32 $0x180;
	s15 =	simm.s32 $0x181;
	s24 =	simm.s32 $0x6840;
	v13 =	vld [tilespmem:s14+$0xFFFFFFF0];
	v0 =	vadd.f32 v0, v19  }
.LBB2_14:
0x2ff: {  	p0 =	sne.s32 s15, $0x1BF;
	v19 =	vld [tilespmem:s24+$0xFFFFFFC0];
	v9 =	vadd.f32 v9, v11;
	v5 =	vadd.f32 v5, v7  }
0x300: {  	v7 =	vadd.f32 v14, v16;
	v11 =	vadd.f32 v15, v18;
	v14 =	vld [tilespmem:s24+$0xFFFFFFD0]  }
0x301: {  	v6 =	vadd.f32 v6, v8;
	v12 =	vadd.f32 v12, v17;
	v15 =	vld [tilespmem:s24+$0xFFFFFFE0]  }
0x302: {  	v3 =	vsub.f32 v7, v3;
	v4 =	vsub.f32 v11, v4  }
0x303: {  	v2 =	vsub.f32 v12, v2;
	v8 =	vadd.f32 v10, v13;
	v10 =	vld [tilespmem:s22+$0x0]  }
0x304: {  	v3 =	vand.u32 $0x7FFFFFFF, v3;
	v7 =	vsub.f32 v7, v19;
	v4 =	vand.u32 $0x7FFFFFFF, v4;
	v13 =	vld [tilespmem:s24+$0xFFFFFFF0]  }
0x305: {  	v3 =	vadd.f32 v4, v3;
	v4 =	vsub.f32 v11, v14;
	v11 =	vld [tilespmem:s22+$0x10]  }
0x306: {  	v2 =	vand.u32 $0x7FFFFFFF, v2;
	v1 =	vsub.f32 v8, v1;
	v12 =	vsub.f32 v12, v15;
	v14 =	vld [tilespmem:s24+$0x0]  }
0x307: {  	v7 =	vand.u32 $0x7FFFFFFF, v7;
	v4 =	vand.u32 $0x7FFFFFFF, v4;
	v2 =	vadd.f32 v2, v3;
	v3 =	vld [tilespmem:s22+$0x20]  }
0x308: {  	v1 =	vand.u32 $0x7FFFFFFF, v1;
	v4 =	vadd.f32 v4, v7;
	v7 =	vsub.f32 v6, v10;
	v10 =	vld [tilespmem:s24+$0x10]  }
0x309: {  	v12 =	vand.u32 $0x7FFFFFFF, v12;
	v1 =	vadd.f32 v1, v2;
	v2 =	vsub.f32 v8, v13;
	v8 =	vld [tilespmem:s22+$0x30]  }
0x30a: {  	v4 =	vadd.f32 v12, v4;
	v7 =	vand.u32 $0x7FFFFFFF, v7;
	v11 =	vsub.f32 v9, v11;
	v12 =	vld [tilespmem:s24+$0x20]  }
0x30b: {  	v2 =	vand.u32 $0x7FFFFFFF, v2;
	v1 =	vadd.f32 v7, v1;
	v6 =	vsub.f32 v6, v14  }
0x30c: {  	v2 =	vadd.f32 v2, v4;
	v4 =	vand.u32 $0x7FFFFFFF, v11;
	v3 =	vsub.f32 v5, v3;
	v7 =	vld [tilespmem:s24+$0x30]  }
0x30d: {  	v6 =	vand.u32 $0x7FFFFFFF, v6;
	v1 =	vadd.f32 v4, v1;
	v4 =	vsub.f32 v9, v10  }
0x30e: {  	v2 =	vadd.f32 v6, v2;
	v3 =	vand.u32 $0x7FFFFFFF, v3;
	v6 =	vsub.f32 v0, v8  }
0x30f: {  	v4 =	vand.u32 $0x7FFFFFFF, v4;
	v1 =	vadd.f32 v3, v1;
	v3 =	vsub.f32 v5, v12  }
0x310: {  	v2 =	vadd.f32 v4, v2;
	v4 =	vand.u32 $0x7FFFFFFF, v6  }
0x311: {  	v3 =	vand.u32 $0x7FFFFFFF, v3;
	v1 =	vadd.f32 v4, v1;
	v0 =	vsub.f32 v0, v7  }
0x312: {  	v2 =	vadd.f32 v3, v2  }
0x313: {  	v0 =	vand.u32 $0x7FFFFFFF, v0;
	(xrf2) =	vadd.scan.msk.f32 $0xffff, v1  }
0x314: {  	v0 =	vadd.f32 v0, v2;
	_ =	sdelay $0x1  }
0x315: {  	(xrf2) =	vadd.scan.msk.f32 $0xffff, v0;
	_ =	sdelay $0x4  }
0x316: {  	v0 =	vmov s3;
	s3 =	smov.u32 s15;
	_ =	sdelay $0x1  }
0x317: {  	v1, _, _ =	vpop (xrf2);
	_ =	sdelay $0x2  }
0x318: {  	[tilespmem:v0+s30+$0x0] =	vst.idx.msk vm0, v1;
	v1, _, _ =	vpop (xrf2)  }
0x319: {  	s22 =	sadd.s32 $0x80, s22;
	[tilespmem:v0+s31+$0x0] =	vst.idx.msk vm0, v1  }
0x31a: {  	v1 =	vld [tilespmem:s22+$0xFFFFFFF0]  }
0x31b: {  	s13 =	sadd.s32 $0x80, s13;
	v2 =	vld [tilespmem:s22+$0xFFFFFFE0]  }
0x31c: {  	s14 =	sadd.s32 $0x80, s14;
	v0 =	vld [tilespmem:s13+$0x30]  }
0x31d: {  	v19 =	vld [tilespmem:s14+$0x30]  }
0x31e: {  	v3 =	vld [tilespmem:s22+$0xFFFFFFC0]  }
0x31f: {  	v4 =	vld [tilespmem:s22+$0xFFFFFFD0]  }
0x320: {  	v5 =	vld [tilespmem:s13+$0x20]  }
0x321: {  	v7 =	vld [tilespmem:s14+$0x20]  }
0x322: {  	v9 =	vld [tilespmem:s13+$0x10]  }
0x323: {  	v11 =	vld [tilespmem:s14+$0x10]  }
0x324: {  	v6 =	vld [tilespmem:s13+$0x0]  }
0x325: {  	v8 =	vld [tilespmem:s14+$0x0]  }
0x326: {  	v12 =	vld [tilespmem:s13+$0xFFFFFFE0]  }
0x327: {  	v14 =	vld [tilespmem:s13+$0xFFFFFFC0]  }
0x328: {  	v16 =	vld [tilespmem:s14+$0xFFFFFFC0]  }
.Ltmp6:
0x329: {  	v15 =	vld [tilespmem:s13+$0xFFFFFFD0];
	(pc) =	sbr.rel @p0 .LBB2_14-.Ltmp6, $4  }
0x32a: {  	v18 =	vld [tilespmem:s14+$0xFFFFFFD0]  }
0x32b: {  	v17 =	vld [tilespmem:s14+$0xFFFFFFE0]  }
0x32c: {  	v10 =	vld [tilespmem:s13+$0xFFFFFFF0]  }
0x32d: {  	s24 =	sadd.s32 $0x80, s24;
	s15 =	sadd.s32 $0x1, s15;
	v0 =	vadd.f32 v0, v19;
	v13 =	vld [tilespmem:s14+$0xFFFFFFF0]  }
0x32e: {  	v19 =	vld [tilespmem:s24+$0xFFFFFFC0]  }
0x32f: {  	v14 =	vadd.f32 v14, v16;
	v16 =	vld [tilespmem:s24+$0xFFFFFFD0]  }
0x330: {  	v9 =	vadd.f32 v9, v11;
	v11 =	vadd.f32 v15, v18  }
0x331: {  	v15 =	vld [tilespmem:s24+$0xFFFFFFE0];
	v12 =	vadd.f32 v12, v17;
	v3 =	vsub.f32 v14, v3  }
0x332: {  	v5 =	vadd.f32 v5, v7;
	v4 =	vsub.f32 v11, v4  }
0x333: {  	v6 =	vadd.f32 v6, v8;
	v7 =	vld [tilespmem:s24+$0xFFFFFFF0];
	v2 =	vsub.f32 v12, v2;
	v3 =	vand.u32 $0x7FFFFFFF, v3  }
0x334: {  	v8 =	vld [tilespmem:s22+$0x0];
	v14 =	vsub.f32 v14, v19;
	v4 =	vand.u32 $0x7FFFFFFF, v4;
	v11 =	vsub.f32 v11, v16  }
0x335: {  	v10 =	vadd.f32 v10, v13;
	v3 =	vadd.f32 v4, v3;
	v4 =	vld [tilespmem:s24+$0x0]  }
0x336: {  	v13 =	vld [tilespmem:s22+$0x10];
	v12 =	vsub.f32 v12, v15;
	v14 =	vand.u32 $0x7FFFFFFF, v14;
	v11 =	vand.u32 $0x7FFFFFFF, v11  }
0x337: {  	v2 =	vand.u32 $0x7FFFFFFF, v2;
	v1 =	vsub.f32 v10, v1;
	v11 =	vadd.f32 v11, v14;
	v14 =	vld [tilespmem:s24+$0x10]  }
0x338: {  	v7 =	vsub.f32 v10, v7;
	v2 =	vadd.f32 v2, v3;
	v3 =	vld [tilespmem:s22+$0x20];
	v12 =	vand.u32 $0x7FFFFFFF, v12  }
0x339: {  	v8 =	vsub.f32 v6, v8;
	v1 =	vand.u32 $0x7FFFFFFF, v1;
	v10 =	vadd.f32 v12, v11;
	v11 =	vld [tilespmem:s24+$0x20]  }
0x33a: {  	v7 =	vand.u32 $0x7FFFFFFF, v7;
	v1 =	vadd.f32 v1, v2;
	v2 =	vld [tilespmem:s22+$0x30];
	v4 =	vsub.f32 v6, v4  }
0x33b: {  	v6 =	vand.u32 $0x7FFFFFFF, v8;
	v8 =	vsub.f32 v9, v13;
	v7 =	vadd.f32 v7, v10;
	v10 =	vld [tilespmem:s24+$0x30]  }
0x33c: {  	v1 =	vadd.f32 v6, v1;
	v4 =	vand.u32 $0x7FFFFFFF, v4;
	v6 =	vsub.f32 v9, v14  }
0x33d: {  	v8 =	vand.u32 $0x7FFFFFFF, v8;
	v3 =	vsub.f32 v5, v3;
	v4 =	vadd.f32 v4, v7  }
0x33e: {  	v1 =	vadd.f32 v8, v1;
	v6 =	vand.u32 $0x7FFFFFFF, v6;
	v5 =	vsub.f32 v5, v11  }
0x33f: {  	v3 =	vand.u32 $0x7FFFFFFF, v3;
	v2 =	vsub.f32 v0, v2;
	v4 =	vadd.f32 v6, v4  }
0x340: {  	v1 =	vadd.f32 v3, v1;
	v3 =	vand.u32 $0x7FFFFFFF, v5;
	v0 =	vsub.f32 v0, v10  }
0x341: {  	v2 =	vand.u32 $0x7FFFFFFF, v2;
	v3 =	vadd.f32 v3, v4  }
0x342: {  	v1 =	vadd.f32 v2, v1;
	v0 =	vand.u32 $0x7FFFFFFF, v0  }
0x343: {  	v0 =	vadd.f32 v0, v3  }
0x344: {  	(xrf2) =	vadd.scan.msk.f32 $0xffff, v1  }
0x345: {  	(xrf2) =	vadd.scan.msk.f32 $0xffff, v0;
	_ =	sdelay $0x4  }
0x346: {  	v0 =	vmov s3;
	_ =	sdelay $0x3  }
0x347: {  	v1, _, _ =	vpop (xrf2)  }
0x348: {  	[tilespmem:v0+s30+$0x0] =	vst.idx.msk vm0, v1;
	v1, _, _ =	vpop (xrf2)  }
0x349: {  	[tilespmem:v0+s31+$0x0] =	vst.idx.msk vm0, v1  }
0x34a: {  	_ =	swait.ge [sflag:s26], $0x2000  }
0x34b: {  	[sflag:s26] =	ssyncset.done $0x0  }
0x34c: {  	[sflag:s26] =	ssyncadd.s32 $0xFFFFE000  }
0x34d: {  	_ =	swait.ge [sflag:s26], $0x2000  }
0x34e: {  	[sflag:s26] =	ssyncset.done $0x0  }
0x34f: {  	[sflag:s26] =	ssyncadd.s32 $0xFFFFE000  }
0x350: {  	_ =	swait.ge [sflag:s26], $0x2000  }
0x351: {  	[sflag:s26] =	ssyncset.done $0x0  }
0x352: {  	[sflag:s26] =	ssyncadd.s32 $0xFFFFE000  }
0x353: {  	_ =	swait.ge [sflag:s26], $0x2000  }
0x354: {  	[sflag:s26] =	ssyncset.done $0x0  }
0x355: {  	s22 =	simm.s32 $0xC840;
	[sflag:s26] =	ssyncadd.s32 $0xFFFFE000  }
0x356: {  	v1 =	vld [tilespmem:s22+$0xFFFFFFF0]  }
0x357: {  	s13 =	simm.s32 $0xA840;
	v2 =	vld [tilespmem:s22+$0xFFFFFFE0]  }
0x358: {  	s14 =	simm.s32 $0x8840;
	v0 =	vld [tilespmem:s13+$0x30]  }
0x359: {  	v19 =	vld [tilespmem:s14+$0x30]  }
0x35a: {  	v3 =	vld [tilespmem:s22+$0xFFFFFFC0]  }
0x35b: {  	v4 =	vld [tilespmem:s22+$0xFFFFFFD0]  }
0x35c: {  	v5 =	vld [tilespmem:s13+$0x20]  }
0x35d: {  	v7 =	vld [tilespmem:s14+$0x20]  }
0x35e: {  	v9 =	vld [tilespmem:s13+$0x10]  }
0x35f: {  	v11 =	vld [tilespmem:s14+$0x10]  }
0x360: {  	v6 =	vld [tilespmem:s13+$0x0]  }
0x361: {  	v8 =	vld [tilespmem:s14+$0x0]  }
0x362: {  	v12 =	vld [tilespmem:s13+$0xFFFFFFE0]  }
0x363: {  	v14 =	vld [tilespmem:s13+$0xFFFFFFC0]  }
0x364: {  	v16 =	vld [tilespmem:s14+$0xFFFFFFC0]  }
0x365: {  	v15 =	vld [tilespmem:s13+$0xFFFFFFD0]  }
0x366: {  	v18 =	vld [tilespmem:s14+$0xFFFFFFD0]  }
0x367: {  	v17 =	vld [tilespmem:s14+$0xFFFFFFE0]  }
0x368: {  	v10 =	vld [tilespmem:s13+$0xFFFFFFF0]  }
0x369: {  	s15 =	simm.s32 $0x1C1;
	s24 =	simm.s32 $0xE840;
	s3 =	simm.s32 $0x1C0;
	v13 =	vld [tilespmem:s14+$0xFFFFFFF0];
	v0 =	vadd.f32 v0, v19  }
.LBB2_16:
0x36a: {  	p0 =	sne.s32 s15, $0x1FF;
	v19 =	vld [tilespmem:s24+$0xFFFFFFC0];
	v9 =	vadd.f32 v9, v11;
	v5 =	vadd.f32 v5, v7  }
0x36b: {  	v7 =	vadd.f32 v14, v16;
	v11 =	vadd.f32 v15, v18;
	v14 =	vld [tilespmem:s24+$0xFFFFFFD0]  }
0x36c: {  	v6 =	vadd.f32 v6, v8;
	v12 =	vadd.f32 v12, v17;
	v15 =	vld [tilespmem:s24+$0xFFFFFFE0]  }
0x36d: {  	v3 =	vsub.f32 v7, v3;
	v4 =	vsub.f32 v11, v4  }
0x36e: {  	v2 =	vsub.f32 v12, v2;
	v8 =	vadd.f32 v10, v13;
	v10 =	vld [tilespmem:s22+$0x0]  }
0x36f: {  	v3 =	vand.u32 $0x7FFFFFFF, v3;
	v7 =	vsub.f32 v7, v19;
	v4 =	vand.u32 $0x7FFFFFFF, v4;
	v13 =	vld [tilespmem:s24+$0xFFFFFFF0]  }
0x370: {  	v3 =	vadd.f32 v4, v3;
	v4 =	vsub.f32 v11, v14;
	v11 =	vld [tilespmem:s22+$0x10]  }
0x371: {  	v2 =	vand.u32 $0x7FFFFFFF, v2;
	v1 =	vsub.f32 v8, v1;
	v12 =	vsub.f32 v12, v15;
	v14 =	vld [tilespmem:s24+$0x0]  }
0x372: {  	v7 =	vand.u32 $0x7FFFFFFF, v7;
	v4 =	vand.u32 $0x7FFFFFFF, v4;
	v2 =	vadd.f32 v2, v3;
	v3 =	vld [tilespmem:s22+$0x20]  }
0x373: {  	v1 =	vand.u32 $0x7FFFFFFF, v1;
	v4 =	vadd.f32 v4, v7;
	v7 =	vsub.f32 v6, v10;
	v10 =	vld [tilespmem:s24+$0x10]  }
0x374: {  	v12 =	vand.u32 $0x7FFFFFFF, v12;
	v1 =	vadd.f32 v1, v2;
	v2 =	vsub.f32 v8, v13;
	v8 =	vld [tilespmem:s22+$0x30]  }
0x375: {  	v4 =	vadd.f32 v12, v4;
	v7 =	vand.u32 $0x7FFFFFFF, v7;
	v11 =	vsub.f32 v9, v11;
	v12 =	vld [tilespmem:s24+$0x20]  }
0x376: {  	v2 =	vand.u32 $0x7FFFFFFF, v2;
	v1 =	vadd.f32 v7, v1;
	v6 =	vsub.f32 v6, v14  }
0x377: {  	v2 =	vadd.f32 v2, v4;
	v4 =	vand.u32 $0x7FFFFFFF, v11;
	v3 =	vsub.f32 v5, v3;
	v7 =	vld [tilespmem:s24+$0x30]  }
0x378: {  	v6 =	vand.u32 $0x7FFFFFFF, v6;
	v1 =	vadd.f32 v4, v1;
	v4 =	vsub.f32 v9, v10  }
0x379: {  	v2 =	vadd.f32 v6, v2;
	v3 =	vand.u32 $0x7FFFFFFF, v3;
	v6 =	vsub.f32 v0, v8  }
0x37a: {  	v4 =	vand.u32 $0x7FFFFFFF, v4;
	v1 =	vadd.f32 v3, v1;
	v3 =	vsub.f32 v5, v12  }
0x37b: {  	v2 =	vadd.f32 v4, v2;
	v4 =	vand.u32 $0x7FFFFFFF, v6  }
0x37c: {  	v3 =	vand.u32 $0x7FFFFFFF, v3;
	v1 =	vadd.f32 v4, v1;
	v0 =	vsub.f32 v0, v7  }
0x37d: {  	v2 =	vadd.f32 v3, v2  }
0x37e: {  	v0 =	vand.u32 $0x7FFFFFFF, v0;
	(xrf2) =	vadd.scan.msk.f32 $0xffff, v1  }
0x37f: {  	v0 =	vadd.f32 v0, v2;
	_ =	sdelay $0x1  }
0x380: {  	(xrf2) =	vadd.scan.msk.f32 $0xffff, v0;
	_ =	sdelay $0x4  }
0x381: {  	v0 =	vmov s3;
	s3 =	smov.u32 s15;
	_ =	sdelay $0x1  }
0x382: {  	v1, _, _ =	vpop (xrf2);
	_ =	sdelay $0x2  }
0x383: {  	[tilespmem:v0+s30+$0x0] =	vst.idx.msk vm0, v1;
	v1, _, _ =	vpop (xrf2)  }
0x384: {  	s22 =	sadd.s32 $0x80, s22;
	[tilespmem:v0+s31+$0x0] =	vst.idx.msk vm0, v1  }
0x385: {  	v1 =	vld [tilespmem:s22+$0xFFFFFFF0]  }
0x386: {  	s13 =	sadd.s32 $0x80, s13;
	v2 =	vld [tilespmem:s22+$0xFFFFFFE0]  }
0x387: {  	s14 =	sadd.s32 $0x80, s14;
	v0 =	vld [tilespmem:s13+$0x30]  }
0x388: {  	v19 =	vld [tilespmem:s14+$0x30]  }
0x389: {  	v3 =	vld [tilespmem:s22+$0xFFFFFFC0]  }
0x38a: {  	v4 =	vld [tilespmem:s22+$0xFFFFFFD0]  }
0x38b: {  	v5 =	vld [tilespmem:s13+$0x20]  }
0x38c: {  	v7 =	vld [tilespmem:s14+$0x20]  }
0x38d: {  	v9 =	vld [tilespmem:s13+$0x10]  }
0x38e: {  	v11 =	vld [tilespmem:s14+$0x10]  }
0x38f: {  	v6 =	vld [tilespmem:s13+$0x0]  }
0x390: {  	v8 =	vld [tilespmem:s14+$0x0]  }
0x391: {  	v12 =	vld [tilespmem:s13+$0xFFFFFFE0]  }
0x392: {  	v14 =	vld [tilespmem:s13+$0xFFFFFFC0]  }
0x393: {  	v16 =	vld [tilespmem:s14+$0xFFFFFFC0]  }
.Ltmp7:
0x394: {  	v15 =	vld [tilespmem:s13+$0xFFFFFFD0];
	(pc) =	sbr.rel @p0 .LBB2_16-.Ltmp7, $4  }
0x395: {  	v18 =	vld [tilespmem:s14+$0xFFFFFFD0]  }
0x396: {  	v17 =	vld [tilespmem:s14+$0xFFFFFFE0]  }
0x397: {  	v10 =	vld [tilespmem:s13+$0xFFFFFFF0]  }
0x398: {  	s24 =	sadd.s32 $0x80, s24;
	s15 =	sadd.s32 $0x1, s15;
	v0 =	vadd.f32 v0, v19;
	v13 =	vld [tilespmem:s14+$0xFFFFFFF0]  }
0x399: {  	v19 =	vld [tilespmem:s24+$0xFFFFFFC0]  }
0x39a: {  	v14 =	vadd.f32 v14, v16;
	v44 =	vld [tilespmem:s24+$0xFFFFFFD0]  }
0x39b: {  	v9 =	vadd.f32 v9, v11;
	v46 =	vld [tilespmem:s24+$0xFFFFFFE0];
	v5 =	vadd.f32 v5, v7  }
0x39c: {  	v45 =	vadd.f32 v15, v18;
	v12 =	vadd.f32 v12, v17  }
0x39d: {  	v6 =	vadd.f32 v6, v8;
	v3 =	vsub.f32 v14, v3  }
0x39e: {  	v47 =	vld [tilespmem:s24+$0xFFFFFFF0];
	v4 =	vsub.f32 v45, v4;
	v2 =	vsub.f32 v12, v2  }
0x39f: {  	v48 =	vld [tilespmem:s22+$0x0];
	v3 =	vand.u32 $0x7FFFFFFF, v3;
	v14 =	vsub.f32 v14, v19;
	v11 =	vsub.f32 v45, v44  }
0x3a0: {  	v49 =	vld [tilespmem:s24+$0x0];
	v10 =	vadd.f32 v10, v13;
	v4 =	vand.u32 $0x7FFFFFFF, v4;
	v12 =	vsub.f32 v12, v46  }
0x3a1: {  	v50 =	vld [tilespmem:s22+$0x10];
	v3 =	vadd.f32 v4, v3;
	v14 =	vand.u32 $0x7FFFFFFF, v14;
	v11 =	vand.u32 $0x7FFFFFFF, v11  }
0x3a2: {  	v51 =	vld [tilespmem:s24+$0x10];
	v2 =	vand.u32 $0x7FFFFFFF, v2;
	v1 =	vsub.f32 v10, v1;
	v11 =	vadd.f32 v11, v14  }
0x3a3: {  	v52 =	vld [tilespmem:s22+$0x20];
	v7 =	vsub.f32 v10, v47;
	v12 =	vand.u32 $0x7FFFFFFF, v12;
	v2 =	vadd.f32 v2, v3  }
0x3a4: {  	v54 =	vld [tilespmem:s24+$0x20];
	v8 =	vsub.f32 v6, v48;
	v1 =	vand.u32 $0x7FFFFFFF, v1;
	v53 =	vadd.f32 v12, v11  }
0x3a5: {  	v55 =	vld [tilespmem:s22+$0x30];
	v4 =	vsub.f32 v6, v49;
	v7 =	vand.u32 $0x7FFFFFFF, v7;
	v1 =	vadd.f32 v1, v2  }
0x3a6: {  	v58 =	vld [tilespmem:s24+$0x30];
	v57 =	vsub.f32 v9, v50;
	v56 =	vand.u32 $0x7FFFFFFF, v8;
	v7 =	vadd.f32 v7, v53  }
0x3a7: {  	v59 =	vsub.f32 v9, v51;
	v4 =	vand.u32 $0x7FFFFFFF, v4;
	v1 =	vadd.f32 v56, v1  }
0x3a8: {  	v8 =	vand.u32 $0x7FFFFFFF, v57;
	v3 =	vsub.f32 v5, v52;
	v4 =	vadd.f32 v4, v7  }
0x3a9: {  	v6 =	vand.u32 $0x7FFFFFFF, v59;
	v5 =	vsub.f32 v5, v54;
	v1 =	vadd.f32 v8, v1  }
0x3aa: {  	v3 =	vand.u32 $0x7FFFFFFF, v3;
	v2 =	vsub.f32 v0, v55;
	v4 =	vadd.f32 v6, v4  }
0x3ab: {  	v61 =	vsub.f32 v0, v58;
	v60 =	vand.u32 $0x7FFFFFFF, v5;
	v1 =	vadd.f32 v3, v1  }
0x3ac: {  	v2 =	vand.u32 $0x7FFFFFFF, v2;
	v3 =	vadd.f32 v60, v4  }
0x3ad: {  	v0 =	vand.u32 $0x7FFFFFFF, v61;
	v1 =	vadd.f32 v2, v1  }
0x3ae: {  	v0 =	vadd.f32 v0, v3  }
0x3af: {  	(xrf2) =	vadd.scan.msk.f32 $0xffff, v1  }
0x3b0: {  	(xrf2) =	vadd.scan.msk.f32 $0xffff, v0;
	_ =	sdelay $0x4  }
0x3b1: {  	v62 =	vmov s3;
	_ =	sdelay $0x3  }
0x3b2: {  	v1, _, _ =	vpop (xrf2)  }
0x3b3: {  	[tilespmem:v62+s30+$0x0] =	vst.idx.msk vm0, v1;
	v63, _, _ =	vpop (xrf2)  }
0x3b4: {  	[tilespmem:v62+s31+$0x0] =	vst.idx.msk vm0, v63  }
0x3b5: {  	[hbm4b:s9+s4] =	stream.linear.scatter [tilespmem:s30], [sflag:$0x3], $0x200, $0x38;
	[tilespmem:$0x10C00] =	vst v63  }
0x3b6: {  	s2 =	sadd.s32 $0x1, s2;
	_ =	swait.ge [sflag:s12], $0x200  }
0x3b7: {  	p0 =	sne.s32 s2, s11;
	[sflag:s12] =	ssyncset.done $0x0  }
.Ltmp8:
0x3b8: {  	[sflag:s12] =	ssyncadd.s32 $0xFFFFFE00;
	(pc) =	sbr.rel @p0 .LBB2_1-.Ltmp8, $4  }
0x3b9: {  	[hbm4b:s10+s4] =	stream.linear.scatter [tilespmem:s31], [sflag:$0x3], $0x200, $0x38;
	[tilespmem:$0x10C00] =	vst v63  }
0x3ba: {  	_ =	swait.ge [sflag:s12], $0x200  }
0x3bb: {  	[sflag:s12] =	ssyncset.done $0x0  }
0x3bc: {  	[sflag:s12] =	ssyncadd.s32 $0xFFFFFE00  }
0x3bd: {  	_ =	sfence.sel $0x180000  }
0x3be: {  	[bflag:$0x0] =	sbarrier.arrive $0xFFFF  }
0x3bf: {  	_ =	strace $0x90000047  }
0x3c0: {  	s0 =	stileid.u32;
	[bflag:$0x2] =	sbarrier.arrive $0xFFFF  }
0x3c1: {  	p0 =	sne.s32 s0, $0x0;
	s0 =	rddreg [dreg:$0x8]  }
0x3c2: {  	s0 =	sadd.s32 @!p0 $0x100000, s0  }
0x3c3: {  	[sflag:s0] =	ssyncadd.tile.s32 @!p0 $0x1;
	_ =	shalt  }
.Lfunc_end2:
_tile_overlayer_lowered:
.L_overlay_start_2:
0x3c4: {  	(tag) =	ssettag $0x2  }
0x3c5: {  	s0 =	rddreg [dreg:$0x0];
	s2 =	stileid.u32  }
0x3c6: {  	s1 =	rddreg [dreg:$0x1];
	p0 =	sne.s32 s2, $0x0  }
0x3c7: {  	s3 =	rddreg [dreg:$0x2];
	[bflag:$0x3] =	sbarrier.arrive $0xFFFF;
	s2 =	simm.s32 @!p0 $0x1C03  }
0x3c8: {  	[timem:s3], [sflag:s2] =	dma.local @!p0 [hbm:s0], s1  }
0x3c9: {  	s0 =	simm.s32 @!p0 $0x3  }
0x3ca: {  	_ =	swait.ge @!p0 [sflag:s0], s1  }
0x3cb: {  	s1 =	ssub.s32 @!p0 $0x0, s1;
	[sflag:s0] =	ssyncset.done @!p0 $0x0  }
0x3cc: {  	[sflag:s0] =	ssyncadd.s32 @!p0 s1  }
0x3cd: {  	[bflag:$0x3] =	sbarrier.arrive $0xFFFF  }
0x3ce: {  	_ =	shalt  }

</sc_bundles>
